<compile_context>
chip_gen: v7x
topology: tpu7x:2x2x1
jax: 0.10.2.dev20260603
libtpu: 0.0.44.dev20260713+nightly
codegen_flags: <defaults>
</compile_context>

<pallas_src>
import functools

import jax
import jax.numpy as jnp
from jax import lax
from jax.experimental import pallas as pl
from jax.experimental.pallas import tpu as pltpu
from jax.experimental.pallas import tpu_sc as plsc

NC, NS = 2, 16
NW = NC * NS

CHUNK = 400
NIB = 4
NRB = 2


def kernel(x, table):
    B, L = x.shape
    V, D = table.shape
    N = B * L
    W = 2 * D
    assert N % NW == 0
    pw = N // NW
    assert pw % CHUNK == 0 and CHUNK % L == 0
    G = pw // CHUNK
    assert G % NIB == 0 and G >= 3 * NIB
    rb = CHUNK // L

    mesh = plsc.VectorSubcoreMesh(
        core_axis_name="c", subcore_axis_name="s",
        num_cores=NC, num_subcores=NS,
    )

    scratch = (
        [pltpu.VMEM((CHUNK,), jnp.int32) for _ in range(NIB)]
        + [pltpu.VMEM((CHUNK, W), jnp.float32) for _ in range(NRB)]
        + [pltpu.SemaphoreType.DMA for _ in range(NIB + 2 * NRB)]
    )

    @functools.partial(
        pl.kernel,
        out_type=jax.ShapeDtypeStruct((B, L, W), jnp.float32),
        mesh=mesh,
        scratch_types=scratch,
    )
    def emb(idx_hbm, tab_hbm, out_hbm,
            i0, i1, i2, i3, r0, r1,
            si0, si1, si2, si3, sg0, sg1, so0, so1):
        idx_v = [i0, i1, i2, i3]
        rows_v = [r0, r1]
        i_sem = [si0, si1, si2, si3]
        g_sem = [sg0, sg1]
        o_sem = [so0, so1]

        wid = lax.axis_index("s") * NC + lax.axis_index("c")
        base = wid * pw

        def idx_cp(g, s):
            return pltpu.make_async_copy(
                idx_hbm.at[pl.ds(base + g * CHUNK, CHUNK)], idx_v[s], i_sem[s])

        def gat_cp(s, b):
            return pltpu.make_async_copy(tab_hbm.at[idx_v[s]], rows_v[b], g_sem[b])

        def out_cps(g, b):
            brow0 = (base + g * CHUNK) // L
            return [pltpu.make_async_copy(
                        rows_v[b].at[pl.ds(j * L, L)],
                        out_hbm.at[brow0 + j], o_sem[b])
                    for j in range(rb)]

        def out_start(g, b):
            for c in out_cps(g, b):
                c.start()

        def out_wait(g, b):
            for c in out_cps(g, b):
                c.wait()

        for s in range(NIB):
            idx_cp(s, s).start()
        idx_cp(0, 0).wait()
        gat_cp(0, 0).start()
        idx_cp(1, 1).wait()
        gat_cp(1, 1).start()
        gat_cp(0, 0).wait()
        out_start(0, 0)
        idx_cp(NIB, 0).start()

        def body(g, s, b, refill):
            idx_cp(g, s).wait()
            out_wait(g - NRB, b)
            gat_cp(s, b).start()
            gat_cp(1 - b, 1 - b).wait()
            out_start(g - 1, 1 - b)
            if refill:
                idx_cp(g + NIB - 1, (s - 1) % NIB).start()

        body(2, 2, 0, True)
        body(3, 3, 1, True)

        def quad(blk, carry):
            for j in range(NIB):
                body(blk * NIB + j, j, j % NRB, True)
            return carry

        lax.fori_loop(1, G // NIB - 1, quad, 0)

        for j in range(NIB):
            body(G - NIB + j, j, j % NRB, j == 0)
        gat_cp(NIB - 1, (G - 1) % NRB).wait()
        out_start(G - 1, (G - 1) % NRB)
        out_wait(G - 2, (G - 2) % NRB)
        out_wait(G - 1, (G - 1) % NRB)

    tab_p = jnp.concatenate(
        [table, jnp.zeros((V, W - D), jnp.float32)], axis=1)
    out3 = emb(x.reshape(N), tab_p)
    return out3[:, :, :D]

# --- scband reference (transcript-rebuilt; emitter-appended) ---
"""Pipeline reference for scband-embedding-input-6579889897550 (READ-ONLY COPY).

The authoritative reference and input builder live on the scoring server;
editing this copy changes nothing except your own understanding.
"""

import jax, jax.numpy as jnp
import numpy as np

VOCAB = 1000000
DIM = 64
B = 16384
L = 200

def setup_inputs(seed: int = 0) -> dict:
    key = jax.random.key(seed)
    k_idx, k_tab = jax.random.split(key)
    x = jax.random.randint(k_idx, (B, L), 0, VOCAB, dtype=jnp.int64 if jax.config.jax_enable_x64 else jnp.int32)
    # flax nn.Embed default init: normal(stddev=1.0) scaled -> default is normal(1.0); use standard normal scaled
    table = jax.random.normal(k_tab, (VOCAB, DIM), dtype=jnp.float32)
    return {"x": x, "table": table}

def reference(x, table):
    # Faithful to flax nn.Embed.__call__: gather rows of the embedding table
    return jnp.take(table, x, axis=0)

if __name__ == "__main__":
    import jax
    _d = setup_inputs()
    print(jax.jit(kernel)(*tuple(_d.values())))

</pallas_src>

<mosaic_0001>
#map = affine_map<(d0, d1) -> (0)>
#map1 = affine_map<(d0, d1) -> (0, 0)>
#map2 = affine_map<(d0, d1) -> (0, 0, 0)>
module attributes {stable_mosaic.version = 14 : i64} {
  func.func @emb(%arg0: i32, %arg1: i32, %arg2: memref<3276800xi32, #tpu.memory_space<hbm>>, %arg3: memref<1000000x128xf32, #tpu.memory_space<hbm>>, %arg4: memref<16384x200x128xf32, #tpu.memory_space<hbm>>, %arg5: memref<400xi32, #tpu.memory_space<vmem>>, %arg6: memref<400xi32, #tpu.memory_space<vmem>>, %arg7: memref<400xi32, #tpu.memory_space<vmem>>, %arg8: memref<400xi32, #tpu.memory_space<vmem>>, %arg9: memref<400x128xf32, #tpu.memory_space<vmem>>, %arg10: memref<400x128xf32, #tpu.memory_space<vmem>>, %arg11: memref<!tpu.dma_semaphore, #tpu.memory_space<semaphore_mem>>, %arg12: memref<!tpu.dma_semaphore, #tpu.memory_space<semaphore_mem>>, %arg13: memref<!tpu.dma_semaphore, #tpu.memory_space<semaphore_mem>>, %arg14: memref<!tpu.dma_semaphore, #tpu.memory_space<semaphore_mem>>, %arg15: memref<!tpu.dma_semaphore, #tpu.memory_space<semaphore_mem>>, %arg16: memref<!tpu.dma_semaphore, #tpu.memory_space<semaphore_mem>>, %arg17: memref<!tpu.dma_semaphore, #tpu.memory_space<semaphore_mem>>, %arg18: memref<!tpu.dma_semaphore, #tpu.memory_space<semaphore_mem>>) attributes {dimension_semantics = [#tpu.dimension_semantics<core_parallel>, #tpu.dimension_semantics<subcore_parallel>], iteration_bounds = array<i64: 2, 16>, scalar_prefetch = 0 : i64, scratch_operands = 14 : i64, tpu.core_type = #tpu.core_type<sc_vector_subcore>, window_params = [{transform_indices = #map}, {transform_indices = #map1}, {transform_indices = #map2}]} {
    %mul3A = arith.constant 2 : i32
    %mul3A_0 = arith.muli %arg1, %mul3A : i32
    %add3A = arith.addi %mul3A_0, %arg0 : i32
    %mul3A_1 = arith.constant 102400 : i32
    %mul3A_2 = arith.muli %add3A, %mul3A_1 : i32
    %add3A_3 = arith.constant 0 : i32
    %add3A_4 = arith.addi %mul3A_2, %add3A_3 : i32
    %dma_start3A = tpu.memref_slice %arg2[%add3A_4] : memref<3276800xi32, #tpu.memory_space<hbm>> -> memref<400xi32, #tpu.memory_space<hbm>>
    %dma_start3A_5 = tpu.memref_slice %arg2[%add3A_4] : memref<3276800xi32, #tpu.memory_space<hbm>> -> memref<400xi32, #tpu.memory_space<hbm>>
    tpu.enqueue_dma source(%dma_start3A_5 : memref<400xi32, #tpu.memory_space<hbm>>) target(%arg5 : memref<400xi32, #tpu.memory_space<vmem>>) target_semaphore(%arg11 : memref<!tpu.dma_semaphore, #tpu.memory_space<semaphore_mem>>)
    %add3A_6 = arith.constant 400 : i32
    %add3A_7 = arith.addi %mul3A_2, %add3A_6 : i32
    %dma_start3A_8 = tpu.memref_slice %arg2[%add3A_7] : memref<3276800xi32, #tpu.memory_space<hbm>> -> memref<400xi32, #tpu.memory_space<hbm>>
    %dma_start3A_9 = tpu.memref_slice %arg2[%add3A_7] : memref<3276800xi32, #tpu.memory_space<hbm>> -> memref<400xi32, #tpu.memory_space<hbm>>
    tpu.enqueue_dma source(%dma_start3A_9 : memref<400xi32, #tpu.memory_space<hbm>>) target(%arg6 : memref<400xi32, #tpu.memory_space<vmem>>) target_semaphore(%arg12 : memref<!tpu.dma_semaphore, #tpu.memory_space<semaphore_mem>>)
    %add3A_10 = arith.constant 800 : i32
    %add3A_11 = arith.addi %mul3A_2, %add3A_10 : i32
    %dma_start3A_12 = tpu.memref_slice %arg2[%add3A_11] : memref<3276800xi32, #tpu.memory_space<hbm>> -> memref<400xi32, #tpu.memory_space<hbm>>
    %dma_start3A_13 = tpu.memref_slice %arg2[%add3A_11] : memref<3276800xi32, #tpu.memory_space<hbm>> -> memref<400xi32, #tpu.memory_space<hbm>>
    tpu.enqueue_dma source(%dma_start3A_13 : memref<400xi32, #tpu.memory_space<hbm>>) target(%arg7 : memref<400xi32, #tpu.memory_space<vmem>>) target_semaphore(%arg13 : memref<!tpu.dma_semaphore, #tpu.memory_space<semaphore_mem>>)
    %add3A_14 = arith.constant 1200 : i32
    %add3A_15 = arith.addi %mul3A_2, %add3A_14 : i32
    %dma_start3A_16 = tpu.memref_slice %arg2[%add3A_15] : memref<3276800xi32, #tpu.memory_space<hbm>> -> memref<400xi32, #tpu.memory_space<hbm>>
    %dma_start3A_17 = tpu.memref_slice %arg2[%add3A_15] : memref<3276800xi32, #tpu.memory_space<hbm>> -> memref<400xi32, #tpu.memory_space<hbm>>
    tpu.enqueue_dma source(%dma_start3A_17 : memref<400xi32, #tpu.memory_space<hbm>>) target(%arg8 : memref<400xi32, #tpu.memory_space<vmem>>) target_semaphore(%arg14 : memref<!tpu.dma_semaphore, #tpu.memory_space<semaphore_mem>>)
    %add3A_18 = arith.constant 0 : i32
    %add3A_19 = arith.addi %mul3A_2, %add3A_18 : i32
    %dma_wait3A = tpu.memref_slice %arg2[%add3A_19] : memref<3276800xi32, #tpu.memory_space<hbm>> -> memref<400xi32, #tpu.memory_space<hbm>>
    %dma_wait3A_20 = tpu.memref_slice %arg2[%add3A_19] : memref<3276800xi32, #tpu.memory_space<hbm>> -> memref<400xi32, #tpu.memory_space<hbm>>
    tpu.wait_dma2 semaphore(%arg11 : memref<!tpu.dma_semaphore, #tpu.memory_space<semaphore_mem>>) src(%dma_wait3A_20 : memref<400xi32, #tpu.memory_space<hbm>>) dst(%arg5 : memref<400xi32, #tpu.memory_space<vmem>>)
    %dma_start3A_21 = arith.constant 0 : i32
    %dma_start3A_22 = arith.constant 0 : i32
    %dma_start3A_23 = tpu.memref_slice %arg3[%dma_start3A_21, %dma_start3A_22] : memref<1000000x128xf32, #tpu.memory_space<hbm>> -> memref<1000000x128xf32, #tpu.memory_space<hbm>>
    tpu.enqueue_indirect_dma source(%dma_start3A_23 : memref<1000000x128xf32, #tpu.memory_space<hbm>>) target(%arg9 : memref<400x128xf32, #tpu.memory_space<vmem>>) offsets(%arg5 : memref<400xi32, #tpu.memory_space<vmem>>) semaphore(%arg15 : memref<!tpu.dma_semaphore, #tpu.memory_space<semaphore_mem>>)
    %add3A_24 = arith.constant 400 : i32
    %add3A_25 = arith.addi %mul3A_2, %add3A_24 : i32
    %dma_wait3A_26 = tpu.memref_slice %arg2[%add3A_25] : memref<3276800xi32, #tpu.memory_space<hbm>> -> memref<400xi32, #tpu.memory_space<hbm>>
    %dma_wait3A_27 = tpu.memref_slice %arg2[%add3A_25] : memref<3276800xi32, #tpu.memory_space<hbm>> -> memref<400xi32, #tpu.memory_space<hbm>>
    tpu.wait_dma2 semaphore(%arg12 : memref<!tpu.dma_semaphore, #tpu.memory_space<semaphore_mem>>) src(%dma_wait3A_27 : memref<400xi32, #tpu.memory_space<hbm>>) dst(%arg6 : memref<400xi32, #tpu.memory_space<vmem>>)
    %dma_start3A_28 = arith.constant 0 : i32
    %dma_start3A_29 = arith.constant 0 : i32
    %dma_start3A_30 = tpu.memref_slice %arg3[%dma_start3A_28, %dma_start3A_29] : memref<1000000x128xf32, #tpu.memory_space<hbm>> -> memref<1000000x128xf32, #tpu.memory_space<hbm>>
    tpu.enqueue_indirect_dma source(%dma_start3A_30 : memref<1000000x128xf32, #tpu.memory_space<hbm>>) target(%arg10 : memref<400x128xf32, #tpu.memory_space<vmem>>) offsets(%arg6 : memref<400xi32, #tpu.memory_space<vmem>>) semaphore(%arg16 : memref<!tpu.dma_semaphore, #tpu.memory_space<semaphore_mem>>)
    %dma_wait3A_31 = arith.constant 0 : i32
    %dma_wait3A_32 = arith.constant 0 : i32
    %dma_wait3A_33 = tpu.memref_slice %arg3[%dma_wait3A_31, %dma_wait3A_32] : memref<1000000x128xf32, #tpu.memory_space<hbm>> -> memref<1000000x128xf32, #tpu.memory_space<hbm>>
    tpu.wait_indirect_dma semaphore(%arg15 : memref<!tpu.dma_semaphore, #tpu.memory_space<semaphore_mem>>) src(%dma_wait3A_33 : memref<1000000x128xf32, #tpu.memory_space<hbm>>) dst(%arg9 : memref<400x128xf32, #tpu.memory_space<vmem>>)
    %add3A_34 = arith.constant 0 : i32
    %add3A_35 = arith.addi %mul3A_2, %add3A_34 : i32
    %jit3A = arith.constant 200 : i32
    %div3A = arith.divsi %add3A_35, %jit3A : i32
    %sign3A = arith.constant 0 : i32
    %sign3A_36 = arith.cmpi sgt, %add3A_35, %sign3A : i32
    %sign3A_37 = arith.extui %sign3A_36 : i1 to i32
    %sign3A_38 = arith.constant 0 : i32
    %sign3A_39 = arith.cmpi slt, %add3A_35, %sign3A_38 : i32
    %sign3A_40 = arith.extui %sign3A_39 : i1 to i32
    %sign3A_41 = arith.subi %sign3A_37, %sign3A_40 : i32
    %sign3A_42 = arith.constant 0 : i32
    %sign3A_43 = arith.cmpi sgt, %jit3A, %sign3A_42 : i32
    %sign3A_44 = arith.extui %sign3A_43 : i1 to i32
    %sign3A_45 = arith.constant 0 : i32
    %sign3A_46 = arith.cmpi slt, %jit3A, %sign3A_45 : i32
    %sign3A_47 = arith.extui %sign3A_46 : i1 to i32
    %sign3A_48 = arith.subi %sign3A_44, %sign3A_47 : i32
    %ne3A = arith.cmpi ne, %sign3A_41, %sign3A_48 : i32
    %rem3A = arith.remsi %add3A_35, %jit3A : i32
    %ne3A_49 = arith.constant 0 : i32
    %ne3A_50 = arith.cmpi ne, %rem3A, %ne3A_49 : i32
    %and3A = arith.andi %ne3A, %ne3A_50 : i1
    %sub3A = arith.constant 1 : i32
    %sub3A_51 = arith.subi %div3A, %sub3A : i32
    %select_n3A = arith.select %and3A, %sub3A_51, %div3A : i32
    %add3A_52 = arith.constant 0 : i32
    %add3A_53 = arith.addi %select_n3A, %add3A_52 : i32
    %add3A_54 = arith.constant 1 : i32
    %add3A_55 = arith.addi %select_n3A, %add3A_54 : i32
    %dma_start3A_56 = arith.constant 0 : i32
    %dma_start3A_57 = arith.constant 0 : i32
    %dma_start3A_58 = tpu.memref_slice %arg9[%dma_start3A_56, %dma_start3A_57] : memref<400x128xf32, #tpu.memory_space<vmem>> -> memref<200x128xf32, #tpu.memory_space<vmem>>
    %dma_start3A_59 = arith.constant 0 : i32
    %dma_start3A_60 = arith.constant 0 : i32
    %dma_start3A_61 = tpu.memref_slice %arg4[%add3A_53, %dma_start3A_59, %dma_start3A_60] : memref<16384x200x128xf32, #tpu.memory_space<hbm>> -> memref<1x200x128xf32, #tpu.memory_space<hbm>>
    %dma_start3A_62 = tpu.memref_squeeze %dma_start3A_61 : memref<1x200x128xf32, #tpu.memory_space<hbm>> -> memref<200x128xf32, #tpu.memory_space<hbm>>
    %dma_start3A_63 = arith.constant 0 : i32
    %dma_start3A_64 = arith.constant 0 : i32
    %dma_start3A_65 = tpu.memref_slice %arg4[%add3A_53, %dma_start3A_63, %dma_start3A_64] : memref<16384x200x128xf32, #tpu.memory_space<hbm>> -> memref<1x200x128xf32, #tpu.memory_space<hbm>>
    %dma_start3A_66 = tpu.memref_squeeze %dma_start3A_65 : memref<1x200x128xf32, #tpu.memory_space<hbm>> -> memref<200x128xf32, #tpu.memory_space<hbm>>
    %dma_start3A_67 = arith.constant 0 : i32
    %dma_start3A_68 = arith.constant 0 : i32
    %dma_start3A_69 = tpu.memref_slice %arg9[%dma_start3A_67, %dma_start3A_68] : memref<400x128xf32, #tpu.memory_space<vmem>> -> memref<200x128xf32, #tpu.memory_space<vmem>>
    tpu.enqueue_dma source(%dma_start3A_69 : memref<200x128xf32, #tpu.memory_space<vmem>>) target(%dma_start3A_66 : memref<200x128xf32, #tpu.memory_space<hbm>>) target_semaphore(%arg17 : memref<!tpu.dma_semaphore, #tpu.memory_space<semaphore_mem>>)
    %dma_start3A_70 = arith.constant 200 : i32
    %dma_start3A_71 = arith.constant 0 : i32
    %dma_start3A_72 = tpu.memref_slice %arg9[%dma_start3A_70, %dma_start3A_71] : memref<400x128xf32, #tpu.memory_space<vmem>> -> memref<200x128xf32, #tpu.memory_space<vmem>>
    %dma_start3A_73 = arith.constant 0 : i32
    %dma_start3A_74 = arith.constant 0 : i32
    %dma_start3A_75 = tpu.memref_slice %arg4[%add3A_55, %dma_start3A_73, %dma_start3A_74] : memref<16384x200x128xf32, #tpu.memory_space<hbm>> -> memref<1x200x128xf32, #tpu.memory_space<hbm>>
    %dma_start3A_76 = tpu.memref_squeeze %dma_start3A_75 : memref<1x200x128xf32, #tpu.memory_space<hbm>> -> memref<200x128xf32, #tpu.memory_space<hbm>>
    %dma_start3A_77 = arith.constant 0 : i32
    %dma_start3A_78 = arith.constant 0 : i32
    %dma_start3A_79 = tpu.memref_slice %arg4[%add3A_55, %dma_start3A_77, %dma_start3A_78] : memref<16384x200x128xf32, #tpu.memory_space<hbm>> -> memref<1x200x128xf32, #tpu.memory_space<hbm>>
    %dma_start3A_80 = tpu.memref_squeeze %dma_start3A_79 : memref<1x200x128xf32, #tpu.memory_space<hbm>> -> memref<200x128xf32, #tpu.memory_space<hbm>>
    %dma_start3A_81 = arith.constant 200 : i32
    %dma_start3A_82 = arith.constant 0 : i32
    %dma_start3A_83 = tpu.memref_slice %arg9[%dma_start3A_81, %dma_start3A_82] : memref<400x128xf32, #tpu.memory_space<vmem>> -> memref<200x128xf32, #tpu.memory_space<vmem>>
    tpu.enqueue_dma source(%dma_start3A_83 : memref<200x128xf32, #tpu.memory_space<vmem>>) target(%dma_start3A_80 : memref<200x128xf32, #tpu.memory_space<hbm>>) target_semaphore(%arg17 : memref<!tpu.dma_semaphore, #tpu.memory_space<semaphore_mem>>)
    %add3A_84 = arith.constant 1600 : i32
    %add3A_85 = arith.addi %mul3A_2, %add3A_84 : i32
    %dma_start3A_86 = tpu.memref_slice %arg2[%add3A_85] : memref<3276800xi32, #tpu.memory_space<hbm>> -> memref<400xi32, #tpu.memory_space<hbm>>
    %dma_start3A_87 = tpu.memref_slice %arg2[%add3A_85] : memref<3276800xi32, #tpu.memory_space<hbm>> -> memref<400xi32, #tpu.memory_space<hbm>>
    tpu.enqueue_dma source(%dma_start3A_87 : memref<400xi32, #tpu.memory_space<hbm>>) target(%arg5 : memref<400xi32, #tpu.memory_space<vmem>>) target_semaphore(%arg11 : memref<!tpu.dma_semaphore, #tpu.memory_space<semaphore_mem>>)
    %add3A_88 = arith.constant 800 : i32
    %add3A_89 = arith.addi %mul3A_2, %add3A_88 : i32
    %dma_wait3A_90 = tpu.memref_slice %arg2[%add3A_89] : memref<3276800xi32, #tpu.memory_space<hbm>> -> memref<400xi32, #tpu.memory_space<hbm>>
    %dma_wait3A_91 = tpu.memref_slice %arg2[%add3A_89] : memref<3276800xi32, #tpu.memory_space<hbm>> -> memref<400xi32, #tpu.memory_space<hbm>>
    tpu.wait_dma2 semaphore(%arg13 : memref<!tpu.dma_semaphore, #tpu.memory_space<semaphore_mem>>) src(%dma_wait3A_91 : memref<400xi32, #tpu.memory_space<hbm>>) dst(%arg7 : memref<400xi32, #tpu.memory_space<vmem>>)
    %add3A_92 = arith.constant 0 : i32
    %add3A_93 = arith.addi %mul3A_2, %add3A_92 : i32
    %jit3A_94 = arith.constant 200 : i32
    %div3A_95 = arith.divsi %add3A_93, %jit3A_94 : i32
    %sign3A_96 = arith.constant 0 : i32
    %sign3A_97 = arith.cmpi sgt, %add3A_93, %sign3A_96 : i32
    %sign3A_98 = arith.extui %sign3A_97 : i1 to i32
    %sign3A_99 = arith.constant 0 : i32
    %sign3A_100 = arith.cmpi slt, %add3A_93, %sign3A_99 : i32
    %sign3A_101 = arith.extui %sign3A_100 : i1 to i32
    %sign3A_102 = arith.subi %sign3A_98, %sign3A_101 : i32
    %sign3A_103 = arith.constant 0 : i32
    %sign3A_104 = arith.cmpi sgt, %jit3A_94, %sign3A_103 : i32
    %sign3A_105 = arith.extui %sign3A_104 : i1 to i32
    %sign3A_106 = arith.constant 0 : i32
    %sign3A_107 = arith.cmpi slt, %jit3A_94, %sign3A_106 : i32
    %sign3A_108 = arith.extui %sign3A_107 : i1 to i32
    %sign3A_109 = arith.subi %sign3A_105, %sign3A_108 : i32
    %ne3A_110 = arith.cmpi ne, %sign3A_102, %sign3A_109 : i32
    %rem3A_111 = arith.remsi %add3A_93, %jit3A_94 : i32
    %ne3A_112 = arith.constant 0 : i32
    %ne3A_113 = arith.cmpi ne, %rem3A_111, %ne3A_112 : i32
    %and3A_114 = arith.andi %ne3A_110, %ne3A_113 : i1
    %sub3A_115 = arith.constant 1 : i32
    %sub3A_116 = arith.subi %div3A_95, %sub3A_115 : i32
    %select_n3A_117 = arith.select %and3A_114, %sub3A_116, %div3A_95 : i32
    %add3A_118 = arith.constant 0 : i32
    %add3A_119 = arith.addi %select_n3A_117, %add3A_118 : i32
    %add3A_120 = arith.constant 1 : i32
    %add3A_121 = arith.addi %select_n3A_117, %add3A_120 : i32
    %dma_wait3A_122 = arith.constant 0 : i32
    %dma_wait3A_123 = arith.constant 0 : i32
    %dma_wait3A_124 = tpu.memref_slice %arg9[%dma_wait3A_122, %dma_wait3A_123] : memref<400x128xf32, #tpu.memory_space<vmem>> -> memref<200x128xf32, #tpu.memory_space<vmem>>
    %dma_wait3A_125 = arith.constant 0 : i32
    %dma_wait3A_126 = arith.constant 0 : i32
    %dma_wait3A_127 = tpu.memref_slice %arg4[%add3A_119, %dma_wait3A_125, %dma_wait3A_126] : memref<16384x200x128xf32, #tpu.memory_space<hbm>> -> memref<1x200x128xf32, #tpu.memory_space<hbm>>
    %dma_wait3A_128 = tpu.memref_squeeze %dma_wait3A_127 : memref<1x200x128xf32, #tpu.memory_space<hbm>> -> memref<200x128xf32, #tpu.memory_space<hbm>>
    %dma_wait3A_129 = arith.constant 0 : i32
    %dma_wait3A_130 = arith.constant 0 : i32
    %dma_wait3A_131 = tpu.memref_slice %arg4[%add3A_119, %dma_wait3A_129, %dma_wait3A_130] : memref<16384x200x128xf32, #tpu.memory_space<hbm>> -> memref<1x200x128xf32, #tpu.memory_space<hbm>>
    %dma_wait3A_132 = tpu.memref_squeeze %dma_wait3A_131 : memref<1x200x128xf32, #tpu.memory_space<hbm>> -> memref<200x128xf32, #tpu.memory_space<hbm>>
    %dma_wait3A_133 = arith.constant 0 : i32
    %dma_wait3A_134 = arith.constant 0 : i32
    %dma_wait3A_135 = tpu.memref_slice %arg9[%dma_wait3A_133, %dma_wait3A_134] : memref<400x128xf32, #tpu.memory_space<vmem>> -> memref<200x128xf32, #tpu.memory_space<vmem>>
    tpu.wait_dma2 semaphore(%arg17 : memref<!tpu.dma_semaphore, #tpu.memory_space<semaphore_mem>>) src(%dma_wait3A_135 : memref<200x128xf32, #tpu.memory_space<vmem>>) dst(%dma_wait3A_132 : memref<200x128xf32, #tpu.memory_space<hbm>>)
    %dma_wait3A_136 = arith.constant 200 : i32
    %dma_wait3A_137 = arith.constant 0 : i32
    %dma_wait3A_138 = tpu.memref_slice %arg9[%dma_wait3A_136, %dma_wait3A_137] : memref<400x128xf32, #tpu.memory_space<vmem>> -> memref<200x128xf32, #tpu.memory_space<vmem>>
    %dma_wait3A_139 = arith.constant 0 : i32
    %dma_wait3A_140 = arith.constant 0 : i32
    %dma_wait3A_141 = tpu.memref_slice %arg4[%add3A_121, %dma_wait3A_139, %dma_wait3A_140] : memref<16384x200x128xf32, #tpu.memory_space<hbm>> -> memref<1x200x128xf32, #tpu.memory_space<hbm>>
    %dma_wait3A_142 = tpu.memref_squeeze %dma_wait3A_141 : memref<1x200x128xf32, #tpu.memory_space<hbm>> -> memref<200x128xf32, #tpu.memory_space<hbm>>
    %dma_wait3A_143 = arith.constant 0 : i32
    %dma_wait3A_144 = arith.constant 0 : i32
    %dma_wait3A_145 = tpu.memref_slice %arg4[%add3A_121, %dma_wait3A_143, %dma_wait3A_144] : memref<16384x200x128xf32, #tpu.memory_space<hbm>> -> memref<1x200x128xf32, #tpu.memory_space<hbm>>
    %dma_wait3A_146 = tpu.memref_squeeze %dma_wait3A_145 : memref<1x200x128xf32, #tpu.memory_space<hbm>> -> memref<200x128xf32, #tpu.memory_space<hbm>>
    %dma_wait3A_147 = arith.constant 200 : i32
    %dma_wait3A_148 = arith.constant 0 : i32
    %dma_wait3A_149 = tpu.memref_slice %arg9[%dma_wait3A_147, %dma_wait3A_148] : memref<400x128xf32, #tpu.memory_space<vmem>> -> memref<200x128xf32, #tpu.memory_space<vmem>>
    tpu.wait_dma2 semaphore(%arg17 : memref<!tpu.dma_semaphore, #tpu.memory_space<semaphore_mem>>) src(%dma_wait3A_149 : memref<200x128xf32, #tpu.memory_space<vmem>>) dst(%dma_wait3A_146 : memref<200x128xf32, #tpu.memory_space<hbm>>)
    %dma_start3A_150 = arith.constant 0 : i32
    %dma_start3A_151 = arith.constant 0 : i32
    %dma_start3A_152 = tpu.memref_slice %arg3[%dma_start3A_150, %dma_start3A_151] : memref<1000000x128xf32, #tpu.memory_space<hbm>> -> memref<1000000x128xf32, #tpu.memory_space<hbm>>
    tpu.enqueue_indirect_dma source(%dma_start3A_152 : memref<1000000x128xf32, #tpu.memory_space<hbm>>) target(%arg9 : memref<400x128xf32, #tpu.memory_space<vmem>>) offsets(%arg7 : memref<400xi32, #tpu.memory_space<vmem>>) semaphore(%arg15 : memref<!tpu.dma_semaphore, #tpu.memory_space<semaphore_mem>>)
    %dma_wait3A_153 = arith.constant 0 : i32
    %dma_wait3A_154 = arith.constant 0 : i32
    %dma_wait3A_155 = tpu.memref_slice %arg3[%dma_wait3A_153, %dma_wait3A_154] : memref<1000000x128xf32, #tpu.memory_space<hbm>> -> memref<1000000x128xf32, #tpu.memory_space<hbm>>
    tpu.wait_indirect_dma semaphore(%arg16 : memref<!tpu.dma_semaphore, #tpu.memory_space<semaphore_mem>>) src(%dma_wait3A_155 : memref<1000000x128xf32, #tpu.memory_space<hbm>>) dst(%arg10 : memref<400x128xf32, #tpu.memory_space<vmem>>)
    %add3A_156 = arith.constant 400 : i32
    %add3A_157 = arith.addi %mul3A_2, %add3A_156 : i32
    %jit3A_158 = arith.constant 200 : i32
    %div3A_159 = arith.divsi %add3A_157, %jit3A_158 : i32
    %sign3A_160 = arith.constant 0 : i32
    %sign3A_161 = arith.cmpi sgt, %add3A_157, %sign3A_160 : i32
    %sign3A_162 = arith.extui %sign3A_161 : i1 to i32
    %sign3A_163 = arith.constant 0 : i32
    %sign3A_164 = arith.cmpi slt, %add3A_157, %sign3A_163 : i32
    %sign3A_165 = arith.extui %sign3A_164 : i1 to i32
    %sign3A_166 = arith.subi %sign3A_162, %sign3A_165 : i32
    %sign3A_167 = arith.constant 0 : i32
    %sign3A_168 = arith.cmpi sgt, %jit3A_158, %sign3A_167 : i32
    %sign3A_169 = arith.extui %sign3A_168 : i1 to i32
    %sign3A_170 = arith.constant 0 : i32
    %sign3A_171 = arith.cmpi slt, %jit3A_158, %sign3A_170 : i32
    %sign3A_172 = arith.extui %sign3A_171 : i1 to i32
    %sign3A_173 = arith.subi %sign3A_169, %sign3A_172 : i32
    %ne3A_174 = arith.cmpi ne, %sign3A_166, %sign3A_173 : i32
    %rem3A_175 = arith.remsi %add3A_157, %jit3A_158 : i32
    %ne3A_176 = arith.constant 0 : i32
    %ne3A_177 = arith.cmpi ne, %rem3A_175, %ne3A_176 : i32
    %and3A_178 = arith.andi %ne3A_174, %ne3A_177 : i1
    %sub3A_179 = arith.constant 1 : i32
    %sub3A_180 = arith.subi %div3A_159, %sub3A_179 : i32
    %select_n3A_181 = arith.select %and3A_178, %sub3A_180, %div3A_159 : i32
    %add3A_182 = arith.constant 0 : i32
    %add3A_183 = arith.addi %select_n3A_181, %add3A_182 : i32
    %add3A_184 = arith.constant 1 : i32
    %add3A_185 = arith.addi %select_n3A_181, %add3A_184 : i32
    %dma_start3A_186 = arith.constant 0 : i32
    %dma_start3A_187 = arith.constant 0 : i32
    %dma_start3A_188 = tpu.memref_slice %arg10[%dma_start3A_186, %dma_start3A_187] : memref<400x128xf32, #tpu.memory_space<vmem>> -> memref<200x128xf32, #tpu.memory_space<vmem>>
    %dma_start3A_189 = arith.constant 0 : i32
    %dma_start3A_190 = arith.constant 0 : i32
    %dma_start3A_191 = tpu.memref_slice %arg4[%add3A_183, %dma_start3A_189, %dma_start3A_190] : memref<16384x200x128xf32, #tpu.memory_space<hbm>> -> memref<1x200x128xf32, #tpu.memory_space<hbm>>
    %dma_start3A_192 = tpu.memref_squeeze %dma_start3A_191 : memref<1x200x128xf32, #tpu.memory_space<hbm>> -> memref<200x128xf32, #tpu.memory_space<hbm>>
    %dma_start3A_193 = arith.constant 0 : i32
    %dma_start3A_194 = arith.constant 0 : i32
    %dma_start3A_195 = tpu.memref_slice %arg4[%add3A_183, %dma_start3A_193, %dma_start3A_194] : memref<16384x200x128xf32, #tpu.memory_space<hbm>> -> memref<1x200x128xf32, #tpu.memory_space<hbm>>
    %dma_start3A_196 = tpu.memref_squeeze %dma_start3A_195 : memref<1x200x128xf32, #tpu.memory_space<hbm>> -> memref<200x128xf32, #tpu.memory_space<hbm>>
    %dma_start3A_197 = arith.constant 0 : i32
    %dma_start3A_198 = arith.constant 0 : i32
    %dma_start3A_199 = tpu.memref_slice %arg10[%dma_start3A_197, %dma_start3A_198] : memref<400x128xf32, #tpu.memory_space<vmem>> -> memref<200x128xf32, #tpu.memory_space<vmem>>
    tpu.enqueue_dma source(%dma_start3A_199 : memref<200x128xf32, #tpu.memory_space<vmem>>) target(%dma_start3A_196 : memref<200x128xf32, #tpu.memory_space<hbm>>) target_semaphore(%arg18 : memref<!tpu.dma_semaphore, #tpu.memory_space<semaphore_mem>>)
    %dma_start3A_200 = arith.constant 200 : i32
    %dma_start3A_201 = arith.constant 0 : i32
    %dma_start3A_202 = tpu.memref_slice %arg10[%dma_start3A_200, %dma_start3A_201] : memref<400x128xf32, #tpu.memory_space<vmem>> -> memref<200x128xf32, #tpu.memory_space<vmem>>
    %dma_start3A_203 = arith.constant 0 : i32
    %dma_start3A_204 = arith.constant 0 : i32
    %dma_start3A_205 = tpu.memref_slice %arg4[%add3A_185, %dma_start3A_203, %dma_start3A_204] : memref<16384x200x128xf32, #tpu.memory_space<hbm>> -> memref<1x200x128xf32, #tpu.memory_space<hbm>>
    %dma_start3A_206 = tpu.memref_squeeze %dma_start3A_205 : memref<1x200x128xf32, #tpu.memory_space<hbm>> -> memref<200x128xf32, #tpu.memory_space<hbm>>
    %dma_start3A_207 = arith.constant 0 : i32
    %dma_start3A_208 = arith.constant 0 : i32
    %dma_start3A_209 = tpu.memref_slice %arg4[%add3A_185, %dma_start3A_207, %dma_start3A_208] : memref<16384x200x128xf32, #tpu.memory_space<hbm>> -> memref<1x200x128xf32, #tpu.memory_space<hbm>>
    %dma_start3A_210 = tpu.memref_squeeze %dma_start3A_209 : memref<1x200x128xf32, #tpu.memory_space<hbm>> -> memref<200x128xf32, #tpu.memory_space<hbm>>
    %dma_start3A_211 = arith.constant 200 : i32
    %dma_start3A_212 = arith.constant 0 : i32
    %dma_start3A_213 = tpu.memref_slice %arg10[%dma_start3A_211, %dma_start3A_212] : memref<400x128xf32, #tpu.memory_space<vmem>> -> memref<200x128xf32, #tpu.memory_space<vmem>>
    tpu.enqueue_dma source(%dma_start3A_213 : memref<200x128xf32, #tpu.memory_space<vmem>>) target(%dma_start3A_210 : memref<200x128xf32, #tpu.memory_space<hbm>>) target_semaphore(%arg18 : memref<!tpu.dma_semaphore, #tpu.memory_space<semaphore_mem>>)
    %add3A_214 = arith.constant 2000 : i32
    %add3A_215 = arith.addi %mul3A_2, %add3A_214 : i32
    %dma_start3A_216 = tpu.memref_slice %arg2[%add3A_215] : memref<3276800xi32, #tpu.memory_space<hbm>> -> memref<400xi32, #tpu.memory_space<hbm>>
    %dma_start3A_217 = tpu.memref_slice %arg2[%add3A_215] : memref<3276800xi32, #tpu.memory_space<hbm>> -> memref<400xi32, #tpu.memory_space<hbm>>
    tpu.enqueue_dma source(%dma_start3A_217 : memref<400xi32, #tpu.memory_space<hbm>>) target(%arg6 : memref<400xi32, #tpu.memory_space<vmem>>) target_semaphore(%arg12 : memref<!tpu.dma_semaphore, #tpu.memory_space<semaphore_mem>>)
    %add3A_218 = arith.constant 1200 : i32
    %add3A_219 = arith.addi %mul3A_2, %add3A_218 : i32
    %dma_wait3A_220 = tpu.memref_slice %arg2[%add3A_219] : memref<3276800xi32, #tpu.memory_space<hbm>> -> memref<400xi32, #tpu.memory_space<hbm>>
    %dma_wait3A_221 = tpu.memref_slice %arg2[%add3A_219] : memref<3276800xi32, #tpu.memory_space<hbm>> -> memref<400xi32, #tpu.memory_space<hbm>>
    tpu.wait_dma2 semaphore(%arg14 : memref<!tpu.dma_semaphore, #tpu.memory_space<semaphore_mem>>) src(%dma_wait3A_221 : memref<400xi32, #tpu.memory_space<hbm>>) dst(%arg8 : memref<400xi32, #tpu.memory_space<vmem>>)
    %add3A_222 = arith.constant 400 : i32
    %add3A_223 = arith.addi %mul3A_2, %add3A_222 : i32
    %jit3A_224 = arith.constant 200 : i32
    %div3A_225 = arith.divsi %add3A_223, %jit3A_224 : i32
    %sign3A_226 = arith.constant 0 : i32
    %sign3A_227 = arith.cmpi sgt, %add3A_223, %sign3A_226 : i32
    %sign3A_228 = arith.extui %sign3A_227 : i1 to i32
    %sign3A_229 = arith.constant 0 : i32
    %sign3A_230 = arith.cmpi slt, %add3A_223, %sign3A_229 : i32
    %sign3A_231 = arith.extui %sign3A_230 : i1 to i32
    %sign3A_232 = arith.subi %sign3A_228, %sign3A_231 : i32
    %sign3A_233 = arith.constant 0 : i32
    %sign3A_234 = arith.cmpi sgt, %jit3A_224, %sign3A_233 : i32
    %sign3A_235 = arith.extui %sign3A_234 : i1 to i32
    %sign3A_236 = arith.constant 0 : i32
    %sign3A_237 = arith.cmpi slt, %jit3A_224, %sign3A_236 : i32
    %sign3A_238 = arith.extui %sign3A_237 : i1 to i32
    %sign3A_239 = arith.subi %sign3A_235, %sign3A_238 : i32
    %ne3A_240 = arith.cmpi ne, %sign3A_232, %sign3A_239 : i32
    %rem3A_241 = arith.remsi %add3A_223, %jit3A_224 : i32
    %ne3A_242 = arith.constant 0 : i32
    %ne3A_243 = arith.cmpi ne, %rem3A_241, %ne3A_242 : i32
    %and3A_244 = arith.andi %ne3A_240, %ne3A_243 : i1
    %sub3A_245 = arith.constant 1 : i32
    %sub3A_246 = arith.subi %div3A_225, %sub3A_245 : i32
    %select_n3A_247 = arith.select %and3A_244, %sub3A_246, %div3A_225 : i32
    %add3A_248 = arith.constant 0 : i32
    %add3A_249 = arith.addi %select_n3A_247, %add3A_248 : i32
    %add3A_250 = arith.constant 1 : i32
    %add3A_251 = arith.addi %select_n3A_247, %add3A_250 : i32
    %dma_wait3A_252 = arith.constant 0 : i32
    %dma_wait3A_253 = arith.constant 0 : i32
    %dma_wait3A_254 = tpu.memref_slice %arg10[%dma_wait3A_252, %dma_wait3A_253] : memref<400x128xf32, #tpu.memory_space<vmem>> -> memref<200x128xf32, #tpu.memory_space<vmem>>
    %dma_wait3A_255 = arith.constant 0 : i32
    %dma_wait3A_256 = arith.constant 0 : i32
    %dma_wait3A_257 = tpu.memref_slice %arg4[%add3A_249, %dma_wait3A_255, %dma_wait3A_256] : memref<16384x200x128xf32, #tpu.memory_space<hbm>> -> memref<1x200x128xf32, #tpu.memory_space<hbm>>
    %dma_wait3A_258 = tpu.memref_squeeze %dma_wait3A_257 : memref<1x200x128xf32, #tpu.memory_space<hbm>> -> memref<200x128xf32, #tpu.memory_space<hbm>>
    %dma_wait3A_259 = arith.constant 0 : i32
    %dma_wait3A_260 = arith.constant 0 : i32
    %dma_wait3A_261 = tpu.memref_slice %arg4[%add3A_249, %dma_wait3A_259, %dma_wait3A_260] : memref<16384x200x128xf32, #tpu.memory_space<hbm>> -> memref<1x200x128xf32, #tpu.memory_space<hbm>>
    %dma_wait3A_262 = tpu.memref_squeeze %dma_wait3A_261 : memref<1x200x128xf32, #tpu.memory_space<hbm>> -> memref<200x128xf32, #tpu.memory_space<hbm>>
    %dma_wait3A_263 = arith.constant 0 : i32
    %dma_wait3A_264 = arith.constant 0 : i32
    %dma_wait3A_265 = tpu.memref_slice %arg10[%dma_wait3A_263, %dma_wait3A_264] : memref<400x128xf32, #tpu.memory_space<vmem>> -> memref<200x128xf32, #tpu.memory_space<vmem>>
    tpu.wait_dma2 semaphore(%arg18 : memref<!tpu.dma_semaphore, #tpu.memory_space<semaphore_mem>>) src(%dma_wait3A_265 : memref<200x128xf32, #tpu.memory_space<vmem>>) dst(%dma_wait3A_262 : memref<200x128xf32, #tpu.memory_space<hbm>>)
    %dma_wait3A_266 = arith.constant 200 : i32
    %dma_wait3A_267 = arith.constant 0 : i32
    %dma_wait3A_268 = tpu.memref_slice %arg10[%dma_wait3A_266, %dma_wait3A_267] : memref<400x128xf32, #tpu.memory_space<vmem>> -> memref<200x128xf32, #tpu.memory_space<vmem>>
    %dma_wait3A_269 = arith.constant 0 : i32
    %dma_wait3A_270 = arith.constant 0 : i32
    %dma_wait3A_271 = tpu.memref_slice %arg4[%add3A_251, %dma_wait3A_269, %dma_wait3A_270] : memref<16384x200x128xf32, #tpu.memory_space<hbm>> -> memref<1x200x128xf32, #tpu.memory_space<hbm>>
    %dma_wait3A_272 = tpu.memref_squeeze %dma_wait3A_271 : memref<1x200x128xf32, #tpu.memory_space<hbm>> -> memref<200x128xf32, #tpu.memory_space<hbm>>
    %dma_wait3A_273 = arith.constant 0 : i32
    %dma_wait3A_274 = arith.constant 0 : i32
    %dma_wait3A_275 = tpu.memref_slice %arg4[%add3A_251, %dma_wait3A_273, %dma_wait3A_274] : memref<16384x200x128xf32, #tpu.memory_space<hbm>> -> memref<1x200x128xf32, #tpu.memory_space<hbm>>
    %dma_wait3A_276 = tpu.memref_squeeze %dma_wait3A_275 : memref<1x200x128xf32, #tpu.memory_space<hbm>> -> memref<200x128xf32, #tpu.memory_space<hbm>>
    %dma_wait3A_277 = arith.constant 200 : i32
    %dma_wait3A_278 = arith.constant 0 : i32
    %dma_wait3A_279 = tpu.memref_slice %arg10[%dma_wait3A_277, %dma_wait3A_278] : memref<400x128xf32, #tpu.memory_space<vmem>> -> memref<200x128xf32, #tpu.memory_space<vmem>>
    tpu.wait_dma2 semaphore(%arg18 : memref<!tpu.dma_semaphore, #tpu.memory_space<semaphore_mem>>) src(%dma_wait3A_279 : memref<200x128xf32, #tpu.memory_space<vmem>>) dst(%dma_wait3A_276 : memref<200x128xf32, #tpu.memory_space<hbm>>)
    %dma_start3A_280 = arith.constant 0 : i32
    %dma_start3A_281 = arith.constant 0 : i32
    %dma_start3A_282 = tpu.memref_slice %arg3[%dma_start3A_280, %dma_start3A_281] : memref<1000000x128xf32, #tpu.memory_space<hbm>> -> memref<1000000x128xf32, #tpu.memory_space<hbm>>
    tpu.enqueue_indirect_dma source(%dma_start3A_282 : memref<1000000x128xf32, #tpu.memory_space<hbm>>) target(%arg10 : memref<400x128xf32, #tpu.memory_space<vmem>>) offsets(%arg8 : memref<400xi32, #tpu.memory_space<vmem>>) semaphore(%arg16 : memref<!tpu.dma_semaphore, #tpu.memory_space<semaphore_mem>>)
    %dma_wait3A_283 = arith.constant 0 : i32
    %dma_wait3A_284 = arith.constant 0 : i32
    %dma_wait3A_285 = tpu.memref_slice %arg3[%dma_wait3A_283, %dma_wait3A_284] : memref<1000000x128xf32, #tpu.memory_space<hbm>> -> memref<1000000x128xf32, #tpu.memory_space<hbm>>
    tpu.wait_indirect_dma semaphore(%arg15 : memref<!tpu.dma_semaphore, #tpu.memory_space<semaphore_mem>>) src(%dma_wait3A_285 : memref<1000000x128xf32, #tpu.memory_space<hbm>>) dst(%arg9 : memref<400x128xf32, #tpu.memory_space<vmem>>)
    %add3A_286 = arith.constant 800 : i32
    %add3A_287 = arith.addi %mul3A_2, %add3A_286 : i32
    %jit3A_288 = arith.constant 200 : i32
    %div3A_289 = arith.divsi %add3A_287, %jit3A_288 : i32
    %sign3A_290 = arith.constant 0 : i32
    %sign3A_291 = arith.cmpi sgt, %add3A_287, %sign3A_290 : i32
    %sign3A_292 = arith.extui %sign3A_291 : i1 to i32
    %sign3A_293 = arith.constant 0 : i32
    %sign3A_294 = arith.cmpi slt, %add3A_287, %sign3A_293 : i32
    %sign3A_295 = arith.extui %sign3A_294 : i1 to i32
    %sign3A_296 = arith.subi %sign3A_292, %sign3A_295 : i32
    %sign3A_297 = arith.constant 0 : i32
    %sign3A_298 = arith.cmpi sgt, %jit3A_288, %sign3A_297 : i32
    %sign3A_299 = arith.extui %sign3A_298 : i1 to i32
    %sign3A_300 = arith.constant 0 : i32
    %sign3A_301 = arith.cmpi slt, %jit3A_288, %sign3A_300 : i32
    %sign3A_302 = arith.extui %sign3A_301 : i1 to i32
    %sign3A_303 = arith.subi %sign3A_299, %sign3A_302 : i32
    %ne3A_304 = arith.cmpi ne, %sign3A_296, %sign3A_303 : i32
    %rem3A_305 = arith.remsi %add3A_287, %jit3A_288 : i32
    %ne3A_306 = arith.constant 0 : i32
    %ne3A_307 = arith.cmpi ne, %rem3A_305, %ne3A_306 : i32
    %and3A_308 = arith.andi %ne3A_304, %ne3A_307 : i1
    %sub3A_309 = arith.constant 1 : i32
    %sub3A_310 = arith.subi %div3A_289, %sub3A_309 : i32
    %select_n3A_311 = arith.select %and3A_308, %sub3A_310, %div3A_289 : i32
    %add3A_312 = arith.constant 0 : i32
    %add3A_313 = arith.addi %select_n3A_311, %add3A_312 : i32
    %add3A_314 = arith.constant 1 : i32
    %add3A_315 = arith.addi %select_n3A_311, %add3A_314 : i32
    %dma_start3A_316 = arith.constant 0 : i32
    %dma_start3A_317 = arith.constant 0 : i32
    %dma_start3A_318 = tpu.memref_slice %arg9[%dma_start3A_316, %dma_start3A_317] : memref<400x128xf32, #tpu.memory_space<vmem>> -> memref<200x128xf32, #tpu.memory_space<vmem>>
    %dma_start3A_319 = arith.constant 0 : i32
    %dma_start3A_320 = arith.constant 0 : i32
    %dma_start3A_321 = tpu.memref_slice %arg4[%add3A_313, %dma_start3A_319, %dma_start3A_320] : memref<16384x200x128xf32, #tpu.memory_space<hbm>> -> memref<1x200x128xf32, #tpu.memory_space<hbm>>
    %dma_start3A_322 = tpu.memref_squeeze %dma_start3A_321 : memref<1x200x128xf32, #tpu.memory_space<hbm>> -> memref<200x128xf32, #tpu.memory_space<hbm>>
    %dma_start3A_323 = arith.constant 0 : i32
    %dma_start3A_324 = arith.constant 0 : i32
    %dma_start3A_325 = tpu.memref_slice %arg4[%add3A_313, %dma_start3A_323, %dma_start3A_324] : memref<16384x200x128xf32, #tpu.memory_space<hbm>> -> memref<1x200x128xf32, #tpu.memory_space<hbm>>
    %dma_start3A_326 = tpu.memref_squeeze %dma_start3A_325 : memref<1x200x128xf32, #tpu.memory_space<hbm>> -> memref<200x128xf32, #tpu.memory_space<hbm>>
    %dma_start3A_327 = arith.constant 0 : i32
    %dma_start3A_328 = arith.constant 0 : i32
    %dma_start3A_329 = tpu.memref_slice %arg9[%dma_start3A_327, %dma_start3A_328] : memref<400x128xf32, #tpu.memory_space<vmem>> -> memref<200x128xf32, #tpu.memory_space<vmem>>
    tpu.enqueue_dma source(%dma_start3A_329 : memref<200x128xf32, #tpu.memory_space<vmem>>) target(%dma_start3A_326 : memref<200x128xf32, #tpu.memory_space<hbm>>) target_semaphore(%arg17 : memref<!tpu.dma_semaphore, #tpu.memory_space<semaphore_mem>>)
    %dma_start3A_330 = arith.constant 200 : i32
    %dma_start3A_331 = arith.constant 0 : i32
    %dma_start3A_332 = tpu.memref_slice %arg9[%dma_start3A_330, %dma_start3A_331] : memref<400x128xf32, #tpu.memory_space<vmem>> -> memref<200x128xf32, #tpu.memory_space<vmem>>
    %dma_start3A_333 = arith.constant 0 : i32
    %dma_start3A_334 = arith.constant 0 : i32
    %dma_start3A_335 = tpu.memref_slice %arg4[%add3A_315, %dma_start3A_333, %dma_start3A_334] : memref<16384x200x128xf32, #tpu.memory_space<hbm>> -> memref<1x200x128xf32, #tpu.memory_space<hbm>>
    %dma_start3A_336 = tpu.memref_squeeze %dma_start3A_335 : memref<1x200x128xf32, #tpu.memory_space<hbm>> -> memref<200x128xf32, #tpu.memory_space<hbm>>
    %dma_start3A_337 = arith.constant 0 : i32
    %dma_start3A_338 = arith.constant 0 : i32
    %dma_start3A_339 = tpu.memref_slice %arg4[%add3A_315, %dma_start3A_337, %dma_start3A_338] : memref<16384x200x128xf32, #tpu.memory_space<hbm>> -> memref<1x200x128xf32, #tpu.memory_space<hbm>>
    %dma_start3A_340 = tpu.memref_squeeze %dma_start3A_339 : memref<1x200x128xf32, #tpu.memory_space<hbm>> -> memref<200x128xf32, #tpu.memory_space<hbm>>
    %dma_start3A_341 = arith.constant 200 : i32
    %dma_start3A_342 = arith.constant 0 : i32
    %dma_start3A_343 = tpu.memref_slice %arg9[%dma_start3A_341, %dma_start3A_342] : memref<400x128xf32, #tpu.memory_space<vmem>> -> memref<200x128xf32, #tpu.memory_space<vmem>>
    tpu.enqueue_dma source(%dma_start3A_343 : memref<200x128xf32, #tpu.memory_space<vmem>>) target(%dma_start3A_340 : memref<200x128xf32, #tpu.memory_space<hbm>>) target_semaphore(%arg17 : memref<!tpu.dma_semaphore, #tpu.memory_space<semaphore_mem>>)
    %add3A_344 = arith.constant 2400 : i32
    %add3A_345 = arith.addi %mul3A_2, %add3A_344 : i32
    %dma_start3A_346 = tpu.memref_slice %arg2[%add3A_345] : memref<3276800xi32, #tpu.memory_space<hbm>> -> memref<400xi32, #tpu.memory_space<hbm>>
    %dma_start3A_347 = tpu.memref_slice %arg2[%add3A_345] : memref<3276800xi32, #tpu.memory_space<hbm>> -> memref<400xi32, #tpu.memory_space<hbm>>
    tpu.enqueue_dma source(%dma_start3A_347 : memref<400xi32, #tpu.memory_space<hbm>>) target(%arg7 : memref<400xi32, #tpu.memory_space<vmem>>) target_semaphore(%arg13 : memref<!tpu.dma_semaphore, #tpu.memory_space<semaphore_mem>>)
    %scan3A = arith.constant 0 : i32
    %scan3A_348 = arith.constant 1 : i32
    %scan3A_349 = arith.constant 62 : i32
    %scan3A_350 = arith.addi %scan3A_348, %scan3A_349 : i32
    %scan3A_351 = arith.constant 1 : i32
    scf.for %scan3A_1038 = %scan3A_348 to %scan3A_350 step %scan3A_351  : i32 {
      %mul3A_1039 = arith.constant 4 : i32
      %mul3A_1040 = arith.muli %scan3A_1038, %mul3A_1039 : i32
      %add3A_1041 = arith.constant 0 : i32
      %add3A_1042 = arith.addi %mul3A_1040, %add3A_1041 : i32
      %mul3A_1043 = arith.constant 400 : i32
      %mul3A_1044 = arith.muli %add3A_1042, %mul3A_1043 : i32
      %add3A_1045 = arith.addi %mul3A_2, %mul3A_1044 : i32
      %dma_wait3A_1046 = tpu.memref_slice %arg2[%add3A_1045] : memref<3276800xi32, #tpu.memory_space<hbm>> -> memref<400xi32, #tpu.memory_space<hbm>>
      %dma_wait3A_1047 = tpu.memref_slice %arg2[%add3A_1045] : memref<3276800xi32, #tpu.memory_space<hbm>> -> memref<400xi32, #tpu.memory_space<hbm>>
      tpu.wait_dma2 semaphore(%arg11 : memref<!tpu.dma_semaphore, #tpu.memory_space<semaphore_mem>>) src(%dma_wait3A_1047 : memref<400xi32, #tpu.memory_space<hbm>>) dst(%arg5 : memref<400xi32, #tpu.memory_space<vmem>>)
      %sub3A_1048 = arith.constant 2 : i32
      %sub3A_1049 = arith.subi %add3A_1042, %sub3A_1048 : i32
      %mul3A_1050 = arith.constant 400 : i32
      %mul3A_1051 = arith.muli %sub3A_1049, %mul3A_1050 : i32
      %add3A_1052 = arith.addi %mul3A_2, %mul3A_1051 : i32
      %jit3A_1053 = arith.constant 200 : i32
      %div3A_1054 = arith.divsi %add3A_1052, %jit3A_1053 : i32
      %sign3A_1055 = arith.constant 0 : i32
      %sign3A_1056 = arith.cmpi sgt, %add3A_1052, %sign3A_1055 : i32
      %sign3A_1057 = arith.extui %sign3A_1056 : i1 to i32
      %sign3A_1058 = arith.constant 0 : i32
      %sign3A_1059 = arith.cmpi slt, %add3A_1052, %sign3A_1058 : i32
      %sign3A_1060 = arith.extui %sign3A_1059 : i1 to i32
      %sign3A_1061 = arith.subi %sign3A_1057, %sign3A_1060 : i32
      %sign3A_1062 = arith.constant 0 : i32
      %sign3A_1063 = arith.cmpi sgt, %jit3A_1053, %sign3A_1062 : i32
      %sign3A_1064 = arith.extui %sign3A_1063 : i1 to i32
      %sign3A_1065 = arith.constant 0 : i32
      %sign3A_1066 = arith.cmpi slt, %jit3A_1053, %sign3A_1065 : i32
      %sign3A_1067 = arith.extui %sign3A_1066 : i1 to i32
      %sign3A_1068 = arith.subi %sign3A_1064, %sign3A_1067 : i32
      %ne3A_1069 = arith.cmpi ne, %sign3A_1061, %sign3A_1068 : i32
      %rem3A_1070 = arith.remsi %add3A_1052, %jit3A_1053 : i32
      %ne3A_1071 = arith.constant 0 : i32
      %ne3A_1072 = arith.cmpi ne, %rem3A_1070, %ne3A_1071 : i32
      %and3A_1073 = arith.andi %ne3A_1069, %ne3A_1072 : i1
      %sub3A_1074 = arith.constant 1 : i32
      %sub3A_1075 = arith.subi %div3A_1054, %sub3A_1074 : i32
      %select_n3A_1076 = arith.select %and3A_1073, %sub3A_1075, %div3A_1054 : i32
      %add3A_1077 = arith.constant 0 : i32
      %add3A_1078 = arith.addi %select_n3A_1076, %add3A_1077 : i32
      %add3A_1079 = arith.constant 1 : i32
      %add3A_1080 = arith.addi %select_n3A_1076, %add3A_1079 : i32
      %dma_wait3A_1081 = arith.constant 0 : i32
      %dma_wait3A_1082 = arith.constant 0 : i32
      %dma_wait3A_1083 = tpu.memref_slice %arg9[%dma_wait3A_1081, %dma_wait3A_1082] : memref<400x128xf32, #tpu.memory_space<vmem>> -> memref<200x128xf32, #tpu.memory_space<vmem>>
      %dma_wait3A_1084 = arith.constant 0 : i32
      %dma_wait3A_1085 = arith.constant 0 : i32
      %dma_wait3A_1086 = tpu.memref_slice %arg4[%add3A_1078, %dma_wait3A_1084, %dma_wait3A_1085] : memref<16384x200x128xf32, #tpu.memory_space<hbm>> -> memref<1x200x128xf32, #tpu.memory_space<hbm>>
      %dma_wait3A_1087 = tpu.memref_squeeze %dma_wait3A_1086 : memref<1x200x128xf32, #tpu.memory_space<hbm>> -> memref<200x128xf32, #tpu.memory_space<hbm>>
      %dma_wait3A_1088 = arith.constant 0 : i32
      %dma_wait3A_1089 = arith.constant 0 : i32
      %dma_wait3A_1090 = tpu.memref_slice %arg4[%add3A_1078, %dma_wait3A_1088, %dma_wait3A_1089] : memref<16384x200x128xf32, #tpu.memory_space<hbm>> -> memref<1x200x128xf32, #tpu.memory_space<hbm>>
      %dma_wait3A_1091 = tpu.memref_squeeze %dma_wait3A_1090 : memref<1x200x128xf32, #tpu.memory_space<hbm>> -> memref<200x128xf32, #tpu.memory_space<hbm>>
      %dma_wait3A_1092 = arith.constant 0 : i32
      %dma_wait3A_1093 = arith.constant 0 : i32
      %dma_wait3A_1094 = tpu.memref_slice %arg9[%dma_wait3A_1092, %dma_wait3A_1093] : memref<400x128xf32, #tpu.memory_space<vmem>> -> memref<200x128xf32, #tpu.memory_space<vmem>>
      tpu.wait_dma2 semaphore(%arg17 : memref<!tpu.dma_semaphore, #tpu.memory_space<semaphore_mem>>) src(%dma_wait3A_1094 : memref<200x128xf32, #tpu.memory_space<vmem>>) dst(%dma_wait3A_1091 : memref<200x128xf32, #tpu.memory_space<hbm>>)
      %dma_wait3A_1095 = arith.constant 200 : i32
      %dma_wait3A_1096 = arith.constant 0 : i32
      %dma_wait3A_1097 = tpu.memref_slice %arg9[%dma_wait3A_1095, %dma_wait3A_1096] : memref<400x128xf32, #tpu.memory_space<vmem>> -> memref<200x128xf32, #tpu.memory_space<vmem>>
      %dma_wait3A_1098 = arith.constant 0 : i32
      %dma_wait3A_1099 = arith.constant 0 : i32
      %dma_wait3A_1100 = tpu.memref_slice %arg4[%add3A_1080, %dma_wait3A_1098, %dma_wait3A_1099] : memref<16384x200x128xf32, #tpu.memory_space<hbm>> -> memref<1x200x128xf32, #tpu.memory_space<hbm>>
      %dma_wait3A_1101 = tpu.memref_squeeze %dma_wait3A_1100 : memref<1x200x128xf32, #tpu.memory_space<hbm>> -> memref<200x128xf32, #tpu.memory_space<hbm>>
      %dma_wait3A_1102 = arith.constant 0 : i32
      %dma_wait3A_1103 = arith.constant 0 : i32
      %dma_wait3A_1104 = tpu.memref_slice %arg4[%add3A_1080, %dma_wait3A_1102, %dma_wait3A_1103] : memref<16384x200x128xf32, #tpu.memory_space<hbm>> -> memref<1x200x128xf32, #tpu.memory_space<hbm>>
      %dma_wait3A_1105 = tpu.memref_squeeze %dma_wait3A_1104 : memref<1x200x128xf32, #tpu.memory_space<hbm>> -> memref<200x128xf32, #tpu.memory_space<hbm>>
      %dma_wait3A_1106 = arith.constant 200 : i32
      %dma_wait3A_1107 = arith.constant 0 : i32
      %dma_wait3A_1108 = tpu.memref_slice %arg9[%dma_wait3A_1106, %dma_wait3A_1107] : memref<400x128xf32, #tpu.memory_space<vmem>> -> memref<200x128xf32, #tpu.memory_space<vmem>>
      tpu.wait_dma2 semaphore(%arg17 : memref<!tpu.dma_semaphore, #tpu.memory_space<semaphore_mem>>) src(%dma_wait3A_1108 : memref<200x128xf32, #tpu.memory_space<vmem>>) dst(%dma_wait3A_1105 : memref<200x128xf32, #tpu.memory_space<hbm>>)
      %dma_start3A_1109 = arith.constant 0 : i32
      %dma_start3A_1110 = arith.constant 0 : i32
      %dma_start3A_1111 = tpu.memref_slice %arg3[%dma_start3A_1109, %dma_start3A_1110] : memref<1000000x128xf32, #tpu.memory_space<hbm>> -> memref<1000000x128xf32, #tpu.memory_space<hbm>>
      tpu.enqueue_indirect_dma source(%dma_start3A_1111 : memref<1000000x128xf32, #tpu.memory_space<hbm>>) target(%arg9 : memref<400x128xf32, #tpu.memory_space<vmem>>) offsets(%arg5 : memref<400xi32, #tpu.memory_space<vmem>>) semaphore(%arg15 : memref<!tpu.dma_semaphore, #tpu.memory_space<semaphore_mem>>)
      %dma_wait3A_1112 = arith.constant 0 : i32
      %dma_wait3A_1113 = arith.constant 0 : i32
      %dma_wait3A_1114 = tpu.memref_slice %arg3[%dma_wait3A_1112, %dma_wait3A_1113] : memref<1000000x128xf32, #tpu.memory_space<hbm>> -> memref<1000000x128xf32, #tpu.memory_space<hbm>>
      tpu.wait_indirect_dma semaphore(%arg16 : memref<!tpu.dma_semaphore, #tpu.memory_space<semaphore_mem>>) src(%dma_wait3A_1114 : memref<1000000x128xf32, #tpu.memory_space<hbm>>) dst(%arg10 : memref<400x128xf32, #tpu.memory_space<vmem>>)
      %sub3A_1115 = arith.constant 1 : i32
      %sub3A_1116 = arith.subi %add3A_1042, %sub3A_1115 : i32
      %mul3A_1117 = arith.constant 400 : i32
      %mul3A_1118 = arith.muli %sub3A_1116, %mul3A_1117 : i32
      %add3A_1119 = arith.addi %mul3A_2, %mul3A_1118 : i32
      %jit3A_1120 = arith.constant 200 : i32
      %div3A_1121 = arith.divsi %add3A_1119, %jit3A_1120 : i32
      %sign3A_1122 = arith.constant 0 : i32
      %sign3A_1123 = arith.cmpi sgt, %add3A_1119, %sign3A_1122 : i32
      %sign3A_1124 = arith.extui %sign3A_1123 : i1 to i32
      %sign3A_1125 = arith.constant 0 : i32
      %sign3A_1126 = arith.cmpi slt, %add3A_1119, %sign3A_1125 : i32
      %sign3A_1127 = arith.extui %sign3A_1126 : i1 to i32
      %sign3A_1128 = arith.subi %sign3A_1124, %sign3A_1127 : i32
      %sign3A_1129 = arith.constant 0 : i32
      %sign3A_1130 = arith.cmpi sgt, %jit3A_1120, %sign3A_1129 : i32
      %sign3A_1131 = arith.extui %sign3A_1130 : i1 to i32
      %sign3A_1132 = arith.constant 0 : i32
      %sign3A_1133 = arith.cmpi slt, %jit3A_1120, %sign3A_1132 : i32
      %sign3A_1134 = arith.extui %sign3A_1133 : i1 to i32
      %sign3A_1135 = arith.subi %sign3A_1131, %sign3A_1134 : i32
      %ne3A_1136 = arith.cmpi ne, %sign3A_1128, %sign3A_1135 : i32
      %rem3A_1137 = arith.remsi %add3A_1119, %jit3A_1120 : i32
      %ne3A_1138 = arith.constant 0 : i32
      %ne3A_1139 = arith.cmpi ne, %rem3A_1137, %ne3A_1138 : i32
      %and3A_1140 = arith.andi %ne3A_1136, %ne3A_1139 : i1
      %sub3A_1141 = arith.constant 1 : i32
      %sub3A_1142 = arith.subi %div3A_1121, %sub3A_1141 : i32
      %select_n3A_1143 = arith.select %and3A_1140, %sub3A_1142, %div3A_1121 : i32
      %add3A_1144 = arith.constant 0 : i32
      %add3A_1145 = arith.addi %select_n3A_1143, %add3A_1144 : i32
      %add3A_1146 = arith.constant 1 : i32
      %add3A_1147 = arith.addi %select_n3A_1143, %add3A_1146 : i32
      %dma_start3A_1148 = arith.constant 0 : i32
      %dma_start3A_1149 = arith.constant 0 : i32
      %dma_start3A_1150 = tpu.memref_slice %arg10[%dma_start3A_1148, %dma_start3A_1149] : memref<400x128xf32, #tpu.memory_space<vmem>> -> memref<200x128xf32, #tpu.memory_space<vmem>>
      %dma_start3A_1151 = arith.constant 0 : i32
      %dma_start3A_1152 = arith.constant 0 : i32
      %dma_start3A_1153 = tpu.memref_slice %arg4[%add3A_1145, %dma_start3A_1151, %dma_start3A_1152] : memref<16384x200x128xf32, #tpu.memory_space<hbm>> -> memref<1x200x128xf32, #tpu.memory_space<hbm>>
      %dma_start3A_1154 = tpu.memref_squeeze %dma_start3A_1153 : memref<1x200x128xf32, #tpu.memory_space<hbm>> -> memref<200x128xf32, #tpu.memory_space<hbm>>
      %dma_start3A_1155 = arith.constant 0 : i32
      %dma_start3A_1156 = arith.constant 0 : i32
      %dma_start3A_1157 = tpu.memref_slice %arg4[%add3A_1145, %dma_start3A_1155, %dma_start3A_1156] : memref<16384x200x128xf32, #tpu.memory_space<hbm>> -> memref<1x200x128xf32, #tpu.memory_space<hbm>>
      %dma_start3A_1158 = tpu.memref_squeeze %dma_start3A_1157 : memref<1x200x128xf32, #tpu.memory_space<hbm>> -> memref<200x128xf32, #tpu.memory_space<hbm>>
      %dma_start3A_1159 = arith.constant 0 : i32
      %dma_start3A_1160 = arith.constant 0 : i32
      %dma_start3A_1161 = tpu.memref_slice %arg10[%dma_start3A_1159, %dma_start3A_1160] : memref<400x128xf32, #tpu.memory_space<vmem>> -> memref<200x128xf32, #tpu.memory_space<vmem>>
      tpu.enqueue_dma source(%dma_start3A_1161 : memref<200x128xf32, #tpu.memory_space<vmem>>) target(%dma_start3A_1158 : memref<200x128xf32, #tpu.memory_space<hbm>>) target_semaphore(%arg18 : memref<!tpu.dma_semaphore, #tpu.memory_space<semaphore_mem>>)
      %dma_start3A_1162 = arith.constant 200 : i32
      %dma_start3A_1163 = arith.constant 0 : i32
      %dma_start3A_1164 = tpu.memref_slice %arg10[%dma_start3A_1162, %dma_start3A_1163] : memref<400x128xf32, #tpu.memory_space<vmem>> -> memref<200x128xf32, #tpu.memory_space<vmem>>
      %dma_start3A_1165 = arith.constant 0 : i32
      %dma_start3A_1166 = arith.constant 0 : i32
      %dma_start3A_1167 = tpu.memref_slice %arg4[%add3A_1147, %dma_start3A_1165, %dma_start3A_1166] : memref<16384x200x128xf32, #tpu.memory_space<hbm>> -> memref<1x200x128xf32, #tpu.memory_space<hbm>>
      %dma_start3A_1168 = tpu.memref_squeeze %dma_start3A_1167 : memref<1x200x128xf32, #tpu.memory_space<hbm>> -> memref<200x128xf32, #tpu.memory_space<hbm>>
      %dma_start3A_1169 = arith.constant 0 : i32
      %dma_start3A_1170 = arith.constant 0 : i32
      %dma_start3A_1171 = tpu.memref_slice %arg4[%add3A_1147, %dma_start3A_1169, %dma_start3A_1170] : memref<16384x200x128xf32, #tpu.memory_space<hbm>> -> memref<1x200x128xf32, #tpu.memory_space<hbm>>
      %dma_start3A_1172 = tpu.memref_squeeze %dma_start3A_1171 : memref<1x200x128xf32, #tpu.memory_space<hbm>> -> memref<200x128xf32, #tpu.memory_space<hbm>>
      %dma_start3A_1173 = arith.constant 200 : i32
      %dma_start3A_1174 = arith.constant 0 : i32
      %dma_start3A_1175 = tpu.memref_slice %arg10[%dma_start3A_1173, %dma_start3A_1174] : memref<400x128xf32, #tpu.memory_space<vmem>> -> memref<200x128xf32, #tpu.memory_space<vmem>>
      tpu.enqueue_dma source(%dma_start3A_1175 : memref<200x128xf32, #tpu.memory_space<vmem>>) target(%dma_start3A_1172 : memref<200x128xf32, #tpu.memory_space<hbm>>) target_semaphore(%arg18 : memref<!tpu.dma_semaphore, #tpu.memory_space<semaphore_mem>>)
      %add3A_1176 = arith.constant 4 : i32
      %add3A_1177 = arith.addi %add3A_1042, %add3A_1176 : i32
      %sub3A_1178 = arith.constant 1 : i32
      %sub3A_1179 = arith.subi %add3A_1177, %sub3A_1178 : i32
      %mul3A_1180 = arith.constant 400 : i32
      %mul3A_1181 = arith.muli %sub3A_1179, %mul3A_1180 : i32
      %add3A_1182 = arith.addi %mul3A_2, %mul3A_1181 : i32
      %dma_start3A_1183 = tpu.memref_slice %arg2[%add3A_1182] : memref<3276800xi32, #tpu.memory_space<hbm>> -> memref<400xi32, #tpu.memory_space<hbm>>
      %dma_start3A_1184 = tpu.memref_slice %arg2[%add3A_1182] : memref<3276800xi32, #tpu.memory_space<hbm>> -> memref<400xi32, #tpu.memory_space<hbm>>
      tpu.enqueue_dma source(%dma_start3A_1184 : memref<400xi32, #tpu.memory_space<hbm>>) target(%arg8 : memref<400xi32, #tpu.memory_space<vmem>>) target_semaphore(%arg14 : memref<!tpu.dma_semaphore, #tpu.memory_space<semaphore_mem>>)
      %mul3A_1185 = arith.constant 4 : i32
      %mul3A_1186 = arith.muli %scan3A_1038, %mul3A_1185 : i32
      %add3A_1187 = arith.constant 1 : i32
      %add3A_1188 = arith.addi %mul3A_1186, %add3A_1187 : i32
      %mul3A_1189 = arith.constant 400 : i32
      %mul3A_1190 = arith.muli %add3A_1188, %mul3A_1189 : i32
      %add3A_1191 = arith.addi %mul3A_2, %mul3A_1190 : i32
      %dma_wait3A_1192 = tpu.memref_slice %arg2[%add3A_1191] : memref<3276800xi32, #tpu.memory_space<hbm>> -> memref<400xi32, #tpu.memory_space<hbm>>
      %dma_wait3A_1193 = tpu.memref_slice %arg2[%add3A_1191] : memref<3276800xi32, #tpu.memory_space<hbm>> -> memref<400xi32, #tpu.memory_space<hbm>>
      tpu.wait_dma2 semaphore(%arg12 : memref<!tpu.dma_semaphore, #tpu.memory_space<semaphore_mem>>) src(%dma_wait3A_1193 : memref<400xi32, #tpu.memory_space<hbm>>) dst(%arg6 : memref<400xi32, #tpu.memory_space<vmem>>)
      %sub3A_1194 = arith.constant 2 : i32
      %sub3A_1195 = arith.subi %add3A_1188, %sub3A_1194 : i32
      %mul3A_1196 = arith.constant 400 : i32
      %mul3A_1197 = arith.muli %sub3A_1195, %mul3A_1196 : i32
      %add3A_1198 = arith.addi %mul3A_2, %mul3A_1197 : i32
      %jit3A_1199 = arith.constant 200 : i32
      %div3A_1200 = arith.divsi %add3A_1198, %jit3A_1199 : i32
      %sign3A_1201 = arith.constant 0 : i32
      %sign3A_1202 = arith.cmpi sgt, %add3A_1198, %sign3A_1201 : i32
      %sign3A_1203 = arith.extui %sign3A_1202 : i1 to i32
      %sign3A_1204 = arith.constant 0 : i32
      %sign3A_1205 = arith.cmpi slt, %add3A_1198, %sign3A_1204 : i32
      %sign3A_1206 = arith.extui %sign3A_1205 : i1 to i32
      %sign3A_1207 = arith.subi %sign3A_1203, %sign3A_1206 : i32
      %sign3A_1208 = arith.constant 0 : i32
      %sign3A_1209 = arith.cmpi sgt, %jit3A_1199, %sign3A_1208 : i32
      %sign3A_1210 = arith.extui %sign3A_1209 : i1 to i32
      %sign3A_1211 = arith.constant 0 : i32
      %sign3A_1212 = arith.cmpi slt, %jit3A_1199, %sign3A_1211 : i32
      %sign3A_1213 = arith.extui %sign3A_1212 : i1 to i32
      %sign3A_1214 = arith.subi %sign3A_1210, %sign3A_1213 : i32
      %ne3A_1215 = arith.cmpi ne, %sign3A_1207, %sign3A_1214 : i32
      %rem3A_1216 = arith.remsi %add3A_1198, %jit3A_1199 : i32
      %ne3A_1217 = arith.constant 0 : i32
      %ne3A_1218 = arith.cmpi ne, %rem3A_1216, %ne3A_1217 : i32
      %and3A_1219 = arith.andi %ne3A_1215, %ne3A_1218 : i1
      %sub3A_1220 = arith.constant 1 : i32
      %sub3A_1221 = arith.subi %div3A_1200, %sub3A_1220 : i32
      %select_n3A_1222 = arith.select %and3A_1219, %sub3A_1221, %div3A_1200 : i32
      %add3A_1223 = arith.constant 0 : i32
      %add3A_1224 = arith.addi %select_n3A_1222, %add3A_1223 : i32
      %add3A_1225 = arith.constant 1 : i32
      %add3A_1226 = arith.addi %select_n3A_1222, %add3A_1225 : i32
      %dma_wait3A_1227 = arith.constant 0 : i32
      %dma_wait3A_1228 = arith.constant 0 : i32
      %dma_wait3A_1229 = tpu.memref_slice %arg10[%dma_wait3A_1227, %dma_wait3A_1228] : memref<400x128xf32, #tpu.memory_space<vmem>> -> memref<200x128xf32, #tpu.memory_space<vmem>>
      %dma_wait3A_1230 = arith.constant 0 : i32
      %dma_wait3A_1231 = arith.constant 0 : i32
      %dma_wait3A_1232 = tpu.memref_slice %arg4[%add3A_1224, %dma_wait3A_1230, %dma_wait3A_1231] : memref<16384x200x128xf32, #tpu.memory_space<hbm>> -> memref<1x200x128xf32, #tpu.memory_space<hbm>>
      %dma_wait3A_1233 = tpu.memref_squeeze %dma_wait3A_1232 : memref<1x200x128xf32, #tpu.memory_space<hbm>> -> memref<200x128xf32, #tpu.memory_space<hbm>>
      %dma_wait3A_1234 = arith.constant 0 : i32
      %dma_wait3A_1235 = arith.constant 0 : i32
      %dma_wait3A_1236 = tpu.memref_slice %arg4[%add3A_1224, %dma_wait3A_1234, %dma_wait3A_1235] : memref<16384x200x128xf32, #tpu.memory_space<hbm>> -> memref<1x200x128xf32, #tpu.memory_space<hbm>>
      %dma_wait3A_1237 = tpu.memref_squeeze %dma_wait3A_1236 : memref<1x200x128xf32, #tpu.memory_space<hbm>> -> memref<200x128xf32, #tpu.memory_space<hbm>>
      %dma_wait3A_1238 = arith.constant 0 : i32
      %dma_wait3A_1239 = arith.constant 0 : i32
      %dma_wait3A_1240 = tpu.memref_slice %arg10[%dma_wait3A_1238, %dma_wait3A_1239] : memref<400x128xf32, #tpu.memory_space<vmem>> -> memref<200x128xf32, #tpu.memory_space<vmem>>
      tpu.wait_dma2 semaphore(%arg18 : memref<!tpu.dma_semaphore, #tpu.memory_space<semaphore_mem>>) src(%dma_wait3A_1240 : memref<200x128xf32, #tpu.memory_space<vmem>>) dst(%dma_wait3A_1237 : memref<200x128xf32, #tpu.memory_space<hbm>>)
      %dma_wait3A_1241 = arith.constant 200 : i32
      %dma_wait3A_1242 = arith.constant 0 : i32
      %dma_wait3A_1243 = tpu.memref_slice %arg10[%dma_wait3A_1241, %dma_wait3A_1242] : memref<400x128xf32, #tpu.memory_space<vmem>> -> memref<200x128xf32, #tpu.memory_space<vmem>>
      %dma_wait3A_1244 = arith.constant 0 : i32
      %dma_wait3A_1245 = arith.constant 0 : i32
      %dma_wait3A_1246 = tpu.memref_slice %arg4[%add3A_1226, %dma_wait3A_1244, %dma_wait3A_1245] : memref<16384x200x128xf32, #tpu.memory_space<hbm>> -> memref<1x200x128xf32, #tpu.memory_space<hbm>>
      %dma_wait3A_1247 = tpu.memref_squeeze %dma_wait3A_1246 : memref<1x200x128xf32, #tpu.memory_space<hbm>> -> memref<200x128xf32, #tpu.memory_space<hbm>>
      %dma_wait3A_1248 = arith.constant 0 : i32
      %dma_wait3A_1249 = arith.constant 0 : i32
      %dma_wait3A_1250 = tpu.memref_slice %arg4[%add3A_1226, %dma_wait3A_1248, %dma_wait3A_1249] : memref<16384x200x128xf32, #tpu.memory_space<hbm>> -> memref<1x200x128xf32, #tpu.memory_space<hbm>>
      %dma_wait3A_1251 = tpu.memref_squeeze %dma_wait3A_1250 : memref<1x200x128xf32, #tpu.memory_space<hbm>> -> memref<200x128xf32, #tpu.memory_space<hbm>>
      %dma_wait3A_1252 = arith.constant 200 : i32
      %dma_wait3A_1253 = arith.constant 0 : i32
      %dma_wait3A_1254 = tpu.memref_slice %arg10[%dma_wait3A_1252, %dma_wait3A_1253] : memref<400x128xf32, #tpu.memory_space<vmem>> -> memref<200x128xf32, #tpu.memory_space<vmem>>
      tpu.wait_dma2 semaphore(%arg18 : memref<!tpu.dma_semaphore, #tpu.memory_space<semaphore_mem>>) src(%dma_wait3A_1254 : memref<200x128xf32, #tpu.memory_space<vmem>>) dst(%dma_wait3A_1251 : memref<200x128xf32, #tpu.memory_space<hbm>>)
      %dma_start3A_1255 = arith.constant 0 : i32
      %dma_start3A_1256 = arith.constant 0 : i32
      %dma_start3A_1257 = tpu.memref_slice %arg3[%dma_start3A_1255, %dma_start3A_1256] : memref<1000000x128xf32, #tpu.memory_space<hbm>> -> memref<1000000x128xf32, #tpu.memory_space<hbm>>
      tpu.enqueue_indirect_dma source(%dma_start3A_1257 : memref<1000000x128xf32, #tpu.memory_space<hbm>>) target(%arg10 : memref<400x128xf32, #tpu.memory_space<vmem>>) offsets(%arg6 : memref<400xi32, #tpu.memory_space<vmem>>) semaphore(%arg16 : memref<!tpu.dma_semaphore, #tpu.memory_space<semaphore_mem>>)
      %dma_wait3A_1258 = arith.constant 0 : i32
      %dma_wait3A_1259 = arith.constant 0 : i32
      %dma_wait3A_1260 = tpu.memref_slice %arg3[%dma_wait3A_1258, %dma_wait3A_1259] : memref<1000000x128xf32, #tpu.memory_space<hbm>> -> memref<1000000x128xf32, #tpu.memory_space<hbm>>
      tpu.wait_indirect_dma semaphore(%arg15 : memref<!tpu.dma_semaphore, #tpu.memory_space<semaphore_mem>>) src(%dma_wait3A_1260 : memref<1000000x128xf32, #tpu.memory_space<hbm>>) dst(%arg9 : memref<400x128xf32, #tpu.memory_space<vmem>>)
      %sub3A_1261 = arith.constant 1 : i32
      %sub3A_1262 = arith.subi %add3A_1188, %sub3A_1261 : i32
      %mul3A_1263 = arith.constant 400 : i32
      %mul3A_1264 = arith.muli %sub3A_1262, %mul3A_1263 : i32
      %add3A_1265 = arith.addi %mul3A_2, %mul3A_1264 : i32
      %jit3A_1266 = arith.constant 200 : i32
      %div3A_1267 = arith.divsi %add3A_1265, %jit3A_1266 : i32
      %sign3A_1268 = arith.constant 0 : i32
      %sign3A_1269 = arith.cmpi sgt, %add3A_1265, %sign3A_1268 : i32
      %sign3A_1270 = arith.extui %sign3A_1269 : i1 to i32
      %sign3A_1271 = arith.constant 0 : i32
      %sign3A_1272 = arith.cmpi slt, %add3A_1265, %sign3A_1271 : i32
      %sign3A_1273 = arith.extui %sign3A_1272 : i1 to i32
      %sign3A_1274 = arith.subi %sign3A_1270, %sign3A_1273 : i32
      %sign3A_1275 = arith.constant 0 : i32
      %sign3A_1276 = arith.cmpi sgt, %jit3A_1266, %sign3A_1275 : i32
      %sign3A_1277 = arith.extui %sign3A_1276 : i1 to i32
      %sign3A_1278 = arith.constant 0 : i32
      %sign3A_1279 = arith.cmpi slt, %jit3A_1266, %sign3A_1278 : i32
      %sign3A_1280 = arith.extui %sign3A_1279 : i1 to i32
      %sign3A_1281 = arith.subi %sign3A_1277, %sign3A_1280 : i32
      %ne3A_1282 = arith.cmpi ne, %sign3A_1274, %sign3A_1281 : i32
      %rem3A_1283 = arith.remsi %add3A_1265, %jit3A_1266 : i32
      %ne3A_1284 = arith.constant 0 : i32
      %ne3A_1285 = arith.cmpi ne, %rem3A_1283, %ne3A_1284 : i32
      %and3A_1286 = arith.andi %ne3A_1282, %ne3A_1285 : i1
      %sub3A_1287 = arith.constant 1 : i32
      %sub3A_1288 = arith.subi %div3A_1267, %sub3A_1287 : i32
      %select_n3A_1289 = arith.select %and3A_1286, %sub3A_1288, %div3A_1267 : i32
      %add3A_1290 = arith.constant 0 : i32
      %add3A_1291 = arith.addi %select_n3A_1289, %add3A_1290 : i32
      %add3A_1292 = arith.constant 1 : i32
      %add3A_1293 = arith.addi %select_n3A_1289, %add3A_1292 : i32
      %dma_start3A_1294 = arith.constant 0 : i32
      %dma_start3A_1295 = arith.constant 0 : i32
      %dma_start3A_1296 = tpu.memref_slice %arg9[%dma_start3A_1294, %dma_start3A_1295] : memref<400x128xf32, #tpu.memory_space<vmem>> -> memref<200x128xf32, #tpu.memory_space<vmem>>
      %dma_start3A_1297 = arith.constant 0 : i32
      %dma_start3A_1298 = arith.constant 0 : i32
      %dma_start3A_1299 = tpu.memref_slice %arg4[%add3A_1291, %dma_start3A_1297, %dma_start3A_1298] : memref<16384x200x128xf32, #tpu.memory_space<hbm>> -> memref<1x200x128xf32, #tpu.memory_space<hbm>>
      %dma_start3A_1300 = tpu.memref_squeeze %dma_start3A_1299 : memref<1x200x128xf32, #tpu.memory_space<hbm>> -> memref<200x128xf32, #tpu.memory_space<hbm>>
      %dma_start3A_1301 = arith.constant 0 : i32
      %dma_start3A_1302 = arith.constant 0 : i32
      %dma_start3A_1303 = tpu.memref_slice %arg4[%add3A_1291, %dma_start3A_1301, %dma_start3A_1302] : memref<16384x200x128xf32, #tpu.memory_space<hbm>> -> memref<1x200x128xf32, #tpu.memory_space<hbm>>
      %dma_start3A_1304 = tpu.memref_squeeze %dma_start3A_1303 : memref<1x200x128xf32, #tpu.memory_space<hbm>> -> memref<200x128xf32, #tpu.memory_space<hbm>>
      %dma_start3A_1305 = arith.constant 0 : i32
      %dma_start3A_1306 = arith.constant 0 : i32
      %dma_start3A_1307 = tpu.memref_slice %arg9[%dma_start3A_1305, %dma_start3A_1306] : memref<400x128xf32, #tpu.memory_space<vmem>> -> memref<200x128xf32, #tpu.memory_space<vmem>>
      tpu.enqueue_dma source(%dma_start3A_1307 : memref<200x128xf32, #tpu.memory_space<vmem>>) target(%dma_start3A_1304 : memref<200x128xf32, #tpu.memory_space<hbm>>) target_semaphore(%arg17 : memref<!tpu.dma_semaphore, #tpu.memory_space<semaphore_mem>>)
      %dma_start3A_1308 = arith.constant 200 : i32
      %dma_start3A_1309 = arith.constant 0 : i32
      %dma_start3A_1310 = tpu.memref_slice %arg9[%dma_start3A_1308, %dma_start3A_1309] : memref<400x128xf32, #tpu.memory_space<vmem>> -> memref<200x128xf32, #tpu.memory_space<vmem>>
      %dma_start3A_1311 = arith.constant 0 : i32
      %dma_start3A_1312 = arith.constant 0 : i32
      %dma_start3A_1313 = tpu.memref_slice %arg4[%add3A_1293, %dma_start3A_1311, %dma_start3A_1312] : memref<16384x200x128xf32, #tpu.memory_space<hbm>> -> memref<1x200x128xf32, #tpu.memory_space<hbm>>
      %dma_start3A_1314 = tpu.memref_squeeze %dma_start3A_1313 : memref<1x200x128xf32, #tpu.memory_space<hbm>> -> memref<200x128xf32, #tpu.memory_space<hbm>>
      %dma_start3A_1315 = arith.constant 0 : i32
      %dma_start3A_1316 = arith.constant 0 : i32
      %dma_start3A_1317 = tpu.memref_slice %arg4[%add3A_1293, %dma_start3A_1315, %dma_start3A_1316] : memref<16384x200x128xf32, #tpu.memory_space<hbm>> -> memref<1x200x128xf32, #tpu.memory_space<hbm>>
      %dma_start3A_1318 = tpu.memref_squeeze %dma_start3A_1317 : memref<1x200x128xf32, #tpu.memory_space<hbm>> -> memref<200x128xf32, #tpu.memory_space<hbm>>
      %dma_start3A_1319 = arith.constant 200 : i32
      %dma_start3A_1320 = arith.constant 0 : i32
      %dma_start3A_1321 = tpu.memref_slice %arg9[%dma_start3A_1319, %dma_start3A_1320] : memref<400x128xf32, #tpu.memory_space<vmem>> -> memref<200x128xf32, #tpu.memory_space<vmem>>
      tpu.enqueue_dma source(%dma_start3A_1321 : memref<200x128xf32, #tpu.memory_space<vmem>>) target(%dma_start3A_1318 : memref<200x128xf32, #tpu.memory_space<hbm>>) target_semaphore(%arg17 : memref<!tpu.dma_semaphore, #tpu.memory_space<semaphore_mem>>)
      %add3A_1322 = arith.constant 4 : i32
      %add3A_1323 = arith.addi %add3A_1188, %add3A_1322 : i32
      %sub3A_1324 = arith.constant 1 : i32
      %sub3A_1325 = arith.subi %add3A_1323, %sub3A_1324 : i32
      %mul3A_1326 = arith.constant 400 : i32
      %mul3A_1327 = arith.muli %sub3A_1325, %mul3A_1326 : i32
      %add3A_1328 = arith.addi %mul3A_2, %mul3A_1327 : i32
      %dma_start3A_1329 = tpu.memref_slice %arg2[%add3A_1328] : memref<3276800xi32, #tpu.memory_space<hbm>> -> memref<400xi32, #tpu.memory_space<hbm>>
      %dma_start3A_1330 = tpu.memref_slice %arg2[%add3A_1328] : memref<3276800xi32, #tpu.memory_space<hbm>> -> memref<400xi32, #tpu.memory_space<hbm>>
      tpu.enqueue_dma source(%dma_start3A_1330 : memref<400xi32, #tpu.memory_space<hbm>>) target(%arg5 : memref<400xi32, #tpu.memory_space<vmem>>) target_semaphore(%arg11 : memref<!tpu.dma_semaphore, #tpu.memory_space<semaphore_mem>>)
      %mul3A_1331 = arith.constant 4 : i32
      %mul3A_1332 = arith.muli %scan3A_1038, %mul3A_1331 : i32
      %add3A_1333 = arith.constant 2 : i32
      %add3A_1334 = arith.addi %mul3A_1332, %add3A_1333 : i32
      %mul3A_1335 = arith.constant 400 : i32
      %mul3A_1336 = arith.muli %add3A_1334, %mul3A_1335 : i32
      %add3A_1337 = arith.addi %mul3A_2, %mul3A_1336 : i32
      %dma_wait3A_1338 = tpu.memref_slice %arg2[%add3A_1337] : memref<3276800xi32, #tpu.memory_space<hbm>> -> memref<400xi32, #tpu.memory_space<hbm>>
      %dma_wait3A_1339 = tpu.memref_slice %arg2[%add3A_1337] : memref<3276800xi32, #tpu.memory_space<hbm>> -> memref<400xi32, #tpu.memory_space<hbm>>
      tpu.wait_dma2 semaphore(%arg13 : memref<!tpu.dma_semaphore, #tpu.memory_space<semaphore_mem>>) src(%dma_wait3A_1339 : memref<400xi32, #tpu.memory_space<hbm>>) dst(%arg7 : memref<400xi32, #tpu.memory_space<vmem>>)
      %sub3A_1340 = arith.constant 2 : i32
      %sub3A_1341 = arith.subi %add3A_1334, %sub3A_1340 : i32
      %mul3A_1342 = arith.constant 400 : i32
      %mul3A_1343 = arith.muli %sub3A_1341, %mul3A_1342 : i32
      %add3A_1344 = arith.addi %mul3A_2, %mul3A_1343 : i32
      %jit3A_1345 = arith.constant 200 : i32
      %div3A_1346 = arith.divsi %add3A_1344, %jit3A_1345 : i32
      %sign3A_1347 = arith.constant 0 : i32
      %sign3A_1348 = arith.cmpi sgt, %add3A_1344, %sign3A_1347 : i32
      %sign3A_1349 = arith.extui %sign3A_1348 : i1 to i32
      %sign3A_1350 = arith.constant 0 : i32
      %sign3A_1351 = arith.cmpi slt, %add3A_1344, %sign3A_1350 : i32
      %sign3A_1352 = arith.extui %sign3A_1351 : i1 to i32
      %sign3A_1353 = arith.subi %sign3A_1349, %sign3A_1352 : i32
      %sign3A_1354 = arith.constant 0 : i32
      %sign3A_1355 = arith.cmpi sgt, %jit3A_1345, %sign3A_1354 : i32
      %sign3A_1356 = arith.extui %sign3A_1355 : i1 to i32
      %sign3A_1357 = arith.constant 0 : i32
      %sign3A_1358 = arith.cmpi slt, %jit3A_1345, %sign3A_1357 : i32
      %sign3A_1359 = arith.extui %sign3A_1358 : i1 to i32
      %sign3A_1360 = arith.subi %sign3A_1356, %sign3A_1359 : i32
      %ne3A_1361 = arith.cmpi ne, %sign3A_1353, %sign3A_1360 : i32
      %rem3A_1362 = arith.remsi %add3A_1344, %jit3A_1345 : i32
      %ne3A_1363 = arith.constant 0 : i32
      %ne3A_1364 = arith.cmpi ne, %rem3A_1362, %ne3A_1363 : i32
      %and3A_1365 = arith.andi %ne3A_1361, %ne3A_1364 : i1
      %sub3A_1366 = arith.constant 1 : i32
      %sub3A_1367 = arith.subi %div3A_1346, %sub3A_1366 : i32
      %select_n3A_1368 = arith.select %and3A_1365, %sub3A_1367, %div3A_1346 : i32
      %add3A_1369 = arith.constant 0 : i32
      %add3A_1370 = arith.addi %select_n3A_1368, %add3A_1369 : i32
      %add3A_1371 = arith.constant 1 : i32
      %add3A_1372 = arith.addi %select_n3A_1368, %add3A_1371 : i32
      %dma_wait3A_1373 = arith.constant 0 : i32
      %dma_wait3A_1374 = arith.constant 0 : i32
      %dma_wait3A_1375 = tpu.memref_slice %arg9[%dma_wait3A_1373, %dma_wait3A_1374] : memref<400x128xf32, #tpu.memory_space<vmem>> -> memref<200x128xf32, #tpu.memory_space<vmem>>
      %dma_wait3A_1376 = arith.constant 0 : i32
      %dma_wait3A_1377 = arith.constant 0 : i32
      %dma_wait3A_1378 = tpu.memref_slice %arg4[%add3A_1370, %dma_wait3A_1376, %dma_wait3A_1377] : memref<16384x200x128xf32, #tpu.memory_space<hbm>> -> memref<1x200x128xf32, #tpu.memory_space<hbm>>
      %dma_wait3A_1379 = tpu.memref_squeeze %dma_wait3A_1378 : memref<1x200x128xf32, #tpu.memory_space<hbm>> -> memref<200x128xf32, #tpu.memory_space<hbm>>
      %dma_wait3A_1380 = arith.constant 0 : i32
      %dma_wait3A_1381 = arith.constant 0 : i32
      %dma_wait3A_1382 = tpu.memref_slice %arg4[%add3A_1370, %dma_wait3A_1380, %dma_wait3A_1381] : memref<16384x200x128xf32, #tpu.memory_space<hbm>> -> memref<1x200x128xf32, #tpu.memory_space<hbm>>
      %dma_wait3A_1383 = tpu.memref_squeeze %dma_wait3A_1382 : memref<1x200x128xf32, #tpu.memory_space<hbm>> -> memref<200x128xf32, #tpu.memory_space<hbm>>
      %dma_wait3A_1384 = arith.constant 0 : i32
      %dma_wait3A_1385 = arith.constant 0 : i32
      %dma_wait3A_1386 = tpu.memref_slice %arg9[%dma_wait3A_1384, %dma_wait3A_1385] : memref<400x128xf32, #tpu.memory_space<vmem>> -> memref<200x128xf32, #tpu.memory_space<vmem>>
      tpu.wait_dma2 semaphore(%arg17 : memref<!tpu.dma_semaphore, #tpu.memory_space<semaphore_mem>>) src(%dma_wait3A_1386 : memref<200x128xf32, #tpu.memory_space<vmem>>) dst(%dma_wait3A_1383 : memref<200x128xf32, #tpu.memory_space<hbm>>)
      %dma_wait3A_1387 = arith.constant 200 : i32
      %dma_wait3A_1388 = arith.constant 0 : i32
      %dma_wait3A_1389 = tpu.memref_slice %arg9[%dma_wait3A_1387, %dma_wait3A_1388] : memref<400x128xf32, #tpu.memory_space<vmem>> -> memref<200x128xf32, #tpu.memory_space<vmem>>
      %dma_wait3A_1390 = arith.constant 0 : i32
      %dma_wait3A_1391 = arith.constant 0 : i32
      %dma_wait3A_1392 = tpu.memref_slice %arg4[%add3A_1372, %dma_wait3A_1390, %dma_wait3A_1391] : memref<16384x200x128xf32, #tpu.memory_space<hbm>> -> memref<1x200x128xf32, #tpu.memory_space<hbm>>
      %dma_wait3A_1393 = tpu.memref_squeeze %dma_wait3A_1392 : memref<1x200x128xf32, #tpu.memory_space<hbm>> -> memref<200x128xf32, #tpu.memory_space<hbm>>
      %dma_wait3A_1394 = arith.constant 0 : i32
      %dma_wait3A_1395 = arith.constant 0 : i32
      %dma_wait3A_1396 = tpu.memref_slice %arg4[%add3A_1372, %dma_wait3A_1394, %dma_wait3A_1395] : memref<16384x200x128xf32, #tpu.memory_space<hbm>> -> memref<1x200x128xf32, #tpu.memory_space<hbm>>
      %dma_wait3A_1397 = tpu.memref_squeeze %dma_wait3A_1396 : memref<1x200x128xf32, #tpu.memory_space<hbm>> -> memref<200x128xf32, #tpu.memory_space<hbm>>
      %dma_wait3A_1398 = arith.constant 200 : i32
      %dma_wait3A_1399 = arith.constant 0 : i32
      %dma_wait3A_1400 = tpu.memref_slice %arg9[%dma_wait3A_1398, %dma_wait3A_1399] : memref<400x128xf32, #tpu.memory_space<vmem>> -> memref<200x128xf32, #tpu.memory_space<vmem>>
      tpu.wait_dma2 semaphore(%arg17 : memref<!tpu.dma_semaphore, #tpu.memory_space<semaphore_mem>>) src(%dma_wait3A_1400 : memref<200x128xf32, #tpu.memory_space<vmem>>) dst(%dma_wait3A_1397 : memref<200x128xf32, #tpu.memory_space<hbm>>)
      %dma_start3A_1401 = arith.constant 0 : i32
      %dma_start3A_1402 = arith.constant 0 : i32
      %dma_start3A_1403 = tpu.memref_slice %arg3[%dma_start3A_1401, %dma_start3A_1402] : memref<1000000x128xf32, #tpu.memory_space<hbm>> -> memref<1000000x128xf32, #tpu.memory_space<hbm>>
      tpu.enqueue_indirect_dma source(%dma_start3A_1403 : memref<1000000x128xf32, #tpu.memory_space<hbm>>) target(%arg9 : memref<400x128xf32, #tpu.memory_space<vmem>>) offsets(%arg7 : memref<400xi32, #tpu.memory_space<vmem>>) semaphore(%arg15 : memref<!tpu.dma_semaphore, #tpu.memory_space<semaphore_mem>>)
      %dma_wait3A_1404 = arith.constant 0 : i32
      %dma_wait3A_1405 = arith.constant 0 : i32
      %dma_wait3A_1406 = tpu.memref_slice %arg3[%dma_wait3A_1404, %dma_wait3A_1405] : memref<1000000x128xf32, #tpu.memory_space<hbm>> -> memref<1000000x128xf32, #tpu.memory_space<hbm>>
      tpu.wait_indirect_dma semaphore(%arg16 : memref<!tpu.dma_semaphore, #tpu.memory_space<semaphore_mem>>) src(%dma_wait3A_1406 : memref<1000000x128xf32, #tpu.memory_space<hbm>>) dst(%arg10 : memref<400x128xf32, #tpu.memory_space<vmem>>)
      %sub3A_1407 = arith.constant 1 : i32
      %sub3A_1408 = arith.subi %add3A_1334, %sub3A_1407 : i32
      %mul3A_1409 = arith.constant 400 : i32
      %mul3A_1410 = arith.muli %sub3A_1408, %mul3A_1409 : i32
      %add3A_1411 = arith.addi %mul3A_2, %mul3A_1410 : i32
      %jit3A_1412 = arith.constant 200 : i32
      %div3A_1413 = arith.divsi %add3A_1411, %jit3A_1412 : i32
      %sign3A_1414 = arith.constant 0 : i32
      %sign3A_1415 = arith.cmpi sgt, %add3A_1411, %sign3A_1414 : i32
      %sign3A_1416 = arith.extui %sign3A_1415 : i1 to i32
      %sign3A_1417 = arith.constant 0 : i32
      %sign3A_1418 = arith.cmpi slt, %add3A_1411, %sign3A_1417 : i32
      %sign3A_1419 = arith.extui %sign3A_1418 : i1 to i32
      %sign3A_1420 = arith.subi %sign3A_1416, %sign3A_1419 : i32
      %sign3A_1421 = arith.constant 0 : i32
      %sign3A_1422 = arith.cmpi sgt, %jit3A_1412, %sign3A_1421 : i32
      %sign3A_1423 = arith.extui %sign3A_1422 : i1 to i32
      %sign3A_1424 = arith.constant 0 : i32
      %sign3A_1425 = arith.cmpi slt, %jit3A_1412, %sign3A_1424 : i32
      %sign3A_1426 = arith.extui %sign3A_1425 : i1 to i32
      %sign3A_1427 = arith.subi %sign3A_1423, %sign3A_1426 : i32
      %ne3A_1428 = arith.cmpi ne, %sign3A_1420, %sign3A_1427 : i32
      %rem3A_1429 = arith.remsi %add3A_1411, %jit3A_1412 : i32
      %ne3A_1430 = arith.constant 0 : i32
      %ne3A_1431 = arith.cmpi ne, %rem3A_1429, %ne3A_1430 : i32
      %and3A_1432 = arith.andi %ne3A_1428, %ne3A_1431 : i1
      %sub3A_1433 = arith.constant 1 : i32
      %sub3A_1434 = arith.subi %div3A_1413, %sub3A_1433 : i32
      %select_n3A_1435 = arith.select %and3A_1432, %sub3A_1434, %div3A_1413 : i32
      %add3A_1436 = arith.constant 0 : i32
      %add3A_1437 = arith.addi %select_n3A_1435, %add3A_1436 : i32
      %add3A_1438 = arith.constant 1 : i32
      %add3A_1439 = arith.addi %select_n3A_1435, %add3A_1438 : i32
      %dma_start3A_1440 = arith.constant 0 : i32
      %dma_start3A_1441 = arith.constant 0 : i32
      %dma_start3A_1442 = tpu.memref_slice %arg10[%dma_start3A_1440, %dma_start3A_1441] : memref<400x128xf32, #tpu.memory_space<vmem>> -> memref<200x128xf32, #tpu.memory_space<vmem>>
      %dma_start3A_1443 = arith.constant 0 : i32
      %dma_start3A_1444 = arith.constant 0 : i32
      %dma_start3A_1445 = tpu.memref_slice %arg4[%add3A_1437, %dma_start3A_1443, %dma_start3A_1444] : memref<16384x200x128xf32, #tpu.memory_space<hbm>> -> memref<1x200x128xf32, #tpu.memory_space<hbm>>
      %dma_start3A_1446 = tpu.memref_squeeze %dma_start3A_1445 : memref<1x200x128xf32, #tpu.memory_space<hbm>> -> memref<200x128xf32, #tpu.memory_space<hbm>>
      %dma_start3A_1447 = arith.constant 0 : i32
      %dma_start3A_1448 = arith.constant 0 : i32
      %dma_start3A_1449 = tpu.memref_slice %arg4[%add3A_1437, %dma_start3A_1447, %dma_start3A_1448] : memref<16384x200x128xf32, #tpu.memory_space<hbm>> -> memref<1x200x128xf32, #tpu.memory_space<hbm>>
      %dma_start3A_1450 = tpu.memref_squeeze %dma_start3A_1449 : memref<1x200x128xf32, #tpu.memory_space<hbm>> -> memref<200x128xf32, #tpu.memory_space<hbm>>
      %dma_start3A_1451 = arith.constant 0 : i32
      %dma_start3A_1452 = arith.constant 0 : i32
      %dma_start3A_1453 = tpu.memref_slice %arg10[%dma_start3A_1451, %dma_start3A_1452] : memref<400x128xf32, #tpu.memory_space<vmem>> -> memref<200x128xf32, #tpu.memory_space<vmem>>
      tpu.enqueue_dma source(%dma_start3A_1453 : memref<200x128xf32, #tpu.memory_space<vmem>>) target(%dma_start3A_1450 : memref<200x128xf32, #tpu.memory_space<hbm>>) target_semaphore(%arg18 : memref<!tpu.dma_semaphore, #tpu.memory_space<semaphore_mem>>)
      %dma_start3A_1454 = arith.constant 200 : i32
      %dma_start3A_1455 = arith.constant 0 : i32
      %dma_start3A_1456 = tpu.memref_slice %arg10[%dma_start3A_1454, %dma_start3A_1455] : memref<400x128xf32, #tpu.memory_space<vmem>> -> memref<200x128xf32, #tpu.memory_space<vmem>>
      %dma_start3A_1457 = arith.constant 0 : i32
      %dma_start3A_1458 = arith.constant 0 : i32
      %dma_start3A_1459 = tpu.memref_slice %arg4[%add3A_1439, %dma_start3A_1457, %dma_start3A_1458] : memref<16384x200x128xf32, #tpu.memory_space<hbm>> -> memref<1x200x128xf32, #tpu.memory_space<hbm>>
      %dma_start3A_1460 = tpu.memref_squeeze %dma_start3A_1459 : memref<1x200x128xf32, #tpu.memory_space<hbm>> -> memref<200x128xf32, #tpu.memory_space<hbm>>
      %dma_start3A_1461 = arith.constant 0 : i32
      %dma_start3A_1462 = arith.constant 0 : i32
      %dma_start3A_1463 = tpu.memref_slice %arg4[%add3A_1439, %dma_start3A_1461, %dma_start3A_1462] : memref<16384x200x128xf32, #tpu.memory_space<hbm>> -> memref<1x200x128xf32, #tpu.memory_space<hbm>>
      %dma_start3A_1464 = tpu.memref_squeeze %dma_start3A_1463 : memref<1x200x128xf32, #tpu.memory_space<hbm>> -> memref<200x128xf32, #tpu.memory_space<hbm>>
      %dma_start3A_1465 = arith.constant 200 : i32
      %dma_start3A_1466 = arith.constant 0 : i32
      %dma_start3A_1467 = tpu.memref_slice %arg10[%dma_start3A_1465, %dma_start3A_1466] : memref<400x128xf32, #tpu.memory_space<vmem>> -> memref<200x128xf32, #tpu.memory_space<vmem>>
      tpu.enqueue_dma source(%dma_start3A_1467 : memref<200x128xf32, #tpu.memory_space<vmem>>) target(%dma_start3A_1464 : memref<200x128xf32, #tpu.memory_space<hbm>>) target_semaphore(%arg18 : memref<!tpu.dma_semaphore, #tpu.memory_space<semaphore_mem>>)
      %add3A_1468 = arith.constant 4 : i32
      %add3A_1469 = arith.addi %add3A_1334, %add3A_1468 : i32
      %sub3A_1470 = arith.constant 1 : i32
      %sub3A_1471 = arith.subi %add3A_1469, %sub3A_1470 : i32
      %mul3A_1472 = arith.constant 400 : i32
      %mul3A_1473 = arith.muli %sub3A_1471, %mul3A_1472 : i32
      %add3A_1474 = arith.addi %mul3A_2, %mul3A_1473 : i32
      %dma_start3A_1475 = tpu.memref_slice %arg2[%add3A_1474] : memref<3276800xi32, #tpu.memory_space<hbm>> -> memref<400xi32, #tpu.memory_space<hbm>>
      %dma_start3A_1476 = tpu.memref_slice %arg2[%add3A_1474] : memref<3276800xi32, #tpu.memory_space<hbm>> -> memref<400xi32, #tpu.memory_space<hbm>>
      tpu.enqueue_dma source(%dma_start3A_1476 : memref<400xi32, #tpu.memory_space<hbm>>) target(%arg6 : memref<400xi32, #tpu.memory_space<vmem>>) target_semaphore(%arg12 : memref<!tpu.dma_semaphore, #tpu.memory_space<semaphore_mem>>)
      %mul3A_1477 = arith.constant 4 : i32
      %mul3A_1478 = arith.muli %scan3A_1038, %mul3A_1477 : i32
      %add3A_1479 = arith.constant 3 : i32
      %add3A_1480 = arith.addi %mul3A_1478, %add3A_1479 : i32
      %mul3A_1481 = arith.constant 400 : i32
      %mul3A_1482 = arith.muli %add3A_1480, %mul3A_1481 : i32
      %add3A_1483 = arith.addi %mul3A_2, %mul3A_1482 : i32
      %dma_wait3A_1484 = tpu.memref_slice %arg2[%add3A_1483] : memref<3276800xi32, #tpu.memory_space<hbm>> -> memref<400xi32, #tpu.memory_space<hbm>>
      %dma_wait3A_1485 = tpu.memref_slice %arg2[%add3A_1483] : memref<3276800xi32, #tpu.memory_space<hbm>> -> memref<400xi32, #tpu.memory_space<hbm>>
      tpu.wait_dma2 semaphore(%arg14 : memref<!tpu.dma_semaphore, #tpu.memory_space<semaphore_mem>>) src(%dma_wait3A_1485 : memref<400xi32, #tpu.memory_space<hbm>>) dst(%arg8 : memref<400xi32, #tpu.memory_space<vmem>>)
      %sub3A_1486 = arith.constant 2 : i32
      %sub3A_1487 = arith.subi %add3A_1480, %sub3A_1486 : i32
      %mul3A_1488 = arith.constant 400 : i32
      %mul3A_1489 = arith.muli %sub3A_1487, %mul3A_1488 : i32
      %add3A_1490 = arith.addi %mul3A_2, %mul3A_1489 : i32
      %jit3A_1491 = arith.constant 200 : i32
      %div3A_1492 = arith.divsi %add3A_1490, %jit3A_1491 : i32
      %sign3A_1493 = arith.constant 0 : i32
      %sign3A_1494 = arith.cmpi sgt, %add3A_1490, %sign3A_1493 : i32
      %sign3A_1495 = arith.extui %sign3A_1494 : i1 to i32
      %sign3A_1496 = arith.constant 0 : i32
      %sign3A_1497 = arith.cmpi slt, %add3A_1490, %sign3A_1496 : i32
      %sign3A_1498 = arith.extui %sign3A_1497 : i1 to i32
      %sign3A_1499 = arith.subi %sign3A_1495, %sign3A_1498 : i32
      %sign3A_1500 = arith.constant 0 : i32
      %sign3A_1501 = arith.cmpi sgt, %jit3A_1491, %sign3A_1500 : i32
      %sign3A_1502 = arith.extui %sign3A_1501 : i1 to i32
      %sign3A_1503 = arith.constant 0 : i32
      %sign3A_1504 = arith.cmpi slt, %jit3A_1491, %sign3A_1503 : i32
      %sign3A_1505 = arith.extui %sign3A_1504 : i1 to i32
      %sign3A_1506 = arith.subi %sign3A_1502, %sign3A_1505 : i32
      %ne3A_1507 = arith.cmpi ne, %sign3A_1499, %sign3A_1506 : i32
      %rem3A_1508 = arith.remsi %add3A_1490, %jit3A_1491 : i32
      %ne3A_1509 = arith.constant 0 : i32
      %ne3A_1510 = arith.cmpi ne, %rem3A_1508, %ne3A_1509 : i32
      %and3A_1511 = arith.andi %ne3A_1507, %ne3A_1510 : i1
      %sub3A_1512 = arith.constant 1 : i32
      %sub3A_1513 = arith.subi %div3A_1492, %sub3A_1512 : i32
      %select_n3A_1514 = arith.select %and3A_1511, %sub3A_1513, %div3A_1492 : i32
      %add3A_1515 = arith.constant 0 : i32
      %add3A_1516 = arith.addi %select_n3A_1514, %add3A_1515 : i32
      %add3A_1517 = arith.constant 1 : i32
      %add3A_1518 = arith.addi %select_n3A_1514, %add3A_1517 : i32
      %dma_wait3A_1519 = arith.constant 0 : i32
      %dma_wait3A_1520 = arith.constant 0 : i32
      %dma_wait3A_1521 = tpu.memref_slice %arg10[%dma_wait3A_1519, %dma_wait3A_1520] : memref<400x128xf32, #tpu.memory_space<vmem>> -> memref<200x128xf32, #tpu.memory_space<vmem>>
      %dma_wait3A_1522 = arith.constant 0 : i32
      %dma_wait3A_1523 = arith.constant 0 : i32
      %dma_wait3A_1524 = tpu.memref_slice %arg4[%add3A_1516, %dma_wait3A_1522, %dma_wait3A_1523] : memref<16384x200x128xf32, #tpu.memory_space<hbm>> -> memref<1x200x128xf32, #tpu.memory_space<hbm>>
      %dma_wait3A_1525 = tpu.memref_squeeze %dma_wait3A_1524 : memref<1x200x128xf32, #tpu.memory_space<hbm>> -> memref<200x128xf32, #tpu.memory_space<hbm>>
      %dma_wait3A_1526 = arith.constant 0 : i32
      %dma_wait3A_1527 = arith.constant 0 : i32
      %dma_wait3A_1528 = tpu.memref_slice %arg4[%add3A_1516, %dma_wait3A_1526, %dma_wait3A_1527] : memref<16384x200x128xf32, #tpu.memory_space<hbm>> -> memref<1x200x128xf32, #tpu.memory_space<hbm>>
      %dma_wait3A_1529 = tpu.memref_squeeze %dma_wait3A_1528 : memref<1x200x128xf32, #tpu.memory_space<hbm>> -> memref<200x128xf32, #tpu.memory_space<hbm>>
      %dma_wait3A_1530 = arith.constant 0 : i32
      %dma_wait3A_1531 = arith.constant 0 : i32
      %dma_wait3A_1532 = tpu.memref_slice %arg10[%dma_wait3A_1530, %dma_wait3A_1531] : memref<400x128xf32, #tpu.memory_space<vmem>> -> memref<200x128xf32, #tpu.memory_space<vmem>>
      tpu.wait_dma2 semaphore(%arg18 : memref<!tpu.dma_semaphore, #tpu.memory_space<semaphore_mem>>) src(%dma_wait3A_1532 : memref<200x128xf32, #tpu.memory_space<vmem>>) dst(%dma_wait3A_1529 : memref<200x128xf32, #tpu.memory_space<hbm>>)
      %dma_wait3A_1533 = arith.constant 200 : i32
      %dma_wait3A_1534 = arith.constant 0 : i32
      %dma_wait3A_1535 = tpu.memref_slice %arg10[%dma_wait3A_1533, %dma_wait3A_1534] : memref<400x128xf32, #tpu.memory_space<vmem>> -> memref<200x128xf32, #tpu.memory_space<vmem>>
      %dma_wait3A_1536 = arith.constant 0 : i32
      %dma_wait3A_1537 = arith.constant 0 : i32
      %dma_wait3A_1538 = tpu.memref_slice %arg4[%add3A_1518, %dma_wait3A_1536, %dma_wait3A_1537] : memref<16384x200x128xf32, #tpu.memory_space<hbm>> -> memref<1x200x128xf32, #tpu.memory_space<hbm>>
      %dma_wait3A_1539 = tpu.memref_squeeze %dma_wait3A_1538 : memref<1x200x128xf32, #tpu.memory_space<hbm>> -> memref<200x128xf32, #tpu.memory_space<hbm>>
      %dma_wait3A_1540 = arith.constant 0 : i32
      %dma_wait3A_1541 = arith.constant 0 : i32
      %dma_wait3A_1542 = tpu.memref_slice %arg4[%add3A_1518, %dma_wait3A_1540, %dma_wait3A_1541] : memref<16384x200x128xf32, #tpu.memory_space<hbm>> -> memref<1x200x128xf32, #tpu.memory_space<hbm>>
      %dma_wait3A_1543 = tpu.memref_squeeze %dma_wait3A_1542 : memref<1x200x128xf32, #tpu.memory_space<hbm>> -> memref<200x128xf32, #tpu.memory_space<hbm>>
      %dma_wait3A_1544 = arith.constant 200 : i32
      %dma_wait3A_1545 = arith.constant 0 : i32
      %dma_wait3A_1546 = tpu.memref_slice %arg10[%dma_wait3A_1544, %dma_wait3A_1545] : memref<400x128xf32, #tpu.memory_space<vmem>> -> memref<200x128xf32, #tpu.memory_space<vmem>>
      tpu.wait_dma2 semaphore(%arg18 : memref<!tpu.dma_semaphore, #tpu.memory_space<semaphore_mem>>) src(%dma_wait3A_1546 : memref<200x128xf32, #tpu.memory_space<vmem>>) dst(%dma_wait3A_1543 : memref<200x128xf32, #tpu.memory_space<hbm>>)
      %dma_start3A_1547 = arith.constant 0 : i32
      %dma_start3A_1548 = arith.constant 0 : i32
      %dma_start3A_1549 = tpu.memref_slice %arg3[%dma_start3A_1547, %dma_start3A_1548] : memref<1000000x128xf32, #tpu.memory_space<hbm>> -> memref<1000000x128xf32, #tpu.memory_space<hbm>>
      tpu.enqueue_indirect_dma source(%dma_start3A_1549 : memref<1000000x128xf32, #tpu.memory_space<hbm>>) target(%arg10 : memref<400x128xf32, #tpu.memory_space<vmem>>) offsets(%arg8 : memref<400xi32, #tpu.memory_space<vmem>>) semaphore(%arg16 : memref<!tpu.dma_semaphore, #tpu.memory_space<semaphore_mem>>)
      %dma_wait3A_1550 = arith.constant 0 : i32
      %dma_wait3A_1551 = arith.constant 0 : i32
      %dma_wait3A_1552 = tpu.memref_slice %arg3[%dma_wait3A_1550, %dma_wait3A_1551] : memref<1000000x128xf32, #tpu.memory_space<hbm>> -> memref<1000000x128xf32, #tpu.memory_space<hbm>>
      tpu.wait_indirect_dma semaphore(%arg15 : memref<!tpu.dma_semaphore, #tpu.memory_space<semaphore_mem>>) src(%dma_wait3A_1552 : memref<1000000x128xf32, #tpu.memory_space<hbm>>) dst(%arg9 : memref<400x128xf32, #tpu.memory_space<vmem>>)
      %sub3A_1553 = arith.constant 1 : i32
      %sub3A_1554 = arith.subi %add3A_1480, %sub3A_1553 : i32
      %mul3A_1555 = arith.constant 400 : i32
      %mul3A_1556 = arith.muli %sub3A_1554, %mul3A_1555 : i32
      %add3A_1557 = arith.addi %mul3A_2, %mul3A_1556 : i32
      %jit3A_1558 = arith.constant 200 : i32
      %div3A_1559 = arith.divsi %add3A_1557, %jit3A_1558 : i32
      %sign3A_1560 = arith.constant 0 : i32
      %sign3A_1561 = arith.cmpi sgt, %add3A_1557, %sign3A_1560 : i32
      %sign3A_1562 = arith.extui %sign3A_1561 : i1 to i32
      %sign3A_1563 = arith.constant 0 : i32
      %sign3A_1564 = arith.cmpi slt, %add3A_1557, %sign3A_1563 : i32
      %sign3A_1565 = arith.extui %sign3A_1564 : i1 to i32
      %sign3A_1566 = arith.subi %sign3A_1562, %sign3A_1565 : i32
      %sign3A_1567 = arith.constant 0 : i32
      %sign3A_1568 = arith.cmpi sgt, %jit3A_1558, %sign3A_1567 : i32
      %sign3A_1569 = arith.extui %sign3A_1568 : i1 to i32
      %sign3A_1570 = arith.constant 0 : i32
      %sign3A_1571 = arith.cmpi slt, %jit3A_1558, %sign3A_1570 : i32
      %sign3A_1572 = arith.extui %sign3A_1571 : i1 to i32
      %sign3A_1573 = arith.subi %sign3A_1569, %sign3A_1572 : i32
      %ne3A_1574 = arith.cmpi ne, %sign3A_1566, %sign3A_1573 : i32
      %rem3A_1575 = arith.remsi %add3A_1557, %jit3A_1558 : i32
      %ne3A_1576 = arith.constant 0 : i32
      %ne3A_1577 = arith.cmpi ne, %rem3A_1575, %ne3A_1576 : i32
      %and3A_1578 = arith.andi %ne3A_1574, %ne3A_1577 : i1
      %sub3A_1579 = arith.constant 1 : i32
      %sub3A_1580 = arith.subi %div3A_1559, %sub3A_1579 : i32
      %select_n3A_1581 = arith.select %and3A_1578, %sub3A_1580, %div3A_1559 : i32
      %add3A_1582 = arith.constant 0 : i32
      %add3A_1583 = arith.addi %select_n3A_1581, %add3A_1582 : i32
      %add3A_1584 = arith.constant 1 : i32
      %add3A_1585 = arith.addi %select_n3A_1581, %add3A_1584 : i32
      %dma_start3A_1586 = arith.constant 0 : i32
      %dma_start3A_1587 = arith.constant 0 : i32
      %dma_start3A_1588 = tpu.memref_slice %arg9[%dma_start3A_1586, %dma_start3A_1587] : memref<400x128xf32, #tpu.memory_space<vmem>> -> memref<200x128xf32, #tpu.memory_space<vmem>>
      %dma_start3A_1589 = arith.constant 0 : i32
      %dma_start3A_1590 = arith.constant 0 : i32
      %dma_start3A_1591 = tpu.memref_slice %arg4[%add3A_1583, %dma_start3A_1589, %dma_start3A_1590] : memref<16384x200x128xf32, #tpu.memory_space<hbm>> -> memref<1x200x128xf32, #tpu.memory_space<hbm>>
      %dma_start3A_1592 = tpu.memref_squeeze %dma_start3A_1591 : memref<1x200x128xf32, #tpu.memory_space<hbm>> -> memref<200x128xf32, #tpu.memory_space<hbm>>
      %dma_start3A_1593 = arith.constant 0 : i32
      %dma_start3A_1594 = arith.constant 0 : i32
      %dma_start3A_1595 = tpu.memref_slice %arg4[%add3A_1583, %dma_start3A_1593, %dma_start3A_1594] : memref<16384x200x128xf32, #tpu.memory_space<hbm>> -> memref<1x200x128xf32, #tpu.memory_space<hbm>>
      %dma_start3A_1596 = tpu.memref_squeeze %dma_start3A_1595 : memref<1x200x128xf32, #tpu.memory_space<hbm>> -> memref<200x128xf32, #tpu.memory_space<hbm>>
      %dma_start3A_1597 = arith.constant 0 : i32
      %dma_start3A_1598 = arith.constant 0 : i32
      %dma_start3A_1599 = tpu.memref_slice %arg9[%dma_start3A_1597, %dma_start3A_1598] : memref<400x128xf32, #tpu.memory_space<vmem>> -> memref<200x128xf32, #tpu.memory_space<vmem>>
      tpu.enqueue_dma source(%dma_start3A_1599 : memref<200x128xf32, #tpu.memory_space<vmem>>) target(%dma_start3A_1596 : memref<200x128xf32, #tpu.memory_space<hbm>>) target_semaphore(%arg17 : memref<!tpu.dma_semaphore, #tpu.memory_space<semaphore_mem>>)
      %dma_start3A_1600 = arith.constant 200 : i32
      %dma_start3A_1601 = arith.constant 0 : i32
      %dma_start3A_1602 = tpu.memref_slice %arg9[%dma_start3A_1600, %dma_start3A_1601] : memref<400x128xf32, #tpu.memory_space<vmem>> -> memref<200x128xf32, #tpu.memory_space<vmem>>
      %dma_start3A_1603 = arith.constant 0 : i32
      %dma_start3A_1604 = arith.constant 0 : i32
      %dma_start3A_1605 = tpu.memref_slice %arg4[%add3A_1585, %dma_start3A_1603, %dma_start3A_1604] : memref<16384x200x128xf32, #tpu.memory_space<hbm>> -> memref<1x200x128xf32, #tpu.memory_space<hbm>>
      %dma_start3A_1606 = tpu.memref_squeeze %dma_start3A_1605 : memref<1x200x128xf32, #tpu.memory_space<hbm>> -> memref<200x128xf32, #tpu.memory_space<hbm>>
      %dma_start3A_1607 = arith.constant 0 : i32
      %dma_start3A_1608 = arith.constant 0 : i32
      %dma_start3A_1609 = tpu.memref_slice %arg4[%add3A_1585, %dma_start3A_1607, %dma_start3A_1608] : memref<16384x200x128xf32, #tpu.memory_space<hbm>> -> memref<1x200x128xf32, #tpu.memory_space<hbm>>
      %dma_start3A_1610 = tpu.memref_squeeze %dma_start3A_1609 : memref<1x200x128xf32, #tpu.memory_space<hbm>> -> memref<200x128xf32, #tpu.memory_space<hbm>>
      %dma_start3A_1611 = arith.constant 200 : i32
      %dma_start3A_1612 = arith.constant 0 : i32
      %dma_start3A_1613 = tpu.memref_slice %arg9[%dma_start3A_1611, %dma_start3A_1612] : memref<400x128xf32, #tpu.memory_space<vmem>> -> memref<200x128xf32, #tpu.memory_space<vmem>>
      tpu.enqueue_dma source(%dma_start3A_1613 : memref<200x128xf32, #tpu.memory_space<vmem>>) target(%dma_start3A_1610 : memref<200x128xf32, #tpu.memory_space<hbm>>) target_semaphore(%arg17 : memref<!tpu.dma_semaphore, #tpu.memory_space<semaphore_mem>>)
      %add3A_1614 = arith.constant 4 : i32
      %add3A_1615 = arith.addi %add3A_1480, %add3A_1614 : i32
      %sub3A_1616 = arith.constant 1 : i32
      %sub3A_1617 = arith.subi %add3A_1615, %sub3A_1616 : i32
      %mul3A_1618 = arith.constant 400 : i32
      %mul3A_1619 = arith.muli %sub3A_1617, %mul3A_1618 : i32
      %add3A_1620 = arith.addi %mul3A_2, %mul3A_1619 : i32
      %dma_start3A_1621 = tpu.memref_slice %arg2[%add3A_1620] : memref<3276800xi32, #tpu.memory_space<hbm>> -> memref<400xi32, #tpu.memory_space<hbm>>
      %dma_start3A_1622 = tpu.memref_slice %arg2[%add3A_1620] : memref<3276800xi32, #tpu.memory_space<hbm>> -> memref<400xi32, #tpu.memory_space<hbm>>
      tpu.enqueue_dma source(%dma_start3A_1622 : memref<400xi32, #tpu.memory_space<hbm>>) target(%arg7 : memref<400xi32, #tpu.memory_space<vmem>>) target_semaphore(%arg13 : memref<!tpu.dma_semaphore, #tpu.memory_space<semaphore_mem>>)
    }
    %scan3A_352 = arith.constant 62 : i32
    %add3A_353 = arith.constant 100800 : i32
    %add3A_354 = arith.addi %mul3A_2, %add3A_353 : i32
    %dma_wait3A_355 = tpu.memref_slice %arg2[%add3A_354] : memref<3276800xi32, #tpu.memory_space<hbm>> -> memref<400xi32, #tpu.memory_space<hbm>>
    %dma_wait3A_356 = tpu.memref_slice %arg2[%add3A_354] : memref<3276800xi32, #tpu.memory_space<hbm>> -> memref<400xi32, #tpu.memory_space<hbm>>
    tpu.wait_dma2 semaphore(%arg11 : memref<!tpu.dma_semaphore, #tpu.memory_space<semaphore_mem>>) src(%dma_wait3A_356 : memref<400xi32, #tpu.memory_space<hbm>>) dst(%arg5 : memref<400xi32, #tpu.memory_space<vmem>>)
    %add3A_357 = arith.constant 100000 : i32
    %add3A_358 = arith.addi %mul3A_2, %add3A_357 : i32
    %jit3A_359 = arith.constant 200 : i32
    %div3A_360 = arith.divsi %add3A_358, %jit3A_359 : i32
    %sign3A_361 = arith.constant 0 : i32
    %sign3A_362 = arith.cmpi sgt, %add3A_358, %sign3A_361 : i32
    %sign3A_363 = arith.extui %sign3A_362 : i1 to i32
    %sign3A_364 = arith.constant 0 : i32
    %sign3A_365 = arith.cmpi slt, %add3A_358, %sign3A_364 : i32
    %sign3A_366 = arith.extui %sign3A_365 : i1 to i32
    %sign3A_367 = arith.subi %sign3A_363, %sign3A_366 : i32
    %sign3A_368 = arith.constant 0 : i32
    %sign3A_369 = arith.cmpi sgt, %jit3A_359, %sign3A_368 : i32
    %sign3A_370 = arith.extui %sign3A_369 : i1 to i32
    %sign3A_371 = arith.constant 0 : i32
    %sign3A_372 = arith.cmpi slt, %jit3A_359, %sign3A_371 : i32
    %sign3A_373 = arith.extui %sign3A_372 : i1 to i32
    %sign3A_374 = arith.subi %sign3A_370, %sign3A_373 : i32
    %ne3A_375 = arith.cmpi ne, %sign3A_367, %sign3A_374 : i32
    %rem3A_376 = arith.remsi %add3A_358, %jit3A_359 : i32
    %ne3A_377 = arith.constant 0 : i32
    %ne3A_378 = arith.cmpi ne, %rem3A_376, %ne3A_377 : i32
    %and3A_379 = arith.andi %ne3A_375, %ne3A_378 : i1
    %sub3A_380 = arith.constant 1 : i32
    %sub3A_381 = arith.subi %div3A_360, %sub3A_380 : i32
    %select_n3A_382 = arith.select %and3A_379, %sub3A_381, %div3A_360 : i32
    %add3A_383 = arith.constant 0 : i32
    %add3A_384 = arith.addi %select_n3A_382, %add3A_383 : i32
    %add3A_385 = arith.constant 1 : i32
    %add3A_386 = arith.addi %select_n3A_382, %add3A_385 : i32
    %dma_wait3A_387 = arith.constant 0 : i32
    %dma_wait3A_388 = arith.constant 0 : i32
    %dma_wait3A_389 = tpu.memref_slice %arg9[%dma_wait3A_387, %dma_wait3A_388] : memref<400x128xf32, #tpu.memory_space<vmem>> -> memref<200x128xf32, #tpu.memory_space<vmem>>
    %dma_wait3A_390 = arith.constant 0 : i32
    %dma_wait3A_391 = arith.constant 0 : i32
    %dma_wait3A_392 = tpu.memref_slice %arg4[%add3A_384, %dma_wait3A_390, %dma_wait3A_391] : memref<16384x200x128xf32, #tpu.memory_space<hbm>> -> memref<1x200x128xf32, #tpu.memory_space<hbm>>
    %dma_wait3A_393 = tpu.memref_squeeze %dma_wait3A_392 : memref<1x200x128xf32, #tpu.memory_space<hbm>> -> memref<200x128xf32, #tpu.memory_space<hbm>>
    %dma_wait3A_394 = arith.constant 0 : i32
    %dma_wait3A_395 = arith.constant 0 : i32
    %dma_wait3A_396 = tpu.memref_slice %arg4[%add3A_384, %dma_wait3A_394, %dma_wait3A_395] : memref<16384x200x128xf32, #tpu.memory_space<hbm>> -> memref<1x200x128xf32, #tpu.memory_space<hbm>>
    %dma_wait3A_397 = tpu.memref_squeeze %dma_wait3A_396 : memref<1x200x128xf32, #tpu.memory_space<hbm>> -> memref<200x128xf32, #tpu.memory_space<hbm>>
    %dma_wait3A_398 = arith.constant 0 : i32
    %dma_wait3A_399 = arith.constant 0 : i32
    %dma_wait3A_400 = tpu.memref_slice %arg9[%dma_wait3A_398, %dma_wait3A_399] : memref<400x128xf32, #tpu.memory_space<vmem>> -> memref<200x128xf32, #tpu.memory_space<vmem>>
    tpu.wait_dma2 semaphore(%arg17 : memref<!tpu.dma_semaphore, #tpu.memory_space<semaphore_mem>>) src(%dma_wait3A_400 : memref<200x128xf32, #tpu.memory_space<vmem>>) dst(%dma_wait3A_397 : memref<200x128xf32, #tpu.memory_space<hbm>>)
    %dma_wait3A_401 = arith.constant 200 : i32
    %dma_wait3A_402 = arith.constant 0 : i32
    %dma_wait3A_403 = tpu.memref_slice %arg9[%dma_wait3A_401, %dma_wait3A_402] : memref<400x128xf32, #tpu.memory_space<vmem>> -> memref<200x128xf32, #tpu.memory_space<vmem>>
    %dma_wait3A_404 = arith.constant 0 : i32
    %dma_wait3A_405 = arith.constant 0 : i32
    %dma_wait3A_406 = tpu.memref_slice %arg4[%add3A_386, %dma_wait3A_404, %dma_wait3A_405] : memref<16384x200x128xf32, #tpu.memory_space<hbm>> -> memref<1x200x128xf32, #tpu.memory_space<hbm>>
    %dma_wait3A_407 = tpu.memref_squeeze %dma_wait3A_406 : memref<1x200x128xf32, #tpu.memory_space<hbm>> -> memref<200x128xf32, #tpu.memory_space<hbm>>
    %dma_wait3A_408 = arith.constant 0 : i32
    %dma_wait3A_409 = arith.constant 0 : i32
    %dma_wait3A_410 = tpu.memref_slice %arg4[%add3A_386, %dma_wait3A_408, %dma_wait3A_409] : memref<16384x200x128xf32, #tpu.memory_space<hbm>> -> memref<1x200x128xf32, #tpu.memory_space<hbm>>
    %dma_wait3A_411 = tpu.memref_squeeze %dma_wait3A_410 : memref<1x200x128xf32, #tpu.memory_space<hbm>> -> memref<200x128xf32, #tpu.memory_space<hbm>>
    %dma_wait3A_412 = arith.constant 200 : i32
    %dma_wait3A_413 = arith.constant 0 : i32
    %dma_wait3A_414 = tpu.memref_slice %arg9[%dma_wait3A_412, %dma_wait3A_413] : memref<400x128xf32, #tpu.memory_space<vmem>> -> memref<200x128xf32, #tpu.memory_space<vmem>>
    tpu.wait_dma2 semaphore(%arg17 : memref<!tpu.dma_semaphore, #tpu.memory_space<semaphore_mem>>) src(%dma_wait3A_414 : memref<200x128xf32, #tpu.memory_space<vmem>>) dst(%dma_wait3A_411 : memref<200x128xf32, #tpu.memory_space<hbm>>)
    %dma_start3A_415 = arith.constant 0 : i32
    %dma_start3A_416 = arith.constant 0 : i32
    %dma_start3A_417 = tpu.memref_slice %arg3[%dma_start3A_415, %dma_start3A_416] : memref<1000000x128xf32, #tpu.memory_space<hbm>> -> memref<1000000x128xf32, #tpu.memory_space<hbm>>
    tpu.enqueue_indirect_dma source(%dma_start3A_417 : memref<1000000x128xf32, #tpu.memory_space<hbm>>) target(%arg9 : memref<400x128xf32, #tpu.memory_space<vmem>>) offsets(%arg5 : memref<400xi32, #tpu.memory_space<vmem>>) semaphore(%arg15 : memref<!tpu.dma_semaphore, #tpu.memory_space<semaphore_mem>>)
    %dma_wait3A_418 = arith.constant 0 : i32
    %dma_wait3A_419 = arith.constant 0 : i32
    %dma_wait3A_420 = tpu.memref_slice %arg3[%dma_wait3A_418, %dma_wait3A_419] : memref<1000000x128xf32, #tpu.memory_space<hbm>> -> memref<1000000x128xf32, #tpu.memory_space<hbm>>
    tpu.wait_indirect_dma semaphore(%arg16 : memref<!tpu.dma_semaphore, #tpu.memory_space<semaphore_mem>>) src(%dma_wait3A_420 : memref<1000000x128xf32, #tpu.memory_space<hbm>>) dst(%arg10 : memref<400x128xf32, #tpu.memory_space<vmem>>)
    %add3A_421 = arith.constant 100400 : i32
    %add3A_422 = arith.addi %mul3A_2, %add3A_421 : i32
    %jit3A_423 = arith.constant 200 : i32
    %div3A_424 = arith.divsi %add3A_422, %jit3A_423 : i32
    %sign3A_425 = arith.constant 0 : i32
    %sign3A_426 = arith.cmpi sgt, %add3A_422, %sign3A_425 : i32
    %sign3A_427 = arith.extui %sign3A_426 : i1 to i32
    %sign3A_428 = arith.constant 0 : i32
    %sign3A_429 = arith.cmpi slt, %add3A_422, %sign3A_428 : i32
    %sign3A_430 = arith.extui %sign3A_429 : i1 to i32
    %sign3A_431 = arith.subi %sign3A_427, %sign3A_430 : i32
    %sign3A_432 = arith.constant 0 : i32
    %sign3A_433 = arith.cmpi sgt, %jit3A_423, %sign3A_432 : i32
    %sign3A_434 = arith.extui %sign3A_433 : i1 to i32
    %sign3A_435 = arith.constant 0 : i32
    %sign3A_436 = arith.cmpi slt, %jit3A_423, %sign3A_435 : i32
    %sign3A_437 = arith.extui %sign3A_436 : i1 to i32
    %sign3A_438 = arith.subi %sign3A_434, %sign3A_437 : i32
    %ne3A_439 = arith.cmpi ne, %sign3A_431, %sign3A_438 : i32
    %rem3A_440 = arith.remsi %add3A_422, %jit3A_423 : i32
    %ne3A_441 = arith.constant 0 : i32
    %ne3A_442 = arith.cmpi ne, %rem3A_440, %ne3A_441 : i32
    %and3A_443 = arith.andi %ne3A_439, %ne3A_442 : i1
    %sub3A_444 = arith.constant 1 : i32
    %sub3A_445 = arith.subi %div3A_424, %sub3A_444 : i32
    %select_n3A_446 = arith.select %and3A_443, %sub3A_445, %div3A_424 : i32
    %add3A_447 = arith.constant 0 : i32
    %add3A_448 = arith.addi %select_n3A_446, %add3A_447 : i32
    %add3A_449 = arith.constant 1 : i32
    %add3A_450 = arith.addi %select_n3A_446, %add3A_449 : i32
    %dma_start3A_451 = arith.constant 0 : i32
    %dma_start3A_452 = arith.constant 0 : i32
    %dma_start3A_453 = tpu.memref_slice %arg10[%dma_start3A_451, %dma_start3A_452] : memref<400x128xf32, #tpu.memory_space<vmem>> -> memref<200x128xf32, #tpu.memory_space<vmem>>
    %dma_start3A_454 = arith.constant 0 : i32
    %dma_start3A_455 = arith.constant 0 : i32
    %dma_start3A_456 = tpu.memref_slice %arg4[%add3A_448, %dma_start3A_454, %dma_start3A_455] : memref<16384x200x128xf32, #tpu.memory_space<hbm>> -> memref<1x200x128xf32, #tpu.memory_space<hbm>>
    %dma_start3A_457 = tpu.memref_squeeze %dma_start3A_456 : memref<1x200x128xf32, #tpu.memory_space<hbm>> -> memref<200x128xf32, #tpu.memory_space<hbm>>
    %dma_start3A_458 = arith.constant 0 : i32
    %dma_start3A_459 = arith.constant 0 : i32
    %dma_start3A_460 = tpu.memref_slice %arg4[%add3A_448, %dma_start3A_458, %dma_start3A_459] : memref<16384x200x128xf32, #tpu.memory_space<hbm>> -> memref<1x200x128xf32, #tpu.memory_space<hbm>>
    %dma_start3A_461 = tpu.memref_squeeze %dma_start3A_460 : memref<1x200x128xf32, #tpu.memory_space<hbm>> -> memref<200x128xf32, #tpu.memory_space<hbm>>
    %dma_start3A_462 = arith.constant 0 : i32
    %dma_start3A_463 = arith.constant 0 : i32
    %dma_start3A_464 = tpu.memref_slice %arg10[%dma_start3A_462, %dma_start3A_463] : memref<400x128xf32, #tpu.memory_space<vmem>> -> memref<200x128xf32, #tpu.memory_space<vmem>>
    tpu.enqueue_dma source(%dma_start3A_464 : memref<200x128xf32, #tpu.memory_space<vmem>>) target(%dma_start3A_461 : memref<200x128xf32, #tpu.memory_space<hbm>>) target_semaphore(%arg18 : memref<!tpu.dma_semaphore, #tpu.memory_space<semaphore_mem>>)
    %dma_start3A_465 = arith.constant 200 : i32
    %dma_start3A_466 = arith.constant 0 : i32
    %dma_start3A_467 = tpu.memref_slice %arg10[%dma_start3A_465, %dma_start3A_466] : memref<400x128xf32, #tpu.memory_space<vmem>> -> memref<200x128xf32, #tpu.memory_space<vmem>>
    %dma_start3A_468 = arith.constant 0 : i32
    %dma_start3A_469 = arith.constant 0 : i32
    %dma_start3A_470 = tpu.memref_slice %arg4[%add3A_450, %dma_start3A_468, %dma_start3A_469] : memref<16384x200x128xf32, #tpu.memory_space<hbm>> -> memref<1x200x128xf32, #tpu.memory_space<hbm>>
    %dma_start3A_471 = tpu.memref_squeeze %dma_start3A_470 : memref<1x200x128xf32, #tpu.memory_space<hbm>> -> memref<200x128xf32, #tpu.memory_space<hbm>>
    %dma_start3A_472 = arith.constant 0 : i32
    %dma_start3A_473 = arith.constant 0 : i32
    %dma_start3A_474 = tpu.memref_slice %arg4[%add3A_450, %dma_start3A_472, %dma_start3A_473] : memref<16384x200x128xf32, #tpu.memory_space<hbm>> -> memref<1x200x128xf32, #tpu.memory_space<hbm>>
    %dma_start3A_475 = tpu.memref_squeeze %dma_start3A_474 : memref<1x200x128xf32, #tpu.memory_space<hbm>> -> memref<200x128xf32, #tpu.memory_space<hbm>>
    %dma_start3A_476 = arith.constant 200 : i32
    %dma_start3A_477 = arith.constant 0 : i32
    %dma_start3A_478 = tpu.memref_slice %arg10[%dma_start3A_476, %dma_start3A_477] : memref<400x128xf32, #tpu.memory_space<vmem>> -> memref<200x128xf32, #tpu.memory_space<vmem>>
    tpu.enqueue_dma source(%dma_start3A_478 : memref<200x128xf32, #tpu.memory_space<vmem>>) target(%dma_start3A_475 : memref<200x128xf32, #tpu.memory_space<hbm>>) target_semaphore(%arg18 : memref<!tpu.dma_semaphore, #tpu.memory_space<semaphore_mem>>)
    %add3A_479 = arith.constant 102000 : i32
    %add3A_480 = arith.addi %mul3A_2, %add3A_479 : i32
    %dma_start3A_481 = tpu.memref_slice %arg2[%add3A_480] : memref<3276800xi32, #tpu.memory_space<hbm>> -> memref<400xi32, #tpu.memory_space<hbm>>
    %dma_start3A_482 = tpu.memref_slice %arg2[%add3A_480] : memref<3276800xi32, #tpu.memory_space<hbm>> -> memref<400xi32, #tpu.memory_space<hbm>>
    tpu.enqueue_dma source(%dma_start3A_482 : memref<400xi32, #tpu.memory_space<hbm>>) target(%arg8 : memref<400xi32, #tpu.memory_space<vmem>>) target_semaphore(%arg14 : memref<!tpu.dma_semaphore, #tpu.memory_space<semaphore_mem>>)
    %add3A_483 = arith.constant 101200 : i32
    %add3A_484 = arith.addi %mul3A_2, %add3A_483 : i32
    %dma_wait3A_485 = tpu.memref_slice %arg2[%add3A_484] : memref<3276800xi32, #tpu.memory_space<hbm>> -> memref<400xi32, #tpu.memory_space<hbm>>
    %dma_wait3A_486 = tpu.memref_slice %arg2[%add3A_484] : memref<3276800xi32, #tpu.memory_space<hbm>> -> memref<400xi32, #tpu.memory_space<hbm>>
    tpu.wait_dma2 semaphore(%arg12 : memref<!tpu.dma_semaphore, #tpu.memory_space<semaphore_mem>>) src(%dma_wait3A_486 : memref<400xi32, #tpu.memory_space<hbm>>) dst(%arg6 : memref<400xi32, #tpu.memory_space<vmem>>)
    %add3A_487 = arith.constant 100400 : i32
    %add3A_488 = arith.addi %mul3A_2, %add3A_487 : i32
    %jit3A_489 = arith.constant 200 : i32
    %div3A_490 = arith.divsi %add3A_488, %jit3A_489 : i32
    %sign3A_491 = arith.constant 0 : i32
    %sign3A_492 = arith.cmpi sgt, %add3A_488, %sign3A_491 : i32
    %sign3A_493 = arith.extui %sign3A_492 : i1 to i32
    %sign3A_494 = arith.constant 0 : i32
    %sign3A_495 = arith.cmpi slt, %add3A_488, %sign3A_494 : i32
    %sign3A_496 = arith.extui %sign3A_495 : i1 to i32
    %sign3A_497 = arith.subi %sign3A_493, %sign3A_496 : i32
    %sign3A_498 = arith.constant 0 : i32
    %sign3A_499 = arith.cmpi sgt, %jit3A_489, %sign3A_498 : i32
    %sign3A_500 = arith.extui %sign3A_499 : i1 to i32
    %sign3A_501 = arith.constant 0 : i32
    %sign3A_502 = arith.cmpi slt, %jit3A_489, %sign3A_501 : i32
    %sign3A_503 = arith.extui %sign3A_502 : i1 to i32
    %sign3A_504 = arith.subi %sign3A_500, %sign3A_503 : i32
    %ne3A_505 = arith.cmpi ne, %sign3A_497, %sign3A_504 : i32
    %rem3A_506 = arith.remsi %add3A_488, %jit3A_489 : i32
    %ne3A_507 = arith.constant 0 : i32
    %ne3A_508 = arith.cmpi ne, %rem3A_506, %ne3A_507 : i32
    %and3A_509 = arith.andi %ne3A_505, %ne3A_508 : i1
    %sub3A_510 = arith.constant 1 : i32
    %sub3A_511 = arith.subi %div3A_490, %sub3A_510 : i32
    %select_n3A_512 = arith.select %and3A_509, %sub3A_511, %div3A_490 : i32
    %add3A_513 = arith.constant 0 : i32
    %add3A_514 = arith.addi %select_n3A_512, %add3A_513 : i32
    %add3A_515 = arith.constant 1 : i32
    %add3A_516 = arith.addi %select_n3A_512, %add3A_515 : i32
    %dma_wait3A_517 = arith.constant 0 : i32
    %dma_wait3A_518 = arith.constant 0 : i32
    %dma_wait3A_519 = tpu.memref_slice %arg10[%dma_wait3A_517, %dma_wait3A_518] : memref<400x128xf32, #tpu.memory_space<vmem>> -> memref<200x128xf32, #tpu.memory_space<vmem>>
    %dma_wait3A_520 = arith.constant 0 : i32
    %dma_wait3A_521 = arith.constant 0 : i32
    %dma_wait3A_522 = tpu.memref_slice %arg4[%add3A_514, %dma_wait3A_520, %dma_wait3A_521] : memref<16384x200x128xf32, #tpu.memory_space<hbm>> -> memref<1x200x128xf32, #tpu.memory_space<hbm>>
    %dma_wait3A_523 = tpu.memref_squeeze %dma_wait3A_522 : memref<1x200x128xf32, #tpu.memory_space<hbm>> -> memref<200x128xf32, #tpu.memory_space<hbm>>
    %dma_wait3A_524 = arith.constant 0 : i32
    %dma_wait3A_525 = arith.constant 0 : i32
    %dma_wait3A_526 = tpu.memref_slice %arg4[%add3A_514, %dma_wait3A_524, %dma_wait3A_525] : memref<16384x200x128xf32, #tpu.memory_space<hbm>> -> memref<1x200x128xf32, #tpu.memory_space<hbm>>
    %dma_wait3A_527 = tpu.memref_squeeze %dma_wait3A_526 : memref<1x200x128xf32, #tpu.memory_space<hbm>> -> memref<200x128xf32, #tpu.memory_space<hbm>>
    %dma_wait3A_528 = arith.constant 0 : i32
    %dma_wait3A_529 = arith.constant 0 : i32
    %dma_wait3A_530 = tpu.memref_slice %arg10[%dma_wait3A_528, %dma_wait3A_529] : memref<400x128xf32, #tpu.memory_space<vmem>> -> memref<200x128xf32, #tpu.memory_space<vmem>>
    tpu.wait_dma2 semaphore(%arg18 : memref<!tpu.dma_semaphore, #tpu.memory_space<semaphore_mem>>) src(%dma_wait3A_530 : memref<200x128xf32, #tpu.memory_space<vmem>>) dst(%dma_wait3A_527 : memref<200x128xf32, #tpu.memory_space<hbm>>)
    %dma_wait3A_531 = arith.constant 200 : i32
    %dma_wait3A_532 = arith.constant 0 : i32
    %dma_wait3A_533 = tpu.memref_slice %arg10[%dma_wait3A_531, %dma_wait3A_532] : memref<400x128xf32, #tpu.memory_space<vmem>> -> memref<200x128xf32, #tpu.memory_space<vmem>>
    %dma_wait3A_534 = arith.constant 0 : i32
    %dma_wait3A_535 = arith.constant 0 : i32
    %dma_wait3A_536 = tpu.memref_slice %arg4[%add3A_516, %dma_wait3A_534, %dma_wait3A_535] : memref<16384x200x128xf32, #tpu.memory_space<hbm>> -> memref<1x200x128xf32, #tpu.memory_space<hbm>>
    %dma_wait3A_537 = tpu.memref_squeeze %dma_wait3A_536 : memref<1x200x128xf32, #tpu.memory_space<hbm>> -> memref<200x128xf32, #tpu.memory_space<hbm>>
    %dma_wait3A_538 = arith.constant 0 : i32
    %dma_wait3A_539 = arith.constant 0 : i32
    %dma_wait3A_540 = tpu.memref_slice %arg4[%add3A_516, %dma_wait3A_538, %dma_wait3A_539] : memref<16384x200x128xf32, #tpu.memory_space<hbm>> -> memref<1x200x128xf32, #tpu.memory_space<hbm>>
    %dma_wait3A_541 = tpu.memref_squeeze %dma_wait3A_540 : memref<1x200x128xf32, #tpu.memory_space<hbm>> -> memref<200x128xf32, #tpu.memory_space<hbm>>
    %dma_wait3A_542 = arith.constant 200 : i32
    %dma_wait3A_543 = arith.constant 0 : i32
    %dma_wait3A_544 = tpu.memref_slice %arg10[%dma_wait3A_542, %dma_wait3A_543] : memref<400x128xf32, #tpu.memory_space<vmem>> -> memref<200x128xf32, #tpu.memory_space<vmem>>
    tpu.wait_dma2 semaphore(%arg18 : memref<!tpu.dma_semaphore, #tpu.memory_space<semaphore_mem>>) src(%dma_wait3A_544 : memref<200x128xf32, #tpu.memory_space<vmem>>) dst(%dma_wait3A_541 : memref<200x128xf32, #tpu.memory_space<hbm>>)
    %dma_start3A_545 = arith.constant 0 : i32
    %dma_start3A_546 = arith.constant 0 : i32
    %dma_start3A_547 = tpu.memref_slice %arg3[%dma_start3A_545, %dma_start3A_546] : memref<1000000x128xf32, #tpu.memory_space<hbm>> -> memref<1000000x128xf32, #tpu.memory_space<hbm>>
    tpu.enqueue_indirect_dma source(%dma_start3A_547 : memref<1000000x128xf32, #tpu.memory_space<hbm>>) target(%arg10 : memref<400x128xf32, #tpu.memory_space<vmem>>) offsets(%arg6 : memref<400xi32, #tpu.memory_space<vmem>>) semaphore(%arg16 : memref<!tpu.dma_semaphore, #tpu.memory_space<semaphore_mem>>)
    %dma_wait3A_548 = arith.constant 0 : i32
    %dma_wait3A_549 = arith.constant 0 : i32
    %dma_wait3A_550 = tpu.memref_slice %arg3[%dma_wait3A_548, %dma_wait3A_549] : memref<1000000x128xf32, #tpu.memory_space<hbm>> -> memref<1000000x128xf32, #tpu.memory_space<hbm>>
    tpu.wait_indirect_dma semaphore(%arg15 : memref<!tpu.dma_semaphore, #tpu.memory_space<semaphore_mem>>) src(%dma_wait3A_550 : memref<1000000x128xf32, #tpu.memory_space<hbm>>) dst(%arg9 : memref<400x128xf32, #tpu.memory_space<vmem>>)
    %add3A_551 = arith.constant 100800 : i32
    %add3A_552 = arith.addi %mul3A_2, %add3A_551 : i32
    %jit3A_553 = arith.constant 200 : i32
    %div3A_554 = arith.divsi %add3A_552, %jit3A_553 : i32
    %sign3A_555 = arith.constant 0 : i32
    %sign3A_556 = arith.cmpi sgt, %add3A_552, %sign3A_555 : i32
    %sign3A_557 = arith.extui %sign3A_556 : i1 to i32
    %sign3A_558 = arith.constant 0 : i32
    %sign3A_559 = arith.cmpi slt, %add3A_552, %sign3A_558 : i32
    %sign3A_560 = arith.extui %sign3A_559 : i1 to i32
    %sign3A_561 = arith.subi %sign3A_557, %sign3A_560 : i32
    %sign3A_562 = arith.constant 0 : i32
    %sign3A_563 = arith.cmpi sgt, %jit3A_553, %sign3A_562 : i32
    %sign3A_564 = arith.extui %sign3A_563 : i1 to i32
    %sign3A_565 = arith.constant 0 : i32
    %sign3A_566 = arith.cmpi slt, %jit3A_553, %sign3A_565 : i32
    %sign3A_567 = arith.extui %sign3A_566 : i1 to i32
    %sign3A_568 = arith.subi %sign3A_564, %sign3A_567 : i32
    %ne3A_569 = arith.cmpi ne, %sign3A_561, %sign3A_568 : i32
    %rem3A_570 = arith.remsi %add3A_552, %jit3A_553 : i32
    %ne3A_571 = arith.constant 0 : i32
    %ne3A_572 = arith.cmpi ne, %rem3A_570, %ne3A_571 : i32
    %and3A_573 = arith.andi %ne3A_569, %ne3A_572 : i1
    %sub3A_574 = arith.constant 1 : i32
    %sub3A_575 = arith.subi %div3A_554, %sub3A_574 : i32
    %select_n3A_576 = arith.select %and3A_573, %sub3A_575, %div3A_554 : i32
    %add3A_577 = arith.constant 0 : i32
    %add3A_578 = arith.addi %select_n3A_576, %add3A_577 : i32
    %add3A_579 = arith.constant 1 : i32
    %add3A_580 = arith.addi %select_n3A_576, %add3A_579 : i32
    %dma_start3A_581 = arith.constant 0 : i32
    %dma_start3A_582 = arith.constant 0 : i32
    %dma_start3A_583 = tpu.memref_slice %arg9[%dma_start3A_581, %dma_start3A_582] : memref<400x128xf32, #tpu.memory_space<vmem>> -> memref<200x128xf32, #tpu.memory_space<vmem>>
    %dma_start3A_584 = arith.constant 0 : i32
    %dma_start3A_585 = arith.constant 0 : i32
    %dma_start3A_586 = tpu.memref_slice %arg4[%add3A_578, %dma_start3A_584, %dma_start3A_585] : memref<16384x200x128xf32, #tpu.memory_space<hbm>> -> memref<1x200x128xf32, #tpu.memory_space<hbm>>
    %dma_start3A_587 = tpu.memref_squeeze %dma_start3A_586 : memref<1x200x128xf32, #tpu.memory_space<hbm>> -> memref<200x128xf32, #tpu.memory_space<hbm>>
    %dma_start3A_588 = arith.constant 0 : i32
    %dma_start3A_589 = arith.constant 0 : i32
    %dma_start3A_590 = tpu.memref_slice %arg4[%add3A_578, %dma_start3A_588, %dma_start3A_589] : memref<16384x200x128xf32, #tpu.memory_space<hbm>> -> memref<1x200x128xf32, #tpu.memory_space<hbm>>
    %dma_start3A_591 = tpu.memref_squeeze %dma_start3A_590 : memref<1x200x128xf32, #tpu.memory_space<hbm>> -> memref<200x128xf32, #tpu.memory_space<hbm>>
    %dma_start3A_592 = arith.constant 0 : i32
    %dma_start3A_593 = arith.constant 0 : i32
    %dma_start3A_594 = tpu.memref_slice %arg9[%dma_start3A_592, %dma_start3A_593] : memref<400x128xf32, #tpu.memory_space<vmem>> -> memref<200x128xf32, #tpu.memory_space<vmem>>
    tpu.enqueue_dma source(%dma_start3A_594 : memref<200x128xf32, #tpu.memory_space<vmem>>) target(%dma_start3A_591 : memref<200x128xf32, #tpu.memory_space<hbm>>) target_semaphore(%arg17 : memref<!tpu.dma_semaphore, #tpu.memory_space<semaphore_mem>>)
    %dma_start3A_595 = arith.constant 200 : i32
    %dma_start3A_596 = arith.constant 0 : i32
    %dma_start3A_597 = tpu.memref_slice %arg9[%dma_start3A_595, %dma_start3A_596] : memref<400x128xf32, #tpu.memory_space<vmem>> -> memref<200x128xf32, #tpu.memory_space<vmem>>
    %dma_start3A_598 = arith.constant 0 : i32
    %dma_start3A_599 = arith.constant 0 : i32
    %dma_start3A_600 = tpu.memref_slice %arg4[%add3A_580, %dma_start3A_598, %dma_start3A_599] : memref<16384x200x128xf32, #tpu.memory_space<hbm>> -> memref<1x200x128xf32, #tpu.memory_space<hbm>>
    %dma_start3A_601 = tpu.memref_squeeze %dma_start3A_600 : memref<1x200x128xf32, #tpu.memory_space<hbm>> -> memref<200x128xf32, #tpu.memory_space<hbm>>
    %dma_start3A_602 = arith.constant 0 : i32
    %dma_start3A_603 = arith.constant 0 : i32
    %dma_start3A_604 = tpu.memref_slice %arg4[%add3A_580, %dma_start3A_602, %dma_start3A_603] : memref<16384x200x128xf32, #tpu.memory_space<hbm>> -> memref<1x200x128xf32, #tpu.memory_space<hbm>>
    %dma_start3A_605 = tpu.memref_squeeze %dma_start3A_604 : memref<1x200x128xf32, #tpu.memory_space<hbm>> -> memref<200x128xf32, #tpu.memory_space<hbm>>
    %dma_start3A_606 = arith.constant 200 : i32
    %dma_start3A_607 = arith.constant 0 : i32
    %dma_start3A_608 = tpu.memref_slice %arg9[%dma_start3A_606, %dma_start3A_607] : memref<400x128xf32, #tpu.memory_space<vmem>> -> memref<200x128xf32, #tpu.memory_space<vmem>>
    tpu.enqueue_dma source(%dma_start3A_608 : memref<200x128xf32, #tpu.memory_space<vmem>>) target(%dma_start3A_605 : memref<200x128xf32, #tpu.memory_space<hbm>>) target_semaphore(%arg17 : memref<!tpu.dma_semaphore, #tpu.memory_space<semaphore_mem>>)
    %add3A_609 = arith.constant 101600 : i32
    %add3A_610 = arith.addi %mul3A_2, %add3A_609 : i32
    %dma_wait3A_611 = tpu.memref_slice %arg2[%add3A_610] : memref<3276800xi32, #tpu.memory_space<hbm>> -> memref<400xi32, #tpu.memory_space<hbm>>
    %dma_wait3A_612 = tpu.memref_slice %arg2[%add3A_610] : memref<3276800xi32, #tpu.memory_space<hbm>> -> memref<400xi32, #tpu.memory_space<hbm>>
    tpu.wait_dma2 semaphore(%arg13 : memref<!tpu.dma_semaphore, #tpu.memory_space<semaphore_mem>>) src(%dma_wait3A_612 : memref<400xi32, #tpu.memory_space<hbm>>) dst(%arg7 : memref<400xi32, #tpu.memory_space<vmem>>)
    %add3A_613 = arith.constant 100800 : i32
    %add3A_614 = arith.addi %mul3A_2, %add3A_613 : i32
    %jit3A_615 = arith.constant 200 : i32
    %div3A_616 = arith.divsi %add3A_614, %jit3A_615 : i32
    %sign3A_617 = arith.constant 0 : i32
    %sign3A_618 = arith.cmpi sgt, %add3A_614, %sign3A_617 : i32
    %sign3A_619 = arith.extui %sign3A_618 : i1 to i32
    %sign3A_620 = arith.constant 0 : i32
    %sign3A_621 = arith.cmpi slt, %add3A_614, %sign3A_620 : i32
    %sign3A_622 = arith.extui %sign3A_621 : i1 to i32
    %sign3A_623 = arith.subi %sign3A_619, %sign3A_622 : i32
    %sign3A_624 = arith.constant 0 : i32
    %sign3A_625 = arith.cmpi sgt, %jit3A_615, %sign3A_624 : i32
    %sign3A_626 = arith.extui %sign3A_625 : i1 to i32
    %sign3A_627 = arith.constant 0 : i32
    %sign3A_628 = arith.cmpi slt, %jit3A_615, %sign3A_627 : i32
    %sign3A_629 = arith.extui %sign3A_628 : i1 to i32
    %sign3A_630 = arith.subi %sign3A_626, %sign3A_629 : i32
    %ne3A_631 = arith.cmpi ne, %sign3A_623, %sign3A_630 : i32
    %rem3A_632 = arith.remsi %add3A_614, %jit3A_615 : i32
    %ne3A_633 = arith.constant 0 : i32
    %ne3A_634 = arith.cmpi ne, %rem3A_632, %ne3A_633 : i32
    %and3A_635 = arith.andi %ne3A_631, %ne3A_634 : i1
    %sub3A_636 = arith.constant 1 : i32
    %sub3A_637 = arith.subi %div3A_616, %sub3A_636 : i32
    %select_n3A_638 = arith.select %and3A_635, %sub3A_637, %div3A_616 : i32
    %add3A_639 = arith.constant 0 : i32
    %add3A_640 = arith.addi %select_n3A_638, %add3A_639 : i32
    %add3A_641 = arith.constant 1 : i32
    %add3A_642 = arith.addi %select_n3A_638, %add3A_641 : i32
    %dma_wait3A_643 = arith.constant 0 : i32
    %dma_wait3A_644 = arith.constant 0 : i32
    %dma_wait3A_645 = tpu.memref_slice %arg9[%dma_wait3A_643, %dma_wait3A_644] : memref<400x128xf32, #tpu.memory_space<vmem>> -> memref<200x128xf32, #tpu.memory_space<vmem>>
    %dma_wait3A_646 = arith.constant 0 : i32
    %dma_wait3A_647 = arith.constant 0 : i32
    %dma_wait3A_648 = tpu.memref_slice %arg4[%add3A_640, %dma_wait3A_646, %dma_wait3A_647] : memref<16384x200x128xf32, #tpu.memory_space<hbm>> -> memref<1x200x128xf32, #tpu.memory_space<hbm>>
    %dma_wait3A_649 = tpu.memref_squeeze %dma_wait3A_648 : memref<1x200x128xf32, #tpu.memory_space<hbm>> -> memref<200x128xf32, #tpu.memory_space<hbm>>
    %dma_wait3A_650 = arith.constant 0 : i32
    %dma_wait3A_651 = arith.constant 0 : i32
    %dma_wait3A_652 = tpu.memref_slice %arg4[%add3A_640, %dma_wait3A_650, %dma_wait3A_651] : memref<16384x200x128xf32, #tpu.memory_space<hbm>> -> memref<1x200x128xf32, #tpu.memory_space<hbm>>
    %dma_wait3A_653 = tpu.memref_squeeze %dma_wait3A_652 : memref<1x200x128xf32, #tpu.memory_space<hbm>> -> memref<200x128xf32, #tpu.memory_space<hbm>>
    %dma_wait3A_654 = arith.constant 0 : i32
    %dma_wait3A_655 = arith.constant 0 : i32
    %dma_wait3A_656 = tpu.memref_slice %arg9[%dma_wait3A_654, %dma_wait3A_655] : memref<400x128xf32, #tpu.memory_space<vmem>> -> memref<200x128xf32, #tpu.memory_space<vmem>>
    tpu.wait_dma2 semaphore(%arg17 : memref<!tpu.dma_semaphore, #tpu.memory_space<semaphore_mem>>) src(%dma_wait3A_656 : memref<200x128xf32, #tpu.memory_space<vmem>>) dst(%dma_wait3A_653 : memref<200x128xf32, #tpu.memory_space<hbm>>)
    %dma_wait3A_657 = arith.constant 200 : i32
    %dma_wait3A_658 = arith.constant 0 : i32
    %dma_wait3A_659 = tpu.memref_slice %arg9[%dma_wait3A_657, %dma_wait3A_658] : memref<400x128xf32, #tpu.memory_space<vmem>> -> memref<200x128xf32, #tpu.memory_space<vmem>>
    %dma_wait3A_660 = arith.constant 0 : i32
    %dma_wait3A_661 = arith.constant 0 : i32
    %dma_wait3A_662 = tpu.memref_slice %arg4[%add3A_642, %dma_wait3A_660, %dma_wait3A_661] : memref<16384x200x128xf32, #tpu.memory_space<hbm>> -> memref<1x200x128xf32, #tpu.memory_space<hbm>>
    %dma_wait3A_663 = tpu.memref_squeeze %dma_wait3A_662 : memref<1x200x128xf32, #tpu.memory_space<hbm>> -> memref<200x128xf32, #tpu.memory_space<hbm>>
    %dma_wait3A_664 = arith.constant 0 : i32
    %dma_wait3A_665 = arith.constant 0 : i32
    %dma_wait3A_666 = tpu.memref_slice %arg4[%add3A_642, %dma_wait3A_664, %dma_wait3A_665] : memref<16384x200x128xf32, #tpu.memory_space<hbm>> -> memref<1x200x128xf32, #tpu.memory_space<hbm>>
    %dma_wait3A_667 = tpu.memref_squeeze %dma_wait3A_666 : memref<1x200x128xf32, #tpu.memory_space<hbm>> -> memref<200x128xf32, #tpu.memory_space<hbm>>
    %dma_wait3A_668 = arith.constant 200 : i32
    %dma_wait3A_669 = arith.constant 0 : i32
    %dma_wait3A_670 = tpu.memref_slice %arg9[%dma_wait3A_668, %dma_wait3A_669] : memref<400x128xf32, #tpu.memory_space<vmem>> -> memref<200x128xf32, #tpu.memory_space<vmem>>
    tpu.wait_dma2 semaphore(%arg17 : memref<!tpu.dma_semaphore, #tpu.memory_space<semaphore_mem>>) src(%dma_wait3A_670 : memref<200x128xf32, #tpu.memory_space<vmem>>) dst(%dma_wait3A_667 : memref<200x128xf32, #tpu.memory_space<hbm>>)
    %dma_start3A_671 = arith.constant 0 : i32
    %dma_start3A_672 = arith.constant 0 : i32
    %dma_start3A_673 = tpu.memref_slice %arg3[%dma_start3A_671, %dma_start3A_672] : memref<1000000x128xf32, #tpu.memory_space<hbm>> -> memref<1000000x128xf32, #tpu.memory_space<hbm>>
    tpu.enqueue_indirect_dma source(%dma_start3A_673 : memref<1000000x128xf32, #tpu.memory_space<hbm>>) target(%arg9 : memref<400x128xf32, #tpu.memory_space<vmem>>) offsets(%arg7 : memref<400xi32, #tpu.memory_space<vmem>>) semaphore(%arg15 : memref<!tpu.dma_semaphore, #tpu.memory_space<semaphore_mem>>)
    %dma_wait3A_674 = arith.constant 0 : i32
    %dma_wait3A_675 = arith.constant 0 : i32
    %dma_wait3A_676 = tpu.memref_slice %arg3[%dma_wait3A_674, %dma_wait3A_675] : memref<1000000x128xf32, #tpu.memory_space<hbm>> -> memref<1000000x128xf32, #tpu.memory_space<hbm>>
    tpu.wait_indirect_dma semaphore(%arg16 : memref<!tpu.dma_semaphore, #tpu.memory_space<semaphore_mem>>) src(%dma_wait3A_676 : memref<1000000x128xf32, #tpu.memory_space<hbm>>) dst(%arg10 : memref<400x128xf32, #tpu.memory_space<vmem>>)
    %add3A_677 = arith.constant 101200 : i32
    %add3A_678 = arith.addi %mul3A_2, %add3A_677 : i32
    %jit3A_679 = arith.constant 200 : i32
    %div3A_680 = arith.divsi %add3A_678, %jit3A_679 : i32
    %sign3A_681 = arith.constant 0 : i32
    %sign3A_682 = arith.cmpi sgt, %add3A_678, %sign3A_681 : i32
    %sign3A_683 = arith.extui %sign3A_682 : i1 to i32
    %sign3A_684 = arith.constant 0 : i32
    %sign3A_685 = arith.cmpi slt, %add3A_678, %sign3A_684 : i32
    %sign3A_686 = arith.extui %sign3A_685 : i1 to i32
    %sign3A_687 = arith.subi %sign3A_683, %sign3A_686 : i32
    %sign3A_688 = arith.constant 0 : i32
    %sign3A_689 = arith.cmpi sgt, %jit3A_679, %sign3A_688 : i32
    %sign3A_690 = arith.extui %sign3A_689 : i1 to i32
    %sign3A_691 = arith.constant 0 : i32
    %sign3A_692 = arith.cmpi slt, %jit3A_679, %sign3A_691 : i32
    %sign3A_693 = arith.extui %sign3A_692 : i1 to i32
    %sign3A_694 = arith.subi %sign3A_690, %sign3A_693 : i32
    %ne3A_695 = arith.cmpi ne, %sign3A_687, %sign3A_694 : i32
    %rem3A_696 = arith.remsi %add3A_678, %jit3A_679 : i32
    %ne3A_697 = arith.constant 0 : i32
    %ne3A_698 = arith.cmpi ne, %rem3A_696, %ne3A_697 : i32
    %and3A_699 = arith.andi %ne3A_695, %ne3A_698 : i1
    %sub3A_700 = arith.constant 1 : i32
    %sub3A_701 = arith.subi %div3A_680, %sub3A_700 : i32
    %select_n3A_702 = arith.select %and3A_699, %sub3A_701, %div3A_680 : i32
    %add3A_703 = arith.constant 0 : i32
    %add3A_704 = arith.addi %select_n3A_702, %add3A_703 : i32
    %add3A_705 = arith.constant 1 : i32
    %add3A_706 = arith.addi %select_n3A_702, %add3A_705 : i32
    %dma_start3A_707 = arith.constant 0 : i32
    %dma_start3A_708 = arith.constant 0 : i32
    %dma_start3A_709 = tpu.memref_slice %arg10[%dma_start3A_707, %dma_start3A_708] : memref<400x128xf32, #tpu.memory_space<vmem>> -> memref<200x128xf32, #tpu.memory_space<vmem>>
    %dma_start3A_710 = arith.constant 0 : i32
    %dma_start3A_711 = arith.constant 0 : i32
    %dma_start3A_712 = tpu.memref_slice %arg4[%add3A_704, %dma_start3A_710, %dma_start3A_711] : memref<16384x200x128xf32, #tpu.memory_space<hbm>> -> memref<1x200x128xf32, #tpu.memory_space<hbm>>
    %dma_start3A_713 = tpu.memref_squeeze %dma_start3A_712 : memref<1x200x128xf32, #tpu.memory_space<hbm>> -> memref<200x128xf32, #tpu.memory_space<hbm>>
    %dma_start3A_714 = arith.constant 0 : i32
    %dma_start3A_715 = arith.constant 0 : i32
    %dma_start3A_716 = tpu.memref_slice %arg4[%add3A_704, %dma_start3A_714, %dma_start3A_715] : memref<16384x200x128xf32, #tpu.memory_space<hbm>> -> memref<1x200x128xf32, #tpu.memory_space<hbm>>
    %dma_start3A_717 = tpu.memref_squeeze %dma_start3A_716 : memref<1x200x128xf32, #tpu.memory_space<hbm>> -> memref<200x128xf32, #tpu.memory_space<hbm>>
    %dma_start3A_718 = arith.constant 0 : i32
    %dma_start3A_719 = arith.constant 0 : i32
    %dma_start3A_720 = tpu.memref_slice %arg10[%dma_start3A_718, %dma_start3A_719] : memref<400x128xf32, #tpu.memory_space<vmem>> -> memref<200x128xf32, #tpu.memory_space<vmem>>
    tpu.enqueue_dma source(%dma_start3A_720 : memref<200x128xf32, #tpu.memory_space<vmem>>) target(%dma_start3A_717 : memref<200x128xf32, #tpu.memory_space<hbm>>) target_semaphore(%arg18 : memref<!tpu.dma_semaphore, #tpu.memory_space<semaphore_mem>>)
    %dma_start3A_721 = arith.constant 200 : i32
    %dma_start3A_722 = arith.constant 0 : i32
    %dma_start3A_723 = tpu.memref_slice %arg10[%dma_start3A_721, %dma_start3A_722] : memref<400x128xf32, #tpu.memory_space<vmem>> -> memref<200x128xf32, #tpu.memory_space<vmem>>
    %dma_start3A_724 = arith.constant 0 : i32
    %dma_start3A_725 = arith.constant 0 : i32
    %dma_start3A_726 = tpu.memref_slice %arg4[%add3A_706, %dma_start3A_724, %dma_start3A_725] : memref<16384x200x128xf32, #tpu.memory_space<hbm>> -> memref<1x200x128xf32, #tpu.memory_space<hbm>>
    %dma_start3A_727 = tpu.memref_squeeze %dma_start3A_726 : memref<1x200x128xf32, #tpu.memory_space<hbm>> -> memref<200x128xf32, #tpu.memory_space<hbm>>
    %dma_start3A_728 = arith.constant 0 : i32
    %dma_start3A_729 = arith.constant 0 : i32
    %dma_start3A_730 = tpu.memref_slice %arg4[%add3A_706, %dma_start3A_728, %dma_start3A_729] : memref<16384x200x128xf32, #tpu.memory_space<hbm>> -> memref<1x200x128xf32, #tpu.memory_space<hbm>>
    %dma_start3A_731 = tpu.memref_squeeze %dma_start3A_730 : memref<1x200x128xf32, #tpu.memory_space<hbm>> -> memref<200x128xf32, #tpu.memory_space<hbm>>
    %dma_start3A_732 = arith.constant 200 : i32
    %dma_start3A_733 = arith.constant 0 : i32
    %dma_start3A_734 = tpu.memref_slice %arg10[%dma_start3A_732, %dma_start3A_733] : memref<400x128xf32, #tpu.memory_space<vmem>> -> memref<200x128xf32, #tpu.memory_space<vmem>>
    tpu.enqueue_dma source(%dma_start3A_734 : memref<200x128xf32, #tpu.memory_space<vmem>>) target(%dma_start3A_731 : memref<200x128xf32, #tpu.memory_space<hbm>>) target_semaphore(%arg18 : memref<!tpu.dma_semaphore, #tpu.memory_space<semaphore_mem>>)
    %add3A_735 = arith.constant 102000 : i32
    %add3A_736 = arith.addi %mul3A_2, %add3A_735 : i32
    %dma_wait3A_737 = tpu.memref_slice %arg2[%add3A_736] : memref<3276800xi32, #tpu.memory_space<hbm>> -> memref<400xi32, #tpu.memory_space<hbm>>
    %dma_wait3A_738 = tpu.memref_slice %arg2[%add3A_736] : memref<3276800xi32, #tpu.memory_space<hbm>> -> memref<400xi32, #tpu.memory_space<hbm>>
    tpu.wait_dma2 semaphore(%arg14 : memref<!tpu.dma_semaphore, #tpu.memory_space<semaphore_mem>>) src(%dma_wait3A_738 : memref<400xi32, #tpu.memory_space<hbm>>) dst(%arg8 : memref<400xi32, #tpu.memory_space<vmem>>)
    %add3A_739 = arith.constant 101200 : i32
    %add3A_740 = arith.addi %mul3A_2, %add3A_739 : i32
    %jit3A_741 = arith.constant 200 : i32
    %div3A_742 = arith.divsi %add3A_740, %jit3A_741 : i32
    %sign3A_743 = arith.constant 0 : i32
    %sign3A_744 = arith.cmpi sgt, %add3A_740, %sign3A_743 : i32
    %sign3A_745 = arith.extui %sign3A_744 : i1 to i32
    %sign3A_746 = arith.constant 0 : i32
    %sign3A_747 = arith.cmpi slt, %add3A_740, %sign3A_746 : i32
    %sign3A_748 = arith.extui %sign3A_747 : i1 to i32
    %sign3A_749 = arith.subi %sign3A_745, %sign3A_748 : i32
    %sign3A_750 = arith.constant 0 : i32
    %sign3A_751 = arith.cmpi sgt, %jit3A_741, %sign3A_750 : i32
    %sign3A_752 = arith.extui %sign3A_751 : i1 to i32
    %sign3A_753 = arith.constant 0 : i32
    %sign3A_754 = arith.cmpi slt, %jit3A_741, %sign3A_753 : i32
    %sign3A_755 = arith.extui %sign3A_754 : i1 to i32
    %sign3A_756 = arith.subi %sign3A_752, %sign3A_755 : i32
    %ne3A_757 = arith.cmpi ne, %sign3A_749, %sign3A_756 : i32
    %rem3A_758 = arith.remsi %add3A_740, %jit3A_741 : i32
    %ne3A_759 = arith.constant 0 : i32
    %ne3A_760 = arith.cmpi ne, %rem3A_758, %ne3A_759 : i32
    %and3A_761 = arith.andi %ne3A_757, %ne3A_760 : i1
    %sub3A_762 = arith.constant 1 : i32
    %sub3A_763 = arith.subi %div3A_742, %sub3A_762 : i32
    %select_n3A_764 = arith.select %and3A_761, %sub3A_763, %div3A_742 : i32
    %add3A_765 = arith.constant 0 : i32
    %add3A_766 = arith.addi %select_n3A_764, %add3A_765 : i32
    %add3A_767 = arith.constant 1 : i32
    %add3A_768 = arith.addi %select_n3A_764, %add3A_767 : i32
    %dma_wait3A_769 = arith.constant 0 : i32
    %dma_wait3A_770 = arith.constant 0 : i32
    %dma_wait3A_771 = tpu.memref_slice %arg10[%dma_wait3A_769, %dma_wait3A_770] : memref<400x128xf32, #tpu.memory_space<vmem>> -> memref<200x128xf32, #tpu.memory_space<vmem>>
    %dma_wait3A_772 = arith.constant 0 : i32
    %dma_wait3A_773 = arith.constant 0 : i32
    %dma_wait3A_774 = tpu.memref_slice %arg4[%add3A_766, %dma_wait3A_772, %dma_wait3A_773] : memref<16384x200x128xf32, #tpu.memory_space<hbm>> -> memref<1x200x128xf32, #tpu.memory_space<hbm>>
    %dma_wait3A_775 = tpu.memref_squeeze %dma_wait3A_774 : memref<1x200x128xf32, #tpu.memory_space<hbm>> -> memref<200x128xf32, #tpu.memory_space<hbm>>
    %dma_wait3A_776 = arith.constant 0 : i32
    %dma_wait3A_777 = arith.constant 0 : i32
    %dma_wait3A_778 = tpu.memref_slice %arg4[%add3A_766, %dma_wait3A_776, %dma_wait3A_777] : memref<16384x200x128xf32, #tpu.memory_space<hbm>> -> memref<1x200x128xf32, #tpu.memory_space<hbm>>
    %dma_wait3A_779 = tpu.memref_squeeze %dma_wait3A_778 : memref<1x200x128xf32, #tpu.memory_space<hbm>> -> memref<200x128xf32, #tpu.memory_space<hbm>>
    %dma_wait3A_780 = arith.constant 0 : i32
    %dma_wait3A_781 = arith.constant 0 : i32
    %dma_wait3A_782 = tpu.memref_slice %arg10[%dma_wait3A_780, %dma_wait3A_781] : memref<400x128xf32, #tpu.memory_space<vmem>> -> memref<200x128xf32, #tpu.memory_space<vmem>>
    tpu.wait_dma2 semaphore(%arg18 : memref<!tpu.dma_semaphore, #tpu.memory_space<semaphore_mem>>) src(%dma_wait3A_782 : memref<200x128xf32, #tpu.memory_space<vmem>>) dst(%dma_wait3A_779 : memref<200x128xf32, #tpu.memory_space<hbm>>)
    %dma_wait3A_783 = arith.constant 200 : i32
    %dma_wait3A_784 = arith.constant 0 : i32
    %dma_wait3A_785 = tpu.memref_slice %arg10[%dma_wait3A_783, %dma_wait3A_784] : memref<400x128xf32, #tpu.memory_space<vmem>> -> memref<200x128xf32, #tpu.memory_space<vmem>>
    %dma_wait3A_786 = arith.constant 0 : i32
    %dma_wait3A_787 = arith.constant 0 : i32
    %dma_wait3A_788 = tpu.memref_slice %arg4[%add3A_768, %dma_wait3A_786, %dma_wait3A_787] : memref<16384x200x128xf32, #tpu.memory_space<hbm>> -> memref<1x200x128xf32, #tpu.memory_space<hbm>>
    %dma_wait3A_789 = tpu.memref_squeeze %dma_wait3A_788 : memref<1x200x128xf32, #tpu.memory_space<hbm>> -> memref<200x128xf32, #tpu.memory_space<hbm>>
    %dma_wait3A_790 = arith.constant 0 : i32
    %dma_wait3A_791 = arith.constant 0 : i32
    %dma_wait3A_792 = tpu.memref_slice %arg4[%add3A_768, %dma_wait3A_790, %dma_wait3A_791] : memref<16384x200x128xf32, #tpu.memory_space<hbm>> -> memref<1x200x128xf32, #tpu.memory_space<hbm>>
    %dma_wait3A_793 = tpu.memref_squeeze %dma_wait3A_792 : memref<1x200x128xf32, #tpu.memory_space<hbm>> -> memref<200x128xf32, #tpu.memory_space<hbm>>
    %dma_wait3A_794 = arith.constant 200 : i32
    %dma_wait3A_795 = arith.constant 0 : i32
    %dma_wait3A_796 = tpu.memref_slice %arg10[%dma_wait3A_794, %dma_wait3A_795] : memref<400x128xf32, #tpu.memory_space<vmem>> -> memref<200x128xf32, #tpu.memory_space<vmem>>
    tpu.wait_dma2 semaphore(%arg18 : memref<!tpu.dma_semaphore, #tpu.memory_space<semaphore_mem>>) src(%dma_wait3A_796 : memref<200x128xf32, #tpu.memory_space<vmem>>) dst(%dma_wait3A_793 : memref<200x128xf32, #tpu.memory_space<hbm>>)
    %dma_start3A_797 = arith.constant 0 : i32
    %dma_start3A_798 = arith.constant 0 : i32
    %dma_start3A_799 = tpu.memref_slice %arg3[%dma_start3A_797, %dma_start3A_798] : memref<1000000x128xf32, #tpu.memory_space<hbm>> -> memref<1000000x128xf32, #tpu.memory_space<hbm>>
    tpu.enqueue_indirect_dma source(%dma_start3A_799 : memref<1000000x128xf32, #tpu.memory_space<hbm>>) target(%arg10 : memref<400x128xf32, #tpu.memory_space<vmem>>) offsets(%arg8 : memref<400xi32, #tpu.memory_space<vmem>>) semaphore(%arg16 : memref<!tpu.dma_semaphore, #tpu.memory_space<semaphore_mem>>)
    %dma_wait3A_800 = arith.constant 0 : i32
    %dma_wait3A_801 = arith.constant 0 : i32
    %dma_wait3A_802 = tpu.memref_slice %arg3[%dma_wait3A_800, %dma_wait3A_801] : memref<1000000x128xf32, #tpu.memory_space<hbm>> -> memref<1000000x128xf32, #tpu.memory_space<hbm>>
    tpu.wait_indirect_dma semaphore(%arg15 : memref<!tpu.dma_semaphore, #tpu.memory_space<semaphore_mem>>) src(%dma_wait3A_802 : memref<1000000x128xf32, #tpu.memory_space<hbm>>) dst(%arg9 : memref<400x128xf32, #tpu.memory_space<vmem>>)
    %add3A_803 = arith.constant 101600 : i32
    %add3A_804 = arith.addi %mul3A_2, %add3A_803 : i32
    %jit3A_805 = arith.constant 200 : i32
    %div3A_806 = arith.divsi %add3A_804, %jit3A_805 : i32
    %sign3A_807 = arith.constant 0 : i32
    %sign3A_808 = arith.cmpi sgt, %add3A_804, %sign3A_807 : i32
    %sign3A_809 = arith.extui %sign3A_808 : i1 to i32
    %sign3A_810 = arith.constant 0 : i32
    %sign3A_811 = arith.cmpi slt, %add3A_804, %sign3A_810 : i32
    %sign3A_812 = arith.extui %sign3A_811 : i1 to i32
    %sign3A_813 = arith.subi %sign3A_809, %sign3A_812 : i32
    %sign3A_814 = arith.constant 0 : i32
    %sign3A_815 = arith.cmpi sgt, %jit3A_805, %sign3A_814 : i32
    %sign3A_816 = arith.extui %sign3A_815 : i1 to i32
    %sign3A_817 = arith.constant 0 : i32
    %sign3A_818 = arith.cmpi slt, %jit3A_805, %sign3A_817 : i32
    %sign3A_819 = arith.extui %sign3A_818 : i1 to i32
    %sign3A_820 = arith.subi %sign3A_816, %sign3A_819 : i32
    %ne3A_821 = arith.cmpi ne, %sign3A_813, %sign3A_820 : i32
    %rem3A_822 = arith.remsi %add3A_804, %jit3A_805 : i32
    %ne3A_823 = arith.constant 0 : i32
    %ne3A_824 = arith.cmpi ne, %rem3A_822, %ne3A_823 : i32
    %and3A_825 = arith.andi %ne3A_821, %ne3A_824 : i1
    %sub3A_826 = arith.constant 1 : i32
    %sub3A_827 = arith.subi %div3A_806, %sub3A_826 : i32
    %select_n3A_828 = arith.select %and3A_825, %sub3A_827, %div3A_806 : i32
    %add3A_829 = arith.constant 0 : i32
    %add3A_830 = arith.addi %select_n3A_828, %add3A_829 : i32
    %add3A_831 = arith.constant 1 : i32
    %add3A_832 = arith.addi %select_n3A_828, %add3A_831 : i32
    %dma_start3A_833 = arith.constant 0 : i32
    %dma_start3A_834 = arith.constant 0 : i32
    %dma_start3A_835 = tpu.memref_slice %arg9[%dma_start3A_833, %dma_start3A_834] : memref<400x128xf32, #tpu.memory_space<vmem>> -> memref<200x128xf32, #tpu.memory_space<vmem>>
    %dma_start3A_836 = arith.constant 0 : i32
    %dma_start3A_837 = arith.constant 0 : i32
    %dma_start3A_838 = tpu.memref_slice %arg4[%add3A_830, %dma_start3A_836, %dma_start3A_837] : memref<16384x200x128xf32, #tpu.memory_space<hbm>> -> memref<1x200x128xf32, #tpu.memory_space<hbm>>
    %dma_start3A_839 = tpu.memref_squeeze %dma_start3A_838 : memref<1x200x128xf32, #tpu.memory_space<hbm>> -> memref<200x128xf32, #tpu.memory_space<hbm>>
    %dma_start3A_840 = arith.constant 0 : i32
    %dma_start3A_841 = arith.constant 0 : i32
    %dma_start3A_842 = tpu.memref_slice %arg4[%add3A_830, %dma_start3A_840, %dma_start3A_841] : memref<16384x200x128xf32, #tpu.memory_space<hbm>> -> memref<1x200x128xf32, #tpu.memory_space<hbm>>
    %dma_start3A_843 = tpu.memref_squeeze %dma_start3A_842 : memref<1x200x128xf32, #tpu.memory_space<hbm>> -> memref<200x128xf32, #tpu.memory_space<hbm>>
    %dma_start3A_844 = arith.constant 0 : i32
    %dma_start3A_845 = arith.constant 0 : i32
    %dma_start3A_846 = tpu.memref_slice %arg9[%dma_start3A_844, %dma_start3A_845] : memref<400x128xf32, #tpu.memory_space<vmem>> -> memref<200x128xf32, #tpu.memory_space<vmem>>
    tpu.enqueue_dma source(%dma_start3A_846 : memref<200x128xf32, #tpu.memory_space<vmem>>) target(%dma_start3A_843 : memref<200x128xf32, #tpu.memory_space<hbm>>) target_semaphore(%arg17 : memref<!tpu.dma_semaphore, #tpu.memory_space<semaphore_mem>>)
    %dma_start3A_847 = arith.constant 200 : i32
    %dma_start3A_848 = arith.constant 0 : i32
    %dma_start3A_849 = tpu.memref_slice %arg9[%dma_start3A_847, %dma_start3A_848] : memref<400x128xf32, #tpu.memory_space<vmem>> -> memref<200x128xf32, #tpu.memory_space<vmem>>
    %dma_start3A_850 = arith.constant 0 : i32
    %dma_start3A_851 = arith.constant 0 : i32
    %dma_start3A_852 = tpu.memref_slice %arg4[%add3A_832, %dma_start3A_850, %dma_start3A_851] : memref<16384x200x128xf32, #tpu.memory_space<hbm>> -> memref<1x200x128xf32, #tpu.memory_space<hbm>>
    %dma_start3A_853 = tpu.memref_squeeze %dma_start3A_852 : memref<1x200x128xf32, #tpu.memory_space<hbm>> -> memref<200x128xf32, #tpu.memory_space<hbm>>
    %dma_start3A_854 = arith.constant 0 : i32
    %dma_start3A_855 = arith.constant 0 : i32
    %dma_start3A_856 = tpu.memref_slice %arg4[%add3A_832, %dma_start3A_854, %dma_start3A_855] : memref<16384x200x128xf32, #tpu.memory_space<hbm>> -> memref<1x200x128xf32, #tpu.memory_space<hbm>>
    %dma_start3A_857 = tpu.memref_squeeze %dma_start3A_856 : memref<1x200x128xf32, #tpu.memory_space<hbm>> -> memref<200x128xf32, #tpu.memory_space<hbm>>
    %dma_start3A_858 = arith.constant 200 : i32
    %dma_start3A_859 = arith.constant 0 : i32
    %dma_start3A_860 = tpu.memref_slice %arg9[%dma_start3A_858, %dma_start3A_859] : memref<400x128xf32, #tpu.memory_space<vmem>> -> memref<200x128xf32, #tpu.memory_space<vmem>>
    tpu.enqueue_dma source(%dma_start3A_860 : memref<200x128xf32, #tpu.memory_space<vmem>>) target(%dma_start3A_857 : memref<200x128xf32, #tpu.memory_space<hbm>>) target_semaphore(%arg17 : memref<!tpu.dma_semaphore, #tpu.memory_space<semaphore_mem>>)
    %dma_wait3A_861 = arith.constant 0 : i32
    %dma_wait3A_862 = arith.constant 0 : i32
    %dma_wait3A_863 = tpu.memref_slice %arg3[%dma_wait3A_861, %dma_wait3A_862] : memref<1000000x128xf32, #tpu.memory_space<hbm>> -> memref<1000000x128xf32, #tpu.memory_space<hbm>>
    tpu.wait_indirect_dma semaphore(%arg16 : memref<!tpu.dma_semaphore, #tpu.memory_space<semaphore_mem>>) src(%dma_wait3A_863 : memref<1000000x128xf32, #tpu.memory_space<hbm>>) dst(%arg10 : memref<400x128xf32, #tpu.memory_space<vmem>>)
    %add3A_864 = arith.constant 102000 : i32
    %add3A_865 = arith.addi %mul3A_2, %add3A_864 : i32
    %jit3A_866 = arith.constant 200 : i32
    %div3A_867 = arith.divsi %add3A_865, %jit3A_866 : i32
    %sign3A_868 = arith.constant 0 : i32
    %sign3A_869 = arith.cmpi sgt, %add3A_865, %sign3A_868 : i32
    %sign3A_870 = arith.extui %sign3A_869 : i1 to i32
    %sign3A_871 = arith.constant 0 : i32
    %sign3A_872 = arith.cmpi slt, %add3A_865, %sign3A_871 : i32
    %sign3A_873 = arith.extui %sign3A_872 : i1 to i32
    %sign3A_874 = arith.subi %sign3A_870, %sign3A_873 : i32
    %sign3A_875 = arith.constant 0 : i32
    %sign3A_876 = arith.cmpi sgt, %jit3A_866, %sign3A_875 : i32
    %sign3A_877 = arith.extui %sign3A_876 : i1 to i32
    %sign3A_878 = arith.constant 0 : i32
    %sign3A_879 = arith.cmpi slt, %jit3A_866, %sign3A_878 : i32
    %sign3A_880 = arith.extui %sign3A_879 : i1 to i32
    %sign3A_881 = arith.subi %sign3A_877, %sign3A_880 : i32
    %ne3A_882 = arith.cmpi ne, %sign3A_874, %sign3A_881 : i32
    %rem3A_883 = arith.remsi %add3A_865, %jit3A_866 : i32
    %ne3A_884 = arith.constant 0 : i32
    %ne3A_885 = arith.cmpi ne, %rem3A_883, %ne3A_884 : i32
    %and3A_886 = arith.andi %ne3A_882, %ne3A_885 : i1
    %sub3A_887 = arith.constant 1 : i32
    %sub3A_888 = arith.subi %div3A_867, %sub3A_887 : i32
    %select_n3A_889 = arith.select %and3A_886, %sub3A_888, %div3A_867 : i32
    %add3A_890 = arith.constant 0 : i32
    %add3A_891 = arith.addi %select_n3A_889, %add3A_890 : i32
    %add3A_892 = arith.constant 1 : i32
    %add3A_893 = arith.addi %select_n3A_889, %add3A_892 : i32
    %dma_start3A_894 = arith.constant 0 : i32
    %dma_start3A_895 = arith.constant 0 : i32
    %dma_start3A_896 = tpu.memref_slice %arg10[%dma_start3A_894, %dma_start3A_895] : memref<400x128xf32, #tpu.memory_space<vmem>> -> memref<200x128xf32, #tpu.memory_space<vmem>>
    %dma_start3A_897 = arith.constant 0 : i32
    %dma_start3A_898 = arith.constant 0 : i32
    %dma_start3A_899 = tpu.memref_slice %arg4[%add3A_891, %dma_start3A_897, %dma_start3A_898] : memref<16384x200x128xf32, #tpu.memory_space<hbm>> -> memref<1x200x128xf32, #tpu.memory_space<hbm>>
    %dma_start3A_900 = tpu.memref_squeeze %dma_start3A_899 : memref<1x200x128xf32, #tpu.memory_space<hbm>> -> memref<200x128xf32, #tpu.memory_space<hbm>>
    %dma_start3A_901 = arith.constant 0 : i32
    %dma_start3A_902 = arith.constant 0 : i32
    %dma_start3A_903 = tpu.memref_slice %arg4[%add3A_891, %dma_start3A_901, %dma_start3A_902] : memref<16384x200x128xf32, #tpu.memory_space<hbm>> -> memref<1x200x128xf32, #tpu.memory_space<hbm>>
    %dma_start3A_904 = tpu.memref_squeeze %dma_start3A_903 : memref<1x200x128xf32, #tpu.memory_space<hbm>> -> memref<200x128xf32, #tpu.memory_space<hbm>>
    %dma_start3A_905 = arith.constant 0 : i32
    %dma_start3A_906 = arith.constant 0 : i32
    %dma_start3A_907 = tpu.memref_slice %arg10[%dma_start3A_905, %dma_start3A_906] : memref<400x128xf32, #tpu.memory_space<vmem>> -> memref<200x128xf32, #tpu.memory_space<vmem>>
    tpu.enqueue_dma source(%dma_start3A_907 : memref<200x128xf32, #tpu.memory_space<vmem>>) target(%dma_start3A_904 : memref<200x128xf32, #tpu.memory_space<hbm>>) target_semaphore(%arg18 : memref<!tpu.dma_semaphore, #tpu.memory_space<semaphore_mem>>)
    %dma_start3A_908 = arith.constant 200 : i32
    %dma_start3A_909 = arith.constant 0 : i32
    %dma_start3A_910 = tpu.memref_slice %arg10[%dma_start3A_908, %dma_start3A_909] : memref<400x128xf32, #tpu.memory_space<vmem>> -> memref<200x128xf32, #tpu.memory_space<vmem>>
    %dma_start3A_911 = arith.constant 0 : i32
    %dma_start3A_912 = arith.constant 0 : i32
    %dma_start3A_913 = tpu.memref_slice %arg4[%add3A_893, %dma_start3A_911, %dma_start3A_912] : memref<16384x200x128xf32, #tpu.memory_space<hbm>> -> memref<1x200x128xf32, #tpu.memory_space<hbm>>
    %dma_start3A_914 = tpu.memref_squeeze %dma_start3A_913 : memref<1x200x128xf32, #tpu.memory_space<hbm>> -> memref<200x128xf32, #tpu.memory_space<hbm>>
    %dma_start3A_915 = arith.constant 0 : i32
    %dma_start3A_916 = arith.constant 0 : i32
    %dma_start3A_917 = tpu.memref_slice %arg4[%add3A_893, %dma_start3A_915, %dma_start3A_916] : memref<16384x200x128xf32, #tpu.memory_space<hbm>> -> memref<1x200x128xf32, #tpu.memory_space<hbm>>
    %dma_start3A_918 = tpu.memref_squeeze %dma_start3A_917 : memref<1x200x128xf32, #tpu.memory_space<hbm>> -> memref<200x128xf32, #tpu.memory_space<hbm>>
    %dma_start3A_919 = arith.constant 200 : i32
    %dma_start3A_920 = arith.constant 0 : i32
    %dma_start3A_921 = tpu.memref_slice %arg10[%dma_start3A_919, %dma_start3A_920] : memref<400x128xf32, #tpu.memory_space<vmem>> -> memref<200x128xf32, #tpu.memory_space<vmem>>
    tpu.enqueue_dma source(%dma_start3A_921 : memref<200x128xf32, #tpu.memory_space<vmem>>) target(%dma_start3A_918 : memref<200x128xf32, #tpu.memory_space<hbm>>) target_semaphore(%arg18 : memref<!tpu.dma_semaphore, #tpu.memory_space<semaphore_mem>>)
    %add3A_922 = arith.constant 101600 : i32
    %add3A_923 = arith.addi %mul3A_2, %add3A_922 : i32
    %jit3A_924 = arith.constant 200 : i32
    %div3A_925 = arith.divsi %add3A_923, %jit3A_924 : i32
    %sign3A_926 = arith.constant 0 : i32
    %sign3A_927 = arith.cmpi sgt, %add3A_923, %sign3A_926 : i32
    %sign3A_928 = arith.extui %sign3A_927 : i1 to i32
    %sign3A_929 = arith.constant 0 : i32
    %sign3A_930 = arith.cmpi slt, %add3A_923, %sign3A_929 : i32
    %sign3A_931 = arith.extui %sign3A_930 : i1 to i32
    %sign3A_932 = arith.subi %sign3A_928, %sign3A_931 : i32
    %sign3A_933 = arith.constant 0 : i32
    %sign3A_934 = arith.cmpi sgt, %jit3A_924, %sign3A_933 : i32
    %sign3A_935 = arith.extui %sign3A_934 : i1 to i32
    %sign3A_936 = arith.constant 0 : i32
    %sign3A_937 = arith.cmpi slt, %jit3A_924, %sign3A_936 : i32
    %sign3A_938 = arith.extui %sign3A_937 : i1 to i32
    %sign3A_939 = arith.subi %sign3A_935, %sign3A_938 : i32
    %ne3A_940 = arith.cmpi ne, %sign3A_932, %sign3A_939 : i32
    %rem3A_941 = arith.remsi %add3A_923, %jit3A_924 : i32
    %ne3A_942 = arith.constant 0 : i32
    %ne3A_943 = arith.cmpi ne, %rem3A_941, %ne3A_942 : i32
    %and3A_944 = arith.andi %ne3A_940, %ne3A_943 : i1
    %sub3A_945 = arith.constant 1 : i32
    %sub3A_946 = arith.subi %div3A_925, %sub3A_945 : i32
    %select_n3A_947 = arith.select %and3A_944, %sub3A_946, %div3A_925 : i32
    %add3A_948 = arith.constant 0 : i32
    %add3A_949 = arith.addi %select_n3A_947, %add3A_948 : i32
    %add3A_950 = arith.constant 1 : i32
    %add3A_951 = arith.addi %select_n3A_947, %add3A_950 : i32
    %dma_wait3A_952 = arith.constant 0 : i32
    %dma_wait3A_953 = arith.constant 0 : i32
    %dma_wait3A_954 = tpu.memref_slice %arg9[%dma_wait3A_952, %dma_wait3A_953] : memref<400x128xf32, #tpu.memory_space<vmem>> -> memref<200x128xf32, #tpu.memory_space<vmem>>
    %dma_wait3A_955 = arith.constant 0 : i32
    %dma_wait3A_956 = arith.constant 0 : i32
    %dma_wait3A_957 = tpu.memref_slice %arg4[%add3A_949, %dma_wait3A_955, %dma_wait3A_956] : memref<16384x200x128xf32, #tpu.memory_space<hbm>> -> memref<1x200x128xf32, #tpu.memory_space<hbm>>
    %dma_wait3A_958 = tpu.memref_squeeze %dma_wait3A_957 : memref<1x200x128xf32, #tpu.memory_space<hbm>> -> memref<200x128xf32, #tpu.memory_space<hbm>>
    %dma_wait3A_959 = arith.constant 0 : i32
    %dma_wait3A_960 = arith.constant 0 : i32
    %dma_wait3A_961 = tpu.memref_slice %arg4[%add3A_949, %dma_wait3A_959, %dma_wait3A_960] : memref<16384x200x128xf32, #tpu.memory_space<hbm>> -> memref<1x200x128xf32, #tpu.memory_space<hbm>>
    %dma_wait3A_962 = tpu.memref_squeeze %dma_wait3A_961 : memref<1x200x128xf32, #tpu.memory_space<hbm>> -> memref<200x128xf32, #tpu.memory_space<hbm>>
    %dma_wait3A_963 = arith.constant 0 : i32
    %dma_wait3A_964 = arith.constant 0 : i32
    %dma_wait3A_965 = tpu.memref_slice %arg9[%dma_wait3A_963, %dma_wait3A_964] : memref<400x128xf32, #tpu.memory_space<vmem>> -> memref<200x128xf32, #tpu.memory_space<vmem>>
    tpu.wait_dma2 semaphore(%arg17 : memref<!tpu.dma_semaphore, #tpu.memory_space<semaphore_mem>>) src(%dma_wait3A_965 : memref<200x128xf32, #tpu.memory_space<vmem>>) dst(%dma_wait3A_962 : memref<200x128xf32, #tpu.memory_space<hbm>>)
    %dma_wait3A_966 = arith.constant 200 : i32
    %dma_wait3A_967 = arith.constant 0 : i32
    %dma_wait3A_968 = tpu.memref_slice %arg9[%dma_wait3A_966, %dma_wait3A_967] : memref<400x128xf32, #tpu.memory_space<vmem>> -> memref<200x128xf32, #tpu.memory_space<vmem>>
    %dma_wait3A_969 = arith.constant 0 : i32
    %dma_wait3A_970 = arith.constant 0 : i32
    %dma_wait3A_971 = tpu.memref_slice %arg4[%add3A_951, %dma_wait3A_969, %dma_wait3A_970] : memref<16384x200x128xf32, #tpu.memory_space<hbm>> -> memref<1x200x128xf32, #tpu.memory_space<hbm>>
    %dma_wait3A_972 = tpu.memref_squeeze %dma_wait3A_971 : memref<1x200x128xf32, #tpu.memory_space<hbm>> -> memref<200x128xf32, #tpu.memory_space<hbm>>
    %dma_wait3A_973 = arith.constant 0 : i32
    %dma_wait3A_974 = arith.constant 0 : i32
    %dma_wait3A_975 = tpu.memref_slice %arg4[%add3A_951, %dma_wait3A_973, %dma_wait3A_974] : memref<16384x200x128xf32, #tpu.memory_space<hbm>> -> memref<1x200x128xf32, #tpu.memory_space<hbm>>
    %dma_wait3A_976 = tpu.memref_squeeze %dma_wait3A_975 : memref<1x200x128xf32, #tpu.memory_space<hbm>> -> memref<200x128xf32, #tpu.memory_space<hbm>>
    %dma_wait3A_977 = arith.constant 200 : i32
    %dma_wait3A_978 = arith.constant 0 : i32
    %dma_wait3A_979 = tpu.memref_slice %arg9[%dma_wait3A_977, %dma_wait3A_978] : memref<400x128xf32, #tpu.memory_space<vmem>> -> memref<200x128xf32, #tpu.memory_space<vmem>>
    tpu.wait_dma2 semaphore(%arg17 : memref<!tpu.dma_semaphore, #tpu.memory_space<semaphore_mem>>) src(%dma_wait3A_979 : memref<200x128xf32, #tpu.memory_space<vmem>>) dst(%dma_wait3A_976 : memref<200x128xf32, #tpu.memory_space<hbm>>)
    %add3A_980 = arith.constant 102000 : i32
    %add3A_981 = arith.addi %mul3A_2, %add3A_980 : i32
    %jit3A_982 = arith.constant 200 : i32
    %div3A_983 = arith.divsi %add3A_981, %jit3A_982 : i32
    %sign3A_984 = arith.constant 0 : i32
    %sign3A_985 = arith.cmpi sgt, %add3A_981, %sign3A_984 : i32
    %sign3A_986 = arith.extui %sign3A_985 : i1 to i32
    %sign3A_987 = arith.constant 0 : i32
    %sign3A_988 = arith.cmpi slt, %add3A_981, %sign3A_987 : i32
    %sign3A_989 = arith.extui %sign3A_988 : i1 to i32
    %sign3A_990 = arith.subi %sign3A_986, %sign3A_989 : i32
    %sign3A_991 = arith.constant 0 : i32
    %sign3A_992 = arith.cmpi sgt, %jit3A_982, %sign3A_991 : i32
    %sign3A_993 = arith.extui %sign3A_992 : i1 to i32
    %sign3A_994 = arith.constant 0 : i32
    %sign3A_995 = arith.cmpi slt, %jit3A_982, %sign3A_994 : i32
    %sign3A_996 = arith.extui %sign3A_995 : i1 to i32
    %sign3A_997 = arith.subi %sign3A_993, %sign3A_996 : i32
    %ne3A_998 = arith.cmpi ne, %sign3A_990, %sign3A_997 : i32
    %rem3A_999 = arith.remsi %add3A_981, %jit3A_982 : i32
    %ne3A_1000 = arith.constant 0 : i32
    %ne3A_1001 = arith.cmpi ne, %rem3A_999, %ne3A_1000 : i32
    %and3A_1002 = arith.andi %ne3A_998, %ne3A_1001 : i1
    %sub3A_1003 = arith.constant 1 : i32
    %sub3A_1004 = arith.subi %div3A_983, %sub3A_1003 : i32
    %select_n3A_1005 = arith.select %and3A_1002, %sub3A_1004, %div3A_983 : i32
    %add3A_1006 = arith.constant 0 : i32
    %add3A_1007 = arith.addi %select_n3A_1005, %add3A_1006 : i32
    %add3A_1008 = arith.constant 1 : i32
    %add3A_1009 = arith.addi %select_n3A_1005, %add3A_1008 : i32
    %dma_wait3A_1010 = arith.constant 0 : i32
    %dma_wait3A_1011 = arith.constant 0 : i32
    %dma_wait3A_1012 = tpu.memref_slice %arg10[%dma_wait3A_1010, %dma_wait3A_1011] : memref<400x128xf32, #tpu.memory_space<vmem>> -> memref<200x128xf32, #tpu.memory_space<vmem>>
    %dma_wait3A_1013 = arith.constant 0 : i32
    %dma_wait3A_1014 = arith.constant 0 : i32
    %dma_wait3A_1015 = tpu.memref_slice %arg4[%add3A_1007, %dma_wait3A_1013, %dma_wait3A_1014] : memref<16384x200x128xf32, #tpu.memory_space<hbm>> -> memref<1x200x128xf32, #tpu.memory_space<hbm>>
    %dma_wait3A_1016 = tpu.memref_squeeze %dma_wait3A_1015 : memref<1x200x128xf32, #tpu.memory_space<hbm>> -> memref<200x128xf32, #tpu.memory_space<hbm>>
    %dma_wait3A_1017 = arith.constant 0 : i32
    %dma_wait3A_1018 = arith.constant 0 : i32
    %dma_wait3A_1019 = tpu.memref_slice %arg4[%add3A_1007, %dma_wait3A_1017, %dma_wait3A_1018] : memref<16384x200x128xf32, #tpu.memory_space<hbm>> -> memref<1x200x128xf32, #tpu.memory_space<hbm>>
    %dma_wait3A_1020 = tpu.memref_squeeze %dma_wait3A_1019 : memref<1x200x128xf32, #tpu.memory_space<hbm>> -> memref<200x128xf32, #tpu.memory_space<hbm>>
    %dma_wait3A_1021 = arith.constant 0 : i32
    %dma_wait3A_1022 = arith.constant 0 : i32
    %dma_wait3A_1023 = tpu.memref_slice %arg10[%dma_wait3A_1021, %dma_wait3A_1022] : memref<400x128xf32, #tpu.memory_space<vmem>> -> memref<200x128xf32, #tpu.memory_space<vmem>>
    tpu.wait_dma2 semaphore(%arg18 : memref<!tpu.dma_semaphore, #tpu.memory_space<semaphore_mem>>) src(%dma_wait3A_1023 : memref<200x128xf32, #tpu.memory_space<vmem>>) dst(%dma_wait3A_1020 : memref<200x128xf32, #tpu.memory_space<hbm>>)
    %dma_wait3A_1024 = arith.constant 200 : i32
    %dma_wait3A_1025 = arith.constant 0 : i32
    %dma_wait3A_1026 = tpu.memref_slice %arg10[%dma_wait3A_1024, %dma_wait3A_1025] : memref<400x128xf32, #tpu.memory_space<vmem>> -> memref<200x128xf32, #tpu.memory_space<vmem>>
    %dma_wait3A_1027 = arith.constant 0 : i32
    %dma_wait3A_1028 = arith.constant 0 : i32
    %dma_wait3A_1029 = tpu.memref_slice %arg4[%add3A_1009, %dma_wait3A_1027, %dma_wait3A_1028] : memref<16384x200x128xf32, #tpu.memory_space<hbm>> -> memref<1x200x128xf32, #tpu.memory_space<hbm>>
    %dma_wait3A_1030 = tpu.memref_squeeze %dma_wait3A_1029 : memref<1x200x128xf32, #tpu.memory_space<hbm>> -> memref<200x128xf32, #tpu.memory_space<hbm>>
    %dma_wait3A_1031 = arith.constant 0 : i32
    %dma_wait3A_1032 = arith.constant 0 : i32
    %dma_wait3A_1033 = tpu.memref_slice %arg4[%add3A_1009, %dma_wait3A_1031, %dma_wait3A_1032] : memref<16384x200x128xf32, #tpu.memory_space<hbm>> -> memref<1x200x128xf32, #tpu.memory_space<hbm>>
    %dma_wait3A_1034 = tpu.memref_squeeze %dma_wait3A_1033 : memref<1x200x128xf32, #tpu.memory_space<hbm>> -> memref<200x128xf32, #tpu.memory_space<hbm>>
    %dma_wait3A_1035 = arith.constant 200 : i32
    %dma_wait3A_1036 = arith.constant 0 : i32
    %dma_wait3A_1037 = tpu.memref_slice %arg10[%dma_wait3A_1035, %dma_wait3A_1036] : memref<400x128xf32, #tpu.memory_space<vmem>> -> memref<200x128xf32, #tpu.memory_space<vmem>>
    tpu.wait_dma2 semaphore(%arg18 : memref<!tpu.dma_semaphore, #tpu.memory_space<semaphore_mem>>) src(%dma_wait3A_1037 : memref<200x128xf32, #tpu.memory_space<vmem>>) dst(%dma_wait3A_1034 : memref<200x128xf32, #tpu.memory_space<hbm>>)
    return
  }
}

</mosaic_0001>

<sc_bundles>
// kernel: kernel.3.cloned.1.call-start
scs
__scs_entry_jumppad:
0x0: {  	(pc) =	sbr.rel $0x88, $3  }
0x1: {  	(tag) =	ssettag $0x0;
	lr =	simm.s32 $0x1  }
0x2: {  	[smem:$0x3F9F] =	sst lr;
	_ =	strace $0xD0000000  }
0x3: {  	_ = 	snop  }
0x4: {  	_ = 	snop  }
0x5: {  	_ = 	snop  }
0x6: {  	_ = 	snop  }
0x7: {  	_ = 	snop  }
__scs_overlays_trampoline_lowered:
0x8: {  	[smem:$0x3FAE] =	sst s0  }
0x9: {  	[smem:$0x3FAF] =	sst s1  }
0xa: {  	[smem:$0x3FB0] =	sst s2  }
0xb: {  	[smem:$0x3FB1] =	sst s3  }
0xc: {  	[smem:$0x3FB2] =	sst s4  }
0xd: {  	[smem:$0x3FB3] =	sst s5  }
0xe: {  	[smem:$0x3FB4] =	sst s6  }
0xf: {  	[smem:$0x3FB5] =	sst s7  }
0x10: {  	[smem:$0x3FB6] =	sst s8  }
0x11: {  	[smem:$0x3FB7] =	sst s9;
	s0 =	simm.s32 @!p0 $0x0  }
0x12: {  	s1 =	sld [smem:$0x3F9D];
	s0 =	simm.s32 @p0 $0x1  }
0x13: {  	[smem:$0x3FB8] =	sst s0;
	s0 =	simm.s32 @!p1 $0x0  }
0x14: {  	s2 =	sld [smem:$0x3F9C];
	s0 =	simm.s32 @p1 $0x1  }
0x15: {  	[smem:$0x3FB9] =	sst s0;
	s0 =	simm.s32 @!p2 $0x0  }
0x16: {  	s3 =	sld [smem:$0x3FDB];
	s0 =	simm.s32 @p2 $0x1  }
0x17: {  	s4 =	simm.s32 $0x1BF5;
	[smem:$0x3FBB] =	sst s0  }
0x18: {  	s0 =	sld [smem:$0x3F9E];
	_ =	swait.ge [sflag:s4], $0x0  }
0x19: {  	s7 =	sld [smem:$0x3F9F]  }
0x1a: {  	s8 =	sadd.s32 $0xFFFFE003, lr  }
0x1b: {  	s9 =	sadd.s32 $0xFFFFFEF7, lr;
	s5 =	simm.s32 $0xFFFFFFFF;
	p2 =	slt.u32 s8, $0xFFFFF086  }
0x1c: {  	p1 =	slt.u32 s9, $0xF7A;
	s5 =	simm.s32 @!p2 $0x0  }
0x1d: {  	s5 =	simm.s32 @p1 $0x1;
	p0 =	seq.s32 s7, s2  }
0x1e: {  	s7 =	smul.u32 @!p0 $0xF7A, s2;
	p2 =	seq.s32 @!p0 s5, $0x0  }
0x1f: {  	s9 =	smul.u32 $0xF7A, s1;
	s8 =	simm.s32 @!p0 $0x1BF5;
	p2 =	por !p2, p0  }
0x20: {  	[sflag:s8] =	ssyncset.s32 @!p0 $0xFFFFF086;
	s6 =	sadd.s32 @!p0 s3, s7;
	s7 =	simm.s32 @!p0 $0x108  }
0x21: {  	s3 =	sadd.s32 s3, s9;
	s6 =	sadd.s32 @!p0 $0x88, s6;
	s7 =	simm.s32 @p2 $0x1082  }
0x22: {  	[simem:s7], [sflag:s8] =	dma.local @!p0 [hbm:s6], $0xF7A  }
0x23: {  	s9 =	sor.u32 $0xD0000000, s2;
	s6 =	simm.s32 $0x108;
	_ =	swait.ge @!p0 [sflag:s8], $0x0  }
0x24: {  	s3 =	sadd.s32 $0x88, s3;
	s6 =	simm.s32 @!p1 $0x1082;
	[sflag:s4] =	ssyncset.s32 $0xFFFFF086  }
0x25: {  	[simem:s6], [sflag:s4] =	dma.local [hbm:s3], $0xF7A  }
0x26: {  	[smem:$0x3F9F] =	sst s1;
	(tag) =	ssettag s2;
	_ =	strace s9  }
0x27: {  	s1 =	sld [smem:$0x3FAF]  }
0x28: {  	s2 =	sld [smem:$0x3FB0]  }
0x29: {  	s4 =	sld [smem:$0x3FB2]  }
0x2a: {  	p0 =	seq.s32 s5, $0x0;
	s5 =	sld [smem:$0x3FB3]  }
0x2b: {  	s6 =	sld [smem:$0x3FB4]  }
0x2c: {  	s7 =	sld [smem:$0x3FB5]  }
0x2d: {  	s3 =	simm.s32 $0x108;
	s8 =	sld [smem:$0x3FB6]  }
0x2e: {  	s3 =	simm.s32 @!p0 $0x1082;
	s9 =	sld [smem:$0x3FB7]  }
0x2f: {  	lr =	sadd.s32 s0, s3;
	s0 =	sld [smem:$0x3FAE]  }
0x30: {  	s3 =	sld [smem:$0x3FB1]  }
0x31: {  	[smem:$0x3FBA] =	sst s10  }
0x32: {  	s10 =	sld [smem:$0x3FB8];
	_ =	sdelay $0x3  }
0x33: {  	p0 =	seq.s32 s10, $0x1;
	s10 =	sld [smem:$0x3FBA];
	_ =	sdelay $0x3  }
0x34: {  	[smem:$0x3FBA] =	sst s10  }
0x35: {  	s10 =	sld [smem:$0x3FB9];
	_ =	sdelay $0x3  }
0x36: {  	p1 =	seq.s32 s10, $0x1;
	s10 =	sld [smem:$0x3FBA];
	_ =	sdelay $0x3  }
0x37: {  	[smem:$0x3FBA] =	sst s10  }
0x38: {  	s10 =	sld [smem:$0x3FBB]  }
0x39: {  	_ = 	snop;
	(pc) =	sbr.ind lr, $3  }
0x3a: {  	_ = 	snop  }
0x3b: {  	_ = 	snop  }
0x3c: {  	p2 =	seq.s32 s10, $0x1;
	s10 =	sld [smem:$0x3FBA]  }
0x3d: {  	_ =	shalt  }
0x3e: {  	_ =	shalt  }
0x3f: {  	_ =	shalt  }
0x40: {  	_ =	shalt  }
0x41: {  	_ =	shalt  }
0x42: {  	_ =	shalt  }
0x43: {  	_ =	shalt  }
0x44: {  	_ =	shalt  }
0x45: {  	_ =	shalt  }
0x46: {  	_ =	shalt  }
0x47: {  	_ =	shalt  }
0x48: {  	_ =	shalt  }
0x49: {  	_ =	shalt  }
0x4a: {  	_ =	shalt  }
0x4b: {  	_ =	shalt  }
0x4c: {  	_ =	shalt  }
0x4d: {  	_ =	shalt  }
0x4e: {  	_ =	shalt  }
0x4f: {  	_ =	shalt  }
0x50: {  	_ =	shalt  }
0x51: {  	_ =	shalt  }
0x52: {  	_ =	shalt  }
0x53: {  	_ =	shalt  }
0x54: {  	_ =	shalt  }
0x55: {  	_ =	shalt  }
0x56: {  	_ =	shalt  }
0x57: {  	_ =	shalt  }
0x58: {  	_ =	shalt  }
0x59: {  	_ =	shalt  }
0x5a: {  	_ =	shalt  }
0x5b: {  	_ =	shalt  }
0x5c: {  	_ =	shalt  }
0x5d: {  	_ =	shalt  }
0x5e: {  	_ =	shalt  }
0x5f: {  	_ =	shalt  }
0x60: {  	_ =	shalt  }
0x61: {  	_ =	shalt  }
0x62: {  	_ =	shalt  }
0x63: {  	_ =	shalt  }
0x64: {  	_ =	shalt  }
0x65: {  	_ =	shalt  }
0x66: {  	_ =	shalt  }
0x67: {  	_ =	shalt  }
0x68: {  	_ =	shalt  }
0x69: {  	_ =	shalt  }
0x6a: {  	_ =	shalt  }
0x6b: {  	_ =	shalt  }
0x6c: {  	_ =	shalt  }
0x6d: {  	_ =	shalt  }
0x6e: {  	_ =	shalt  }
0x6f: {  	_ =	shalt  }
0x70: {  	_ =	shalt  }
0x71: {  	_ =	shalt  }
0x72: {  	_ =	shalt  }
0x73: {  	_ =	shalt  }
0x74: {  	_ =	shalt  }
0x75: {  	_ =	shalt  }
0x76: {  	_ =	shalt  }
0x77: {  	_ =	shalt  }
0x78: {  	_ =	shalt  }
0x79: {  	_ =	shalt  }
0x7a: {  	_ =	shalt  }
0x7b: {  	_ =	shalt  }
0x7c: {  	_ =	shalt  }
0x7d: {  	_ =	shalt  }
0x7e: {  	_ =	shalt  }
0x7f: {  	_ =	shalt  }
0x80: {  	_ =	shalt  }
0x81: {  	_ =	shalt  }
0x82: {  	_ =	shalt  }
0x83: {  	_ =	shalt  }
0x84: {  	_ =	shalt  }
0x85: {  	_ =	shalt  }
0x86: {  	_ =	shalt  }
0x87: {  	_ =	shalt  }
.Lfunc_end0:
.L_simem_size_0:
called_computation.1_lowered:
.L_overlay_start_0:
0x88: {  	s2 =	sld [smem:$0x3FD9]  }
0x89: {  	s3 =	sld [smem:$0x3FFE];
	_ =	sdelay $0x1  }
0x8a: {  	s1 =	srdreg.scid  }
0x8b: {  	s0 =	sand.u32 $0x1, s1  }
0x8c: {  	s16 =	sshll.u32 s0, $0xA;
	s2 =	sadd.s32 s3, s2  }
0x8d: {  	s2 =	sadd.s32 s2, s16  }
0x8e: {  	[smem:$0x3FC6] =	sst s2  }
0x8f: {  	_ = 	snop  }
0x90: {  	(tm) =	ssettm $0x1  }
0x91: {  	s17 =	sld [smem:$0x3FFB];
	_ =	sdelay $0x3  }
0x92: {  	_ =	strace s17  }
0x93: {  	s2 =	sld [smem:$0x3FFC];
	_ =	sdelay $0x3  }
0x94: {  	_ =	strace s2  }
0x95: {  	s2 =	sld [smem:$0x3FFD];
	_ =	sdelay $0x3  }
0x96: {  	_ =	strace s2  }
0x97: {  	_ =	strace $0x8FFFFFFF  }
0x98: {  	s18 =	sld [smem:$0x3FDB];
	_ =	sdelay $0x1  }
0x99: {  	s19 =	simm.s32 $_scs_section_size  }
0x9a: {  	s4 =	simm.s32 $_size__tile_overlayer_lowered;
	s5 =	simm.s32 $_tile_overlayer_lowered  }
0x9b: {  	s22 =	simm.s32 $0x1BFF;
	s21 =	sshll.u32 s5, $0x1;
	s2 =	sadd.s32 s19, s18  }
0x9c: {  	s6 =	simm.s32 $0x0;
	s20 =	sshll.u32 s4, $0x1;
	s4 =	sadd.s32 s21, s2  }
0x9d: {  	[timem:s6], [sflag:s22] =	dma.local [hbm:s4], s20  }
0x9e: {  	_ =	swait.ge [sflag:s22], s20  }
0x9f: {  	s3 =	ssub.s32 $0x0, s20;
	[sflag:s22] =	ssyncset.done $0x0  }
0xa0: {  	[sflag:s22] =	ssyncadd.s32 s3;
	_ =	sdelay $0x1  }
0xa1: {  	s23 =	simm.s32 $0x1B8B  }
0xa2: {  	_ =	swait.ge [sflag:s23], $0x1  }
0xa3: {  	[sflag:s23] =	ssyncset.done $0x0  }
0xa4: {  	s25 =	simm.s32 $0x1B8E;
	s24 =	sld [smem:$0x3FFE];
	[sflag:s23] =	ssyncadd.s32 $0xFFFFFFFF  }
0xa5: {  	s26 =	simm.s32 $execute0_lowered;
	[smem:$0x3FD2] =	sst s25  }
0xa6: {  	s4 =	sshll.u32 s26, $0x1;
	_ =	strace $0x80000046;
	[dreg:$0x1] =	wrdreg $0xFFFFFFFF  }
0xa7: {  	s28 =	simm.s32 $_size_execute0_lowered;
	s2 =	sadd.s32 s2, s4;
	[dreg:$0x0] =	wrdreg $0x0  }
0xa8: {  	s4 =	sshll.u32 s28, $0x1;
	[dreg:$0x2] =	wrdreg s2  }
0xa9: {  	[dreg:$0x3] =	wrdreg s4  }
0xaa: {  	[dreg:$0x4] =	wrdreg $0xC0  }
0xab: {  	_ =	task [dreg:s6], $0x5FFFF  }
0xac: {  	[dreg:$0x1] =	wrdreg $0xFFFFFFFF  }
0xad: {  	[dreg:$0x0] =	wrdreg $0x60  }
0xae: {  	[dreg:$0x2] =	wrdreg s24  }
0xaf: {  	[dreg:$0x3] =	wrdreg $0x9  }
0xb0: {  	_ =	task.clear_ibuf [dreg:s6], $0x4FFFF;
	_ =	strace $0x90000046  }
0xb1: {  	s29 =	simm.s32 $0x9;
	_ =	strace $0x80000048  }
0xb2: {  	_ =	swait.ge [sflag:s29], $0x1  }
0xb3: {  	[sflag:s29] =	ssyncadd.s32 $0xFFFFFFFF  }
0xb4: {  	_ =	strace $0x90000048  }
0xb5: {  	_ =	sfence  }
0xb6: {  	s30 =	sld [smem:$0x0];
	_ =	sdelay $0x2  }
0xb7: {  	s31 =	sshll.u32 s1, $0xD;
	s1 =	sshrl.u32 s1, $0x2  }
0xb8: {  	s3 =	sand.u32 $0x4000, s31;
	s1 =	sadd.s32 s1, s30  }
0xb9: {  	s0 =	sor.u32 s3, s0;
	s1 =	sshll.u32 s1, $0x11  }
0xba: {  	s0 =	sor.u32 s1, s0  }
0xbb: {  	s0 =	sadd.s32 $0x8F2B, s0  }
0xbc: {  	[sflag:s0] =	ssyncadd.remote.s32 $0x1  }
0xbd: {  	_ =	sfence.sel $0xFFFF  }
0xbe: {  	[dreg:$0x0] =	wrdreg $0xFFFFFFFF;
	(pc) =	sbr.abs _section_cstart, $3  }
0xbf: {  	[dreg:$0x1] =	wrdreg $0xFFFFFFFF  }
0xc0: {  	_ =	task.clear_ibuf [dreg:s6], $0x2FFFF;
	_ =	strace $0x9FFFFFFF  }
0xc1: {  	(tm) =	ssettm $0x7FFFFFFF  }
tec
execute0_lowered:
.L_overlay_start_1:
0x0: {  	(tag) =	ssettag $0x1  }
0x1: {  	s0 =	srdreg.scid;
	s16 =	stileid.u32  }
0x2: {  	s6 =	sand.u32 $0x1, s0;
	s18 =	sshll.u32 s16, $0x1  }
0x3: {  	s0 =	sor.u32 s6, s18  }
0x4: {  	s12 =	smul.u32 $0x19000, s0  }
0x5: {  	s16 =	smul.u32 $0x32000, s16  }
0x6: {  	s1 =	smul.u32 $0x190000, s0;
	s8 =	sor.u32 $0x190, s12  }
0x7: {  	s9 =	sor.u32 $0x320, s12;
	s2 =	smulhi.u32 $0x147AE15, s8  }
0x8: {  	s19 =	sadd.s32 $0x18830, s12;
	s5 =	smulhi.u32 $0x147AE15, s9  }
0x9: {  	s0 =	rddreg [dreg:$0x0];
	s7 =	sadd.s32 $0x189C0, s12;
	s10 =	smulhi.u32 $0x147AE15, s19  }
0xa: {  	s17 =	sadd.s32 $0x800, s0;
	s20 =	sshrl.u32 s12, $0x3;
	s15 =	smulhi.u32 $0x147AE15, s7  }
0xb: {  	s19 =	smul.u32 $0x19000, s6;
	s23 =	sadd.s32 s17, s20;
	s20 =	sadd.s32 $0x18B50, s12  }
0xc: {  	s20 =	smulhi.u32 $0x147AE15, s20  }
0xd: {  	s3 =	smul.u32 $0xC80, s2  }
0xe: {  	s14 =	smul.u32 $0x6400, s2  }
0xf: {  	s11 =	ssub.s32 $0x2, s6;
	s4 =	smul.u32 $0xC80, s5  }
0x10: {  	s18 =	sshrl.u32 s11, $0x1;
	s28 =	sadd.s32 $0x64800, s0;
	s13 =	smul.u32 $0x6400, s5  }
0x11: {  	s7 =	sadd.s32 $0xFA6C00, s0;
	s6 =	ssub.s32 s11, s18;
	s5 =	smul.u32 $0xC80, s10  }
0x12: {  	s8 =	sshrl.u32 s8, $0x3;
	s22 =	sshrl.u32 s9, $0x3;
	s18 =	smul.u32 $0x6400, s10  }
0x13: {  	s2 =	simm.s32 $0x0;
	s11 =	smul.u32 $0xC80, s15;
	s16 =	sadd.s32 s19, s16  }
0x14: {  	s15 =	smul.u32 $0x6400, s15;
	[smem:$0x7FF] =	sst s2;
	s21 =	sor.u32 $0x960, s16  }
0x15: {  	s19 =	sor.u32 $0x7D0, s16;
	s29 =	sor.u32 $0xFA0, s16;
	s30 =	sor.u32 $0xE10, s16  }
0x16: {  	s8 =	sadd.s32 s17, s8;
	_ =	strace $0x80000047;
	s10 =	smulhi.u32 $0x147AE15, s21  }
0x17: {  	[dreg:$0x7] =	wrdreg s8;
	s24 =	smulhi.u32 $0x147AE15, s19;
	s8 =	sadd.s32 s17, s22  }
0x18: {  	s19 =	sadd.s32 $0x18E70, s12;
	s21 =	sor.u32 $0x4B0, s16;
	s22 =	sor.u32 $0xC80, s16  }
0x19: {  	s14 =	sshrl.u32 s14, $0x3;
	s12 =	sadd.s32 $0x18CE0, s12;
	s13 =	sshrl.u32 s13, $0x3  }
0x1a: {  	s15 =	sshrl.u32 s15, $0x3;
	[dreg:$0x6] =	wrdreg s23;
	s21 =	smulhi.u32 $0x147AE15, s21  }
0x1b: {  	s3 =	sadd.s32 s7, s3;
	[dreg:$0x8] =	wrdreg s8;
	s12 =	smulhi.u32 $0x147AE15, s12  }
0x1c: {  	s26 =	sshrl.u32 s19, $0x3;
	[dreg:$0x13] =	wrdreg s3;
	s25 =	smul.u32 $0xC80, s10  }
0x1d: {  	s3 =	simm.s32 $0xD000;
	s9 =	smul.u32 $0xC80, s24;
	s10 =	sadd.s32 s17, s26  }
0x1e: {  	[dreg:$0x9] =	wrdreg s10;
	s10 =	sshrl.u32 s30, $0x3;
	s30 =	smul.u32 $0x6400, s12  }
0x1f: {  	s24 =	sor.u32 $0xAF0, s16;
	s8 =	sadd.s32 s25, s7;
	s25 =	smul.u32 $0xC80, s21  }
0x20: {  	s26 =	sshrl.u32 s18, $0x3;
	s9 =	sadd.s32 s9, s7;
	s21 =	smul.u32 $0xC80, s20  }
0x21: {  	s20 =	smul.u32 $0x6400, s20;
	[dreg:$0x2] =	wrdreg s8;
	s8 =	sshrl.u32 s29, $0x3  }
0x22: {  	[dreg:$0x3] =	wrdreg s9;
	s9 =	sshrl.u32 s22, $0x3;
	s22 =	sadd.s32 $0xFA7880, s0  }
0x23: {  	s31 =	sadd.s32 s8, s17;
	s8 =	sadd.s32 s10, s17;
	s14 =	sadd.s32 s14, s22  }
0x24: {  	s10 =	sshrl.u32 s24, $0x3;
	s13 =	sadd.s32 s13, s22;
	[dreg:$0xa] =	wrdreg s14  }
0x25: {  	s9 =	sadd.s32 s9, s17;
	s29 =	sadd.s32 s26, s22;
	[dreg:$0xb] =	wrdreg s13  }
0x26: {  	s10 =	sadd.s32 s10, s17;
	s17 =	sadd.s32 s25, s7;
	[dreg:$0xc] =	wrdreg s29  }
0x27: {  	s18 =	sshrl.u32 s20, $0x3;
	s14 =	sadd.s32 s15, s22;
	[dreg:$0x4] =	wrdreg s17  }
0x28: {  	s12 =	smul.u32 $0xC80, s12;
	s20 =	sadd.s32 s18, s22;
	[dreg:$0xd] =	wrdreg s14  }
0x29: {  	s13 =	sshrl.u32 s30, $0x3;
	s30 =	sadd.s32 s1, s22;
	[dreg:$0xe] =	wrdreg s20  }
0x2a: {  	s25 =	sor.u32 $0x640, s16;
	s1 =	sadd.s32 s7, s1;
	[dreg:$0x11] =	wrdreg s30  }
0x2b: {  	s16 =	sadd.s32 s7, s4;
	s18 =	sadd.s32 s7, s5;
	[dreg:$0x12] =	wrdreg s1  }
0x2c: {  	s4 =	simm.s32 $0x200;
	s5 =	simm.s32 $0x400;
	[dreg:$0x14] =	wrdreg s16  }
0x2d: {  	s17 =	smulhi.u32 $0x147AE15, s19;
	s13 =	sadd.s32 s13, s22;
	[dreg:$0x15] =	wrdreg s18  }
0x2e: {  	s29 =	smulhi.u32 $0x147AE15, s25;
	s20 =	sadd.s32 s7, s21;
	[dreg:$0xf] =	wrdreg s13  }
0x2f: {  	s21 =	sadd.s32 s7, s12;
	s25 =	sadd.s32 $0x96, s23;
	[dreg:$0x17] =	wrdreg s20  }
0x30: {  	s30 =	sadd.s32 $0x12C, s23;
	s12 =	simm.s32 $0x190;
	[dreg:$0x18] =	wrdreg s21  }
0x31: {  	s14 =	simm.s32 $0x2;
	s16 =	simm.s32 $0x6C00;
	[dreg:$0x1b] =	wrdreg s25  }
0x32: {  	s18 =	simm.s32 $0x7;
	[dreg:$0x1e] =	wrdreg s30;
	s19 =	smul.u32 $0x6400, s17  }
0x33: {  	s13 =	simm.s32 $0x800;
	s20 =	simm.s32 $0x13400;
	s15 =	smul.u32 $0xC80, s17  }
0x34: {  	s21 =	simm.s32 $0x4;
	s17 =	smul.u32 $0xC80, s29;
	s29 =	sadd.s32 $0xFA, s23  }
0x35: {  	[dreg:$0x1d] =	wrdreg s29;
	s24 =	sshrl.u32 s19, $0x3;
	s19 =	sadd.s32 s7, s11  }
0x36: {  	s1 =	sadd.s32 s7, s15;
	s11 =	simm.s32 $0x1;
	[dreg:$0x16] =	wrdreg s19  }
0x37: {  	s15 =	simm.s32 $0x5;
	s26 =	sadd.s32 s24, s22;
	[dreg:$0x19] =	wrdreg s1  }
0x38: {  	s22 =	sadd.s32 s17, s7;
	s24 =	smax.u32 s6, $0x1;
	[dreg:$0x10] =	wrdreg s26  }
0x39: {  	s6 =	simm.s32 $0x600;
	s17 =	simm.s32 $0x3;
	[dreg:$0x5] =	wrdreg s22  }
0x3a: {  	s19 =	simm.s32 $0x6;
	[dreg:$0x1a] =	wrdreg s24;
	s26 =	sadd.s32 $0xC8, s23  }
0x3b: {  	s22 =	simm.s32 $0x8;
	s23 =	simm.s32 $0x0;
	[dreg:$0x1c] =	wrdreg s26  }
.LBB2_1:
0x3c: {  	s0 =	rddreg [dreg:$0x6]  }
0x3d: {  	[tilespmem:s2], [sflag:$0x1] =	stream.linear.gather [hbm4b:s0+s2], $0x190, $0x38;
	[tilespmem:$0x19800] =	vst v63  }
0x3e: {  	s1 =	rddreg [dreg:$0x7]  }
0x3f: {  	[tilespmem:s4], [sflag:$0x2] =	stream.linear.gather [hbm4b:s1+s2], $0x190, $0x38;
	[tilespmem:$0x19800] =	vst v63  }
0x40: {  	s7 =	rddreg [dreg:$0x8]  }
0x41: {  	[tilespmem:s5], [sflag:$0x3] =	stream.linear.gather [hbm4b:s7+s2], $0x190, $0x38;
	[tilespmem:$0x19800] =	vst v63  }
0x42: {  	s24 =	rddreg [dreg:$0x1b]  }
0x43: {  	[tilespmem:s6], [sflag:$0x4] =	stream.linear.gather [hbm4b:s24+s2], $0x190, $0x38;
	[tilespmem:$0x19800] =	vst v63  }
0x44: {  	_ =	swait.ge [sflag:s11], $0x190  }
0x45: {  	[sflag:s11] =	ssyncset.done $0x0  }
0x46: {  	[sflag:s11] =	ssyncadd.s32 $0xFFFFFE70  }
0x47: {  	[tilespmem:s13], [sflag:$0x5] =	stream.indirect.gather [hbm4b:s28+s12], $0x80, s2, s12, $0xb8;
	[tilespmem:$0x19800] =	vst v63  }
0x48: {  	_ =	swait.ge [sflag:s14], $0x190  }
0x49: {  	[sflag:s14] =	ssyncset.done $0x0  }
0x4a: {  	[sflag:s14] =	ssyncadd.s32 $0xFFFFFE70  }
0x4b: {  	[tilespmem:s3], [sflag:$0x6] =	stream.indirect.gather [hbm4b:s28+s12], $0x80, s4, s12, $0xb8;
	[tilespmem:$0x19800] =	vst v63  }
0x4c: {  	_ =	swait.ge [sflag:s15], $0xC800  }
0x4d: {  	[sflag:s15] =	ssyncset.done $0x0  }
0x4e: {  	s25 =	rddreg [dreg:$0x12];
	[sflag:s15] =	ssyncadd.s32 $0xFFFF3800  }
0x4f: {  	[hbm4b:s25+s2] =	stream.linear.scatter [tilespmem:s13], [sflag:$0x7], $0x6400, $0x38;
	[tilespmem:$0x19800] =	vst v63  }
0x50: {  	s26 =	rddreg [dreg:$0x11]  }
0x51: {  	[hbm4b:s26+s2] =	stream.linear.scatter [tilespmem:s16], [sflag:$0x7], $0x6400, $0x38;
	[tilespmem:$0x19800] =	vst v63  }
0x52: {  	s1 =	rddreg [dreg:$0x1c]  }
0x53: {  	[tilespmem:s2], [sflag:$0x1] =	stream.linear.gather [hbm4b:s1+s2], $0x190, $0x38;
	[tilespmem:$0x19800] =	vst v63  }
0x54: {  	_ =	swait.ge [sflag:s17], $0x190  }
0x55: {  	[sflag:s17] =	ssyncset.done $0x0  }
0x56: {  	[sflag:s17] =	ssyncadd.s32 $0xFFFFFE70  }
0x57: {  	_ =	swait.ge [sflag:s18], $0x6400  }
0x58: {  	[sflag:s18] =	ssyncset.done $0x0  }
0x59: {  	[sflag:s18] =	ssyncadd.s32 $0xFFFF9C00  }
0x5a: {  	_ =	swait.ge [sflag:s18], $0x6400  }
0x5b: {  	[sflag:s18] =	ssyncset.done $0x0  }
0x5c: {  	[sflag:s18] =	ssyncadd.s32 $0xFFFF9C00  }
0x5d: {  	[tilespmem:s13], [sflag:$0x5] =	stream.indirect.gather [hbm4b:s28+s12], $0x80, s5, s12, $0xb8;
	[tilespmem:$0x19800] =	vst v63  }
0x5e: {  	_ =	swait.ge [sflag:s19], $0xC800  }
0x5f: {  	[sflag:s19] =	ssyncset.done $0x0  }
0x60: {  	s7 =	rddreg [dreg:$0x13];
	[sflag:s19] =	ssyncadd.s32 $0xFFFF3800  }
0x61: {  	[hbm4b:s7+s2] =	stream.linear.scatter [tilespmem:s3], [sflag:$0x8], $0x6400, $0x38;
	[tilespmem:$0x19800] =	vst v63  }
0x62: {  	s24 =	rddreg [dreg:$0xa]  }
0x63: {  	[hbm4b:s24+s2] =	stream.linear.scatter [tilespmem:s20], [sflag:$0x8], $0x6400, $0x38;
	[tilespmem:$0x19800] =	vst v63  }
0x64: {  	s25 =	rddreg [dreg:$0x1d]  }
0x65: {  	[tilespmem:s4], [sflag:$0x2] =	stream.linear.gather [hbm4b:s25+s2], $0x190, $0x38;
	[tilespmem:$0x19800] =	vst v63  }
0x66: {  	_ =	swait.ge [sflag:s21], $0x190  }
0x67: {  	[sflag:s21] =	ssyncset.done $0x0  }
0x68: {  	[sflag:s21] =	ssyncadd.s32 $0xFFFFFE70  }
0x69: {  	_ =	swait.ge [sflag:s22], $0x6400  }
0x6a: {  	[sflag:s22] =	ssyncset.done $0x0  }
0x6b: {  	[sflag:s22] =	ssyncadd.s32 $0xFFFF9C00  }
0x6c: {  	_ =	swait.ge [sflag:s22], $0x6400  }
0x6d: {  	[sflag:s22] =	ssyncset.done $0x0  }
0x6e: {  	[sflag:s22] =	ssyncadd.s32 $0xFFFF9C00  }
0x6f: {  	[tilespmem:s3], [sflag:$0x6] =	stream.indirect.gather [hbm4b:s28+s12], $0x80, s6, s12, $0xb8;
	[tilespmem:$0x19800] =	vst v63  }
0x70: {  	_ =	swait.ge [sflag:s15], $0xC800  }
0x71: {  	[sflag:s15] =	ssyncset.done $0x0  }
0x72: {  	s26 =	rddreg [dreg:$0x14];
	[sflag:s15] =	ssyncadd.s32 $0xFFFF3800  }
0x73: {  	[hbm4b:s26+s2] =	stream.linear.scatter [tilespmem:s13], [sflag:$0x7], $0x6400, $0x38;
	[tilespmem:$0x19800] =	vst v63  }
0x74: {  	s1 =	rddreg [dreg:$0xb]  }
0x75: {  	[hbm4b:s1+s2] =	stream.linear.scatter [tilespmem:s16], [sflag:$0x7], $0x6400, $0x38;
	[tilespmem:$0x19800] =	vst v63  }
0x76: {  	s7 =	rddreg [dreg:$0x1e]  }
0x77: {  	[tilespmem:s5], [sflag:$0x3] =	stream.linear.gather [hbm4b:s7+s2], $0x190, $0x38;
	[tilespmem:$0x19800] =	vst v63  }
0x78: {  	_ =	swait.ge [sflag:s11], $0x190  }
0x79: {  	[sflag:s11] =	ssyncset.done $0x0  }
0x7a: {  	[sflag:s11] =	ssyncadd.s32 $0xFFFFFE70  }
0x7b: {  	_ =	swait.ge [sflag:s18], $0x6400  }
0x7c: {  	[sflag:s18] =	ssyncset.done $0x0  }
0x7d: {  	[sflag:s18] =	ssyncadd.s32 $0xFFFF9C00  }
0x7e: {  	_ =	swait.ge [sflag:s18], $0x6400  }
0x7f: {  	[sflag:s18] =	ssyncset.done $0x0  }
0x80: {  	[sflag:s18] =	ssyncadd.s32 $0xFFFF9C00  }
0x81: {  	[tilespmem:s13], [sflag:$0x5] =	stream.indirect.gather [hbm4b:s28+s12], $0x80, s2, s12, $0xb8;
	[tilespmem:$0x19800] =	vst v63  }
0x82: {  	_ =	swait.ge [sflag:s19], $0xC800  }
0x83: {  	s1 =	rddreg [dreg:$0x4];
	[sflag:s19] =	ssyncset.done $0x0  }
0x84: {  	[sflag:s19] =	ssyncadd.s32 $0xFFFF3800;
	s1 =	sadd.s32 $0x0, s1  }
0x85: {  	[hbm4b:s1+s2] =	stream.linear.scatter [tilespmem:s3], [sflag:$0x8], $0x6400, $0x38;
	[tilespmem:$0x19800] =	vst v63  }
0x86: {  	s1 =	sadd.s32 $0xC80, s1  }
0x87: {  	[hbm4b:s1+s2] =	stream.linear.scatter [tilespmem:s20], [sflag:$0x8], $0x6400, $0x38;
	[tilespmem:$0x19800] =	vst v63  }
0x88: {  	_ = 	snop  }
0x89: {  	[tilespmem:s6], [sflag:$0x4] =	stream.linear.gather [hbm4b:s10+s2], $0x190, $0x38;
	[tilespmem:$0x19800] =	vst v63  }
0x8a: {  	_ =	swait.ge [sflag:s14], $0x190  }
0x8b: {  	[sflag:s14] =	ssyncset.done $0x0  }
0x8c: {  	[sflag:s14] =	ssyncadd.s32 $0xFFFFFE70  }
0x8d: {  	_ =	swait.ge [sflag:s22], $0x6400  }
0x8e: {  	[sflag:s22] =	ssyncset.done $0x0  }
0x8f: {  	[sflag:s22] =	ssyncadd.s32 $0xFFFF9C00  }
0x90: {  	_ =	swait.ge [sflag:s22], $0x6400  }
0x91: {  	[sflag:s22] =	ssyncset.done $0x0  }
0x92: {  	[sflag:s22] =	ssyncadd.s32 $0xFFFF9C00  }
0x93: {  	[tilespmem:s3], [sflag:$0x6] =	stream.indirect.gather [hbm4b:s28+s12], $0x80, s4, s12, $0xb8;
	[tilespmem:$0x19800] =	vst v63  }
0x94: {  	_ =	swait.ge [sflag:s15], $0xC800  }
0x95: {  	s24 =	rddreg [dreg:$0x5];
	[sflag:s15] =	ssyncset.done $0x0  }
0x96: {  	[sflag:s15] =	ssyncadd.s32 $0xFFFF3800;
	s1 =	sadd.s32 $0x0, s24  }
0x97: {  	[hbm4b:s1+s2] =	stream.linear.scatter [tilespmem:s13], [sflag:$0x7], $0x6400, $0x38;
	[tilespmem:$0x19800] =	vst v63  }
0x98: {  	s1 =	sadd.s32 $0xC80, s1  }
0x99: {  	[hbm4b:s1+s2] =	stream.linear.scatter [tilespmem:s16], [sflag:$0x7], $0x6400, $0x38;
	[tilespmem:$0x19800] =	vst v63  }
0x9a: {  	_ = 	snop  }
0x9b: {  	[tilespmem:s2], [sflag:$0x1] =	stream.linear.gather [hbm4b:s9+s2], $0x190, $0x38;
	[tilespmem:$0x19800] =	vst v63  }
0x9c: {  	_ =	swait.ge [sflag:s17], $0x190  }
0x9d: {  	[sflag:s17] =	ssyncset.done $0x0  }
0x9e: {  	[sflag:s17] =	ssyncadd.s32 $0xFFFFFE70  }
0x9f: {  	_ =	swait.ge [sflag:s18], $0x6400  }
0xa0: {  	[sflag:s18] =	ssyncset.done $0x0  }
0xa1: {  	[sflag:s18] =	ssyncadd.s32 $0xFFFF9C00  }
0xa2: {  	_ =	swait.ge [sflag:s18], $0x6400  }
0xa3: {  	[sflag:s18] =	ssyncset.done $0x0  }
0xa4: {  	[sflag:s18] =	ssyncadd.s32 $0xFFFF9C00  }
0xa5: {  	[tilespmem:s13], [sflag:$0x5] =	stream.indirect.gather [hbm4b:s28+s12], $0x80, s5, s12, $0xb8;
	[tilespmem:$0x19800] =	vst v63  }
0xa6: {  	_ =	swait.ge [sflag:s19], $0xC800  }
0xa7: {  	s25 =	rddreg [dreg:$0x3];
	[sflag:s19] =	ssyncset.done $0x0  }
0xa8: {  	[sflag:s19] =	ssyncadd.s32 $0xFFFF3800;
	s1 =	sadd.s32 $0x0, s25  }
0xa9: {  	[hbm4b:s1+s2] =	stream.linear.scatter [tilespmem:s3], [sflag:$0x8], $0x6400, $0x38;
	[tilespmem:$0x19800] =	vst v63  }
0xaa: {  	s1 =	sadd.s32 $0xC80, s1  }
0xab: {  	[hbm4b:s1+s2] =	stream.linear.scatter [tilespmem:s20], [sflag:$0x8], $0x6400, $0x38;
	[tilespmem:$0x19800] =	vst v63  }
0xac: {  	_ = 	snop  }
0xad: {  	[tilespmem:s4], [sflag:$0x2] =	stream.linear.gather [hbm4b:s8+s2], $0x190, $0x38;
	[tilespmem:$0x19800] =	vst v63  }
0xae: {  	_ =	swait.ge [sflag:s21], $0x190  }
0xaf: {  	[sflag:s21] =	ssyncset.done $0x0  }
0xb0: {  	[sflag:s21] =	ssyncadd.s32 $0xFFFFFE70  }
0xb1: {  	_ =	swait.ge [sflag:s22], $0x6400  }
0xb2: {  	[sflag:s22] =	ssyncset.done $0x0  }
0xb3: {  	[sflag:s22] =	ssyncadd.s32 $0xFFFF9C00  }
0xb4: {  	_ =	swait.ge [sflag:s22], $0x6400  }
0xb5: {  	[sflag:s22] =	ssyncset.done $0x0  }
0xb6: {  	[sflag:s22] =	ssyncadd.s32 $0xFFFF9C00  }
0xb7: {  	[tilespmem:s3], [sflag:$0x6] =	stream.indirect.gather [hbm4b:s28+s12], $0x80, s6, s12, $0xb8;
	[tilespmem:$0x19800] =	vst v63  }
0xb8: {  	s29 =	sadd.s32 $0xC8, s8;
	s30 =	sadd.s32 $0xC8, s9;
	_ =	swait.ge [sflag:s15], $0xC800  }
0xb9: {  	s7 =	smov.u32 s31;
	s26 =	rddreg [dreg:$0x2];
	[sflag:s15] =	ssyncset.done $0x0  }
0xba: {  	s24 =	simm.s32 $0x6400;
	[sflag:s15] =	ssyncadd.s32 $0xFFFF3800;
	s1 =	sadd.s32 $0x0, s26  }
0xbb: {  	[hbm4b:s1+s2] =	stream.linear.scatter [tilespmem:s13], [sflag:$0x7], $0x6400, $0x38;
	[tilespmem:$0x19800] =	vst v63  }
0xbc: {  	s25 =	sadd.s32 $0xC8, s10;
	s26 =	sadd.s32 $0xC8, s31;
	s1 =	sadd.s32 $0xC80, s1  }
0xbd: {  	[hbm4b:s1+s2] =	stream.linear.scatter [tilespmem:s16], [sflag:$0x7], $0x6400, $0x38;
	[tilespmem:$0x19800] =	vst v63  }
.LBB2_2:
0xbe: {  	[tilespmem:s5], [sflag:$0x3] =	stream.linear.gather [hbm4b:s7+s2], $0x190, $0x38;
	[tilespmem:$0x19800] =	vst v63  }
0xbf: {  	_ =	swait.ge [sflag:s11], $0x190  }
0xc0: {  	[sflag:s11] =	ssyncset.done $0x0  }
0xc1: {  	[sflag:s11] =	ssyncadd.s32 $0xFFFFFE70  }
0xc2: {  	_ =	swait.ge [sflag:s18], $0x6400  }
0xc3: {  	[sflag:s18] =	ssyncset.done $0x0  }
0xc4: {  	[sflag:s18] =	ssyncadd.s32 $0xFFFF9C00  }
0xc5: {  	_ =	swait.ge [sflag:s18], $0x6400  }
0xc6: {  	[sflag:s18] =	ssyncset.done $0x0  }
0xc7: {  	[sflag:s18] =	ssyncadd.s32 $0xFFFF9C00  }
0xc8: {  	[tilespmem:s13], [sflag:$0x5] =	stream.indirect.gather [hbm4b:s28+s12], $0x80, s2, s12, $0xb8;
	[tilespmem:$0x19800] =	vst v63  }
0xc9: {  	_ =	swait.ge [sflag:s19], $0xC800  }
0xca: {  	s1 =	smov.u32 s24;
	s0 =	rddreg [dreg:$0x4];
	[sflag:s19] =	ssyncset.done $0x0  }
0xcb: {  	[sflag:s19] =	ssyncadd.s32 $0xFFFF3800;
	s0 =	sadd.s32 s1, s0  }
0xcc: {  	[hbm4b:s0+s2] =	stream.linear.scatter [tilespmem:s3], [sflag:$0x8], $0x6400, $0x38;
	[tilespmem:$0x19800] =	vst v63  }
0xcd: {  	s0 =	sadd.s32 $0xC80, s0  }
0xce: {  	[hbm4b:s0+s2] =	stream.linear.scatter [tilespmem:s20], [sflag:$0x8], $0x6400, $0x38;
	[tilespmem:$0x19800] =	vst v63  }
0xcf: {  	_ = 	snop  }
0xd0: {  	[tilespmem:s6], [sflag:$0x4] =	stream.linear.gather [hbm4b:s25+s2], $0x190, $0x38;
	[tilespmem:$0x19800] =	vst v63  }
0xd1: {  	_ =	swait.ge [sflag:s14], $0x190  }
0xd2: {  	[sflag:s14] =	ssyncset.done $0x0  }
0xd3: {  	[sflag:s14] =	ssyncadd.s32 $0xFFFFFE70  }
0xd4: {  	_ =	swait.ge [sflag:s22], $0x6400  }
0xd5: {  	[sflag:s22] =	ssyncset.done $0x0  }
0xd6: {  	[sflag:s22] =	ssyncadd.s32 $0xFFFF9C00  }
0xd7: {  	_ =	swait.ge [sflag:s22], $0x6400  }
0xd8: {  	[sflag:s22] =	ssyncset.done $0x0  }
0xd9: {  	[sflag:s22] =	ssyncadd.s32 $0xFFFF9C00  }
0xda: {  	[tilespmem:s3], [sflag:$0x6] =	stream.indirect.gather [hbm4b:s28+s12], $0x80, s4, s12, $0xb8;
	[tilespmem:$0x19800] =	vst v63  }
0xdb: {  	_ =	swait.ge [sflag:s15], $0xC800  }
0xdc: {  	s0 =	rddreg [dreg:$0x5];
	[sflag:s15] =	ssyncset.done $0x0  }
0xdd: {  	[sflag:s15] =	ssyncadd.s32 $0xFFFF3800;
	s0 =	sadd.s32 s1, s0  }
0xde: {  	[hbm4b:s0+s2] =	stream.linear.scatter [tilespmem:s13], [sflag:$0x7], $0x6400, $0x38;
	[tilespmem:$0x19800] =	vst v63  }
0xdf: {  	s0 =	sadd.s32 $0xC80, s0  }
0xe0: {  	[hbm4b:s0+s2] =	stream.linear.scatter [tilespmem:s16], [sflag:$0x7], $0x6400, $0x38;
	[tilespmem:$0x19800] =	vst v63  }
0xe1: {  	_ = 	snop  }
0xe2: {  	[tilespmem:s2], [sflag:$0x1] =	stream.linear.gather [hbm4b:s30+s2], $0x190, $0x38;
	[tilespmem:$0x19800] =	vst v63  }
0xe3: {  	_ =	swait.ge [sflag:s17], $0x190  }
0xe4: {  	[sflag:s17] =	ssyncset.done $0x0  }
0xe5: {  	[sflag:s17] =	ssyncadd.s32 $0xFFFFFE70  }
0xe6: {  	_ =	swait.ge [sflag:s18], $0x6400  }
0xe7: {  	[sflag:s18] =	ssyncset.done $0x0  }
0xe8: {  	[sflag:s18] =	ssyncadd.s32 $0xFFFF9C00  }
0xe9: {  	_ =	swait.ge [sflag:s18], $0x6400  }
0xea: {  	[sflag:s18] =	ssyncset.done $0x0  }
0xeb: {  	[sflag:s18] =	ssyncadd.s32 $0xFFFF9C00  }
0xec: {  	[tilespmem:s13], [sflag:$0x5] =	stream.indirect.gather [hbm4b:s28+s12], $0x80, s5, s12, $0xb8;
	[tilespmem:$0x19800] =	vst v63  }
0xed: {  	_ =	swait.ge [sflag:s19], $0xC800  }
0xee: {  	s0 =	rddreg [dreg:$0x3];
	[sflag:s19] =	ssyncset.done $0x0  }
0xef: {  	[sflag:s19] =	ssyncadd.s32 $0xFFFF3800;
	s0 =	sadd.s32 s1, s0  }
0xf0: {  	[hbm4b:s0+s2] =	stream.linear.scatter [tilespmem:s3], [sflag:$0x8], $0x6400, $0x38;
	[tilespmem:$0x19800] =	vst v63  }
0xf1: {  	s0 =	sadd.s32 $0xC80, s0  }
0xf2: {  	[hbm4b:s0+s2] =	stream.linear.scatter [tilespmem:s20], [sflag:$0x8], $0x6400, $0x38;
	[tilespmem:$0x19800] =	vst v63  }
0xf3: {  	_ = 	snop  }
0xf4: {  	[tilespmem:s4], [sflag:$0x2] =	stream.linear.gather [hbm4b:s29+s2], $0x190, $0x38;
	[tilespmem:$0x19800] =	vst v63  }
0xf5: {  	_ =	swait.ge [sflag:s21], $0x190  }
0xf6: {  	[sflag:s21] =	ssyncset.done $0x0  }
0xf7: {  	[sflag:s21] =	ssyncadd.s32 $0xFFFFFE70  }
0xf8: {  	_ =	swait.ge [sflag:s22], $0x6400  }
0xf9: {  	[sflag:s22] =	ssyncset.done $0x0  }
0xfa: {  	[sflag:s22] =	ssyncadd.s32 $0xFFFF9C00  }
0xfb: {  	_ =	swait.ge [sflag:s22], $0x6400  }
0xfc: {  	[sflag:s22] =	ssyncset.done $0x0  }
0xfd: {  	s7 =	smov.u32 s26;
	p0 =	sne.s32 s24, $0x17D400;
	[sflag:s22] =	ssyncadd.s32 $0xFFFF9C00  }
0xfe: {  	[tilespmem:s3], [sflag:$0x6] =	stream.indirect.gather [hbm4b:s28+s12], $0x80, s6, s12, $0xb8;
	[tilespmem:$0x19800] =	vst v63  }
0xff: {  	s24 =	sadd.s32 $0x6400, s24;
	s26 =	sadd.s32 $0xC8, s26;
	_ =	swait.ge [sflag:s15], $0xC800  }
.Ltmp0:
0x100: {  	s0 =	rddreg [dreg:$0x2];
	[sflag:s15] =	ssyncset.done $0x0;
	(pc) =	sbr.rel @p0 .LBB2_2-.Ltmp0, $4  }
0x101: {  	s25 =	sadd.s32 $0xC8, s25;
	[sflag:s15] =	ssyncadd.s32 $0xFFFF3800;
	s0 =	sadd.s32 s1, s0  }
0x102: {  	[hbm4b:s0+s2] =	stream.linear.scatter [tilespmem:s13], [sflag:$0x7], $0x6400, $0x38;
	[tilespmem:$0x19800] =	vst v63  }
0x103: {  	s30 =	sadd.s32 $0xC8, s30;
	s29 =	sadd.s32 $0xC8, s29;
	s0 =	sadd.s32 $0xC80, s0  }
0x104: {  	[hbm4b:s0+s2] =	stream.linear.scatter [tilespmem:s16], [sflag:$0x7], $0x6400, $0x38;
	[tilespmem:$0x19800] =	vst v63  }
0x105: {  	[tilespmem:s5], [sflag:$0x3] =	stream.linear.gather [hbm4b:s7+s2], $0x190, $0x38;
	[tilespmem:$0x19800] =	vst v63  }
0x106: {  	_ =	swait.ge [sflag:s11], $0x190  }
0x107: {  	[sflag:s11] =	ssyncset.done $0x0  }
0x108: {  	[sflag:s11] =	ssyncadd.s32 $0xFFFFFE70  }
0x109: {  	_ =	swait.ge [sflag:s18], $0x6400  }
0x10a: {  	[sflag:s18] =	ssyncset.done $0x0  }
0x10b: {  	[sflag:s18] =	ssyncadd.s32 $0xFFFF9C00  }
0x10c: {  	_ =	swait.ge [sflag:s18], $0x6400  }
0x10d: {  	[sflag:s18] =	ssyncset.done $0x0  }
0x10e: {  	[sflag:s18] =	ssyncadd.s32 $0xFFFF9C00  }
0x10f: {  	[tilespmem:s13], [sflag:$0x5] =	stream.indirect.gather [hbm4b:s28+s12], $0x80, s2, s12, $0xb8;
	[tilespmem:$0x19800] =	vst v63  }
0x110: {  	_ =	swait.ge [sflag:s19], $0xC800  }
0x111: {  	[sflag:s19] =	ssyncset.done $0x0  }
0x112: {  	s0 =	rddreg [dreg:$0x15];
	[sflag:s19] =	ssyncadd.s32 $0xFFFF3800  }
0x113: {  	[hbm4b:s0+s2] =	stream.linear.scatter [tilespmem:s3], [sflag:$0x8], $0x6400, $0x38;
	[tilespmem:$0x19800] =	vst v63  }
0x114: {  	s25 =	rddreg [dreg:$0xc]  }
0x115: {  	[hbm4b:s25+s2] =	stream.linear.scatter [tilespmem:s20], [sflag:$0x8], $0x6400, $0x38;
	[tilespmem:$0x19800] =	vst v63  }
0x116: {  	s26 =	rddreg [dreg:$0x9]  }
0x117: {  	[tilespmem:s6], [sflag:$0x4] =	stream.linear.gather [hbm4b:s26+s2], $0x190, $0x38;
	[tilespmem:$0x19800] =	vst v63  }
0x118: {  	_ =	swait.ge [sflag:s14], $0x190  }
0x119: {  	[sflag:s14] =	ssyncset.done $0x0  }
0x11a: {  	[sflag:s14] =	ssyncadd.s32 $0xFFFFFE70  }
0x11b: {  	_ =	swait.ge [sflag:s22], $0x6400  }
0x11c: {  	[sflag:s22] =	ssyncset.done $0x0  }
0x11d: {  	[sflag:s22] =	ssyncadd.s32 $0xFFFF9C00  }
0x11e: {  	_ =	swait.ge [sflag:s22], $0x6400  }
0x11f: {  	[sflag:s22] =	ssyncset.done $0x0  }
0x120: {  	[sflag:s22] =	ssyncadd.s32 $0xFFFF9C00  }
0x121: {  	[tilespmem:s3], [sflag:$0x6] =	stream.indirect.gather [hbm4b:s28+s12], $0x80, s4, s12, $0xb8;
	[tilespmem:$0x19800] =	vst v63  }
0x122: {  	_ =	swait.ge [sflag:s15], $0xC800  }
0x123: {  	[sflag:s15] =	ssyncset.done $0x0  }
0x124: {  	s29 =	rddreg [dreg:$0x16];
	[sflag:s15] =	ssyncadd.s32 $0xFFFF3800  }
0x125: {  	[hbm4b:s29+s2] =	stream.linear.scatter [tilespmem:s13], [sflag:$0x7], $0x6400, $0x38;
	[tilespmem:$0x19800] =	vst v63  }
0x126: {  	s30 =	rddreg [dreg:$0xd]  }
0x127: {  	[hbm4b:s30+s2] =	stream.linear.scatter [tilespmem:s16], [sflag:$0x7], $0x6400, $0x38;
	[tilespmem:$0x19800] =	vst v63  }
0x128: {  	_ =	swait.ge [sflag:s17], $0x190  }
0x129: {  	[sflag:s17] =	ssyncset.done $0x0  }
0x12a: {  	[sflag:s17] =	ssyncadd.s32 $0xFFFFFE70  }
0x12b: {  	_ =	swait.ge [sflag:s18], $0x6400  }
0x12c: {  	[sflag:s18] =	ssyncset.done $0x0  }
0x12d: {  	[sflag:s18] =	ssyncadd.s32 $0xFFFF9C00  }
0x12e: {  	_ =	swait.ge [sflag:s18], $0x6400  }
0x12f: {  	[sflag:s18] =	ssyncset.done $0x0  }
0x130: {  	[sflag:s18] =	ssyncadd.s32 $0xFFFF9C00  }
0x131: {  	[tilespmem:s13], [sflag:$0x5] =	stream.indirect.gather [hbm4b:s28+s12], $0x80, s5, s12, $0xb8;
	[tilespmem:$0x19800] =	vst v63  }
0x132: {  	_ =	swait.ge [sflag:s19], $0xC800  }
0x133: {  	[sflag:s19] =	ssyncset.done $0x0  }
0x134: {  	s1 =	rddreg [dreg:$0x17];
	[sflag:s19] =	ssyncadd.s32 $0xFFFF3800  }
0x135: {  	[hbm4b:s1+s2] =	stream.linear.scatter [tilespmem:s3], [sflag:$0x8], $0x6400, $0x38;
	[tilespmem:$0x19800] =	vst v63  }
0x136: {  	s7 =	rddreg [dreg:$0xe]  }
0x137: {  	[hbm4b:s7+s2] =	stream.linear.scatter [tilespmem:s20], [sflag:$0x8], $0x6400, $0x38;
	[tilespmem:$0x19800] =	vst v63  }
0x138: {  	_ =	swait.ge [sflag:s21], $0x190  }
0x139: {  	[sflag:s21] =	ssyncset.done $0x0  }
0x13a: {  	[sflag:s21] =	ssyncadd.s32 $0xFFFFFE70  }
0x13b: {  	_ =	swait.ge [sflag:s22], $0x6400  }
0x13c: {  	[sflag:s22] =	ssyncset.done $0x0  }
0x13d: {  	[sflag:s22] =	ssyncadd.s32 $0xFFFF9C00  }
0x13e: {  	_ =	swait.ge [sflag:s22], $0x6400  }
0x13f: {  	[sflag:s22] =	ssyncset.done $0x0  }
0x140: {  	[sflag:s22] =	ssyncadd.s32 $0xFFFF9C00  }
0x141: {  	[tilespmem:s3], [sflag:$0x6] =	stream.indirect.gather [hbm4b:s28+s12], $0x80, s6, s12, $0xb8;
	[tilespmem:$0x19800] =	vst v63  }
0x142: {  	_ =	swait.ge [sflag:s15], $0xC800  }
0x143: {  	[sflag:s15] =	ssyncset.done $0x0  }
0x144: {  	s24 =	rddreg [dreg:$0x18];
	[sflag:s15] =	ssyncadd.s32 $0xFFFF3800  }
0x145: {  	[hbm4b:s24+s2] =	stream.linear.scatter [tilespmem:s13], [sflag:$0x7], $0x6400, $0x38;
	[tilespmem:$0x19800] =	vst v63  }
0x146: {  	s25 =	rddreg [dreg:$0xf]  }
0x147: {  	[hbm4b:s25+s2] =	stream.linear.scatter [tilespmem:s16], [sflag:$0x7], $0x6400, $0x38;
	[tilespmem:$0x19800] =	vst v63  }
0x148: {  	_ =	swait.ge [sflag:s19], $0xC800  }
0x149: {  	[sflag:s19] =	ssyncset.done $0x0  }
0x14a: {  	s26 =	rddreg [dreg:$0x19];
	[sflag:s19] =	ssyncadd.s32 $0xFFFF3800  }
0x14b: {  	[hbm4b:s26+s2] =	stream.linear.scatter [tilespmem:s3], [sflag:$0x8], $0x6400, $0x38;
	[tilespmem:$0x19800] =	vst v63  }
0x14c: {  	s29 =	rddreg [dreg:$0x10]  }
0x14d: {  	[hbm4b:s29+s2] =	stream.linear.scatter [tilespmem:s20], [sflag:$0x8], $0x6400, $0x38;
	[tilespmem:$0x19800] =	vst v63  }
0x14e: {  	_ =	swait.ge [sflag:s18], $0x6400  }
0x14f: {  	[sflag:s18] =	ssyncset.done $0x0  }
0x150: {  	[sflag:s18] =	ssyncadd.s32 $0xFFFF9C00  }
0x151: {  	_ =	swait.ge [sflag:s18], $0x6400  }
0x152: {  	[sflag:s18] =	ssyncset.done $0x0  }
0x153: {  	[sflag:s18] =	ssyncadd.s32 $0xFFFF9C00  }
0x154: {  	_ =	swait.ge [sflag:s22], $0x6400  }
0x155: {  	[sflag:s22] =	ssyncset.done $0x0  }
0x156: {  	[sflag:s22] =	ssyncadd.s32 $0xFFFF9C00  }
0x157: {  	_ =	swait.ge [sflag:s22], $0x6400  }
0x158: {  	s23 =	sadd.s32 $0x1, s23;
	s30 =	rddreg [dreg:$0x1a]  }
0x159: {  	p0 =	sne.s32 s23, s30  }
.Ltmp1:
0x15a: {  	_ = 	snop;
	(pc) =	sbr.rel @p0 .LBB2_1-.Ltmp1, $3  }
0x15b: {  	_ =	sdelay $0x1  }
0x15c: {  	[sflag:s22] =	ssyncset.done $0x0  }
0x15d: {  	[sflag:s22] =	ssyncadd.s32 $0xFFFF9C00  }
0x15e: {  	_ =	sfence.sel $0x180000  }
0x15f: {  	[bflag:$0x0] =	sbarrier.arrive $0xFFFF  }
0x160: {  	_ =	strace $0x90000047  }
0x161: {  	s0 =	stileid.u32;
	[bflag:$0x2] =	sbarrier.arrive $0xFFFF  }
0x162: {  	p0 =	sne.s32 s0, $0x0;
	s0 =	rddreg [dreg:$0x1]  }
0x163: {  	s0 =	sadd.s32 @!p0 $0x100000, s0  }
0x164: {  	[sflag:s0] =	ssyncadd.tile.s32 @!p0 $0x1;
	_ =	shalt  }
.Lfunc_end2:
_tile_overlayer_lowered:
.L_overlay_start_2:
0x165: {  	(tag) =	ssettag $0x2  }
0x166: {  	s0 =	rddreg [dreg:$0x0];
	s2 =	stileid.u32  }
0x167: {  	s1 =	rddreg [dreg:$0x1];
	p0 =	sne.s32 s2, $0x0  }
0x168: {  	s3 =	rddreg [dreg:$0x2];
	[bflag:$0x3] =	sbarrier.arrive $0xFFFF;
	s2 =	simm.s32 @!p0 $0x1C09  }
0x169: {  	[timem:s3], [sflag:s2] =	dma.local @!p0 [hbm:s0], s1  }
0x16a: {  	s0 =	simm.s32 @!p0 $0x9  }
0x16b: {  	_ =	swait.ge @!p0 [sflag:s0], s1  }
0x16c: {  	s1 =	ssub.s32 @!p0 $0x0, s1;
	[sflag:s0] =	ssyncset.done @!p0 $0x0  }
0x16d: {  	[sflag:s0] =	ssyncadd.s32 @!p0 s1  }
0x16e: {  	[bflag:$0x3] =	sbarrier.arrive $0xFFFF  }
0x16f: {  	_ =	shalt  }

// kernel: sparse-core-data-format-call.cloned.1.call-start
scs
called_computation_lowered:
.L_overlay_start_0:
0x0: {  	s2 =	sld [smem:$0x3FD9]  }
0x1: {  	s3 =	sld [smem:$0x3FFE];
	_ =	sdelay $0x1  }
0x2: {  	s1 =	srdreg.scid  }
0x3: {  	s0 =	sand.u32 $0x1, s1  }
0x4: {  	s18 =	sshll.u32 s0, $0xA;
	s2 =	sadd.s32 s3, s2  }
0x5: {  	s2 =	sadd.s32 s2, s18  }
0x6: {  	[smem:$0x3FC6] =	sst s2  }
0x7: {  	_ = 	snop  }
0x8: {  	s2 =	sld [smem:$0x3FD0];
	(tm) =	ssettm $0x1  }
0x9: {  	s19 =	sld [smem:$0x3FFB];
	_ =	sdelay $0x3  }
0xa: {  	_ =	strace s19  }
0xb: {  	s3 =	sld [smem:$0x3FFC];
	_ =	sdelay $0x3  }
0xc: {  	_ =	strace s3  }
0xd: {  	s3 =	sld [smem:$0x3FFD];
	_ =	sdelay $0x3  }
0xe: {  	_ =	strace s3  }
0xf: {  	_ =	strace $0x8FFFFFFF  }
0x10: {  	s20 =	sld [smem:$0x3FDB];
	_ =	sdelay $0x1  }
0x11: {  	s4 =	simm.s32 $_scs_section_size  }
0x12: {  	s5 =	simm.s32 $_size__tile_overlayer_lowered;
	s6 =	simm.s32 $_tile_overlayer_lowered  }
0x13: {  	s23 =	simm.s32 $0x1BFF;
	s22 =	sshll.u32 s6, $0x1;
	s3 =	sadd.s32 s4, s20  }
0x14: {  	s7 =	simm.s32 $0x0;
	s21 =	sshll.u32 s5, $0x1;
	s5 =	sadd.s32 s22, s3  }
0x15: {  	[timem:s7], [sflag:s23] =	dma.local [hbm:s5], s21  }
0x16: {  	_ =	swait.ge [sflag:s23], s21  }
0x17: {  	s4 =	ssub.s32 $0x0, s21;
	[sflag:s23] =	ssyncset.done $0x0  }
0x18: {  	[sflag:s23] =	ssyncadd.s32 s4;
	_ =	sdelay $0x1  }
0x19: {  	s24 =	simm.s32 $0x1B8B  }
0x1a: {  	_ =	swait.ge [sflag:s24], $0x1  }
0x1b: {  	[sflag:s24] =	ssyncset.done $0x0  }
0x1c: {  	s26 =	simm.s32 $0x1B8E;
	s25 =	sld [smem:$0x3FFE];
	[sflag:s24] =	ssyncadd.s32 $0xFFFFFFFF  }
0x1d: {  	s27 =	simm.s32 $execute0_lowered;
	[smem:$0x3FD2] =	sst s26  }
0x1e: {  	s5 =	sshll.u32 s27, $0x1;
	_ =	strace $0x80000049;
	[dreg:$0x1] =	wrdreg $0xFFFFFFFF  }
0x1f: {  	s28 =	simm.s32 $_size_execute0_lowered;
	s3 =	sadd.s32 s3, s5;
	[dreg:$0x0] =	wrdreg $0x0  }
0x20: {  	s5 =	sshll.u32 s28, $0x1;
	[dreg:$0x2] =	wrdreg s3  }
0x21: {  	[dreg:$0x3] =	wrdreg s5  }
0x22: {  	[dreg:$0x4] =	wrdreg $0xC0  }
0x23: {  	_ =	task [dreg:s7], $0x5FFFF  }
0x24: {  	[dreg:$0x1] =	wrdreg $0xFFFFFFFF  }
0x25: {  	[dreg:$0x0] =	wrdreg $0x60  }
0x26: {  	[dreg:$0x2] =	wrdreg s25  }
0x27: {  	[dreg:$0x3] =	wrdreg s2  }
0x28: {  	[dreg:$0x4] =	wrdreg $0x9  }
0x29: {  	_ =	task.clear_ibuf [dreg:s7], $0x5FFFF;
	_ =	strace $0x90000049  }
0x2a: {  	s29 =	simm.s32 $0x9;
	_ =	strace $0x8000004B  }
0x2b: {  	_ =	swait.ge [sflag:s29], $0x1  }
0x2c: {  	[sflag:s29] =	ssyncadd.s32 $0xFFFFFFFF  }
0x2d: {  	_ =	strace $0x9000004B  }
0x2e: {  	_ =	sfence  }
0x2f: {  	s30 =	sld [smem:$0x0];
	_ =	sdelay $0x2  }
0x30: {  	s31 =	sshll.u32 s1, $0xD;
	s1 =	sshrl.u32 s1, $0x2  }
0x31: {  	s3 =	sand.u32 $0x4000, s31;
	s1 =	sadd.s32 s1, s30  }
0x32: {  	s0 =	sor.u32 s3, s0;
	s1 =	sshll.u32 s1, $0x11  }
0x33: {  	s0 =	sor.u32 s1, s0  }
0x34: {  	s0 =	sadd.s32 $0x8F2B, s0  }
0x35: {  	[sflag:s0] =	ssyncadd.remote.s32 $0x1  }
0x36: {  	_ =	sfence.sel $0xFFFF  }
0x37: {  	[dreg:$0x0] =	wrdreg $0xFFFFFFFF;
	(pc) =	sbr.abs _section_cstart, $3  }
0x38: {  	[dreg:$0x1] =	wrdreg $0xFFFFFFFF  }
0x39: {  	_ =	task.clear_ibuf [dreg:s7], $0x2FFFF;
	_ =	strace $0x9FFFFFFF  }
0x3a: {  	(tm) =	ssettm $0x7FFFFFFF  }
0x3b: {  	_ =	shalt  }
tec
execute0_lowered:
.L_overlay_start_1:
0x0: {  	(tag) =	ssettag $0x1  }
0x1: {  	s0 =	srdreg.scid  }
0x2: {  	s1 =	sshll.u32 s0, $0x4  }
0x3: {  	s0 =	stileid.u32;
	s1 =	sand.u32 $0x10, s1  }
0x4: {  	s1 =	sor.u32 s0, s1  }
0x5: {  	s6 =	rddreg [dreg:$0x0];
	s4 =	simm.s32 $0x1;
	s2 =	sshll.u32 s1, $0x7  }
0x6: {  	s7 =	simm.s32 $0x2;
	s12 =	simm.s32 $0x0;
	s1 =	ssub.s32 $0x4000, s2  }
0x7: {  	s8 =	simm.s32 $0x20000;
	s13 =	simm.s32 $0x0;
	s3 =	sand.u32 $0xF80, s1  }
0x8: {  	s9 =	simm.s32 $0x0;
	s5 =	sshrl.u32 s1, $0xC;
	p0 =	sne.s32 s3, $0x0  }
.Ltmp0:
0x9: {  	s1 =	rddreg [dreg:$0x2];
	s4 =	simm.s32 @!p0 $0x0;
	(pc) =	sbr.rel .LBB1_1-.Ltmp0, $4  }
0xa: {  	s11 =	simm.s32 $0x0;
	s3 =	rddreg [dreg:$0x1];
	s5 =	sadd.s32 s4, s5  }
0xb: {  	_ =	strace $0x8000004A;
	s4 =	simm.s32 $0x1;
	s5 =	smul.u32 $0xC8, s5  }
0xc: {  	s6 =	sadd.s32 $0xFA6C00, s6;
	s10 =	smov.u32 s2;
	[sflag:s4] =	ssyncpa.u1 $0x0  }
0xd: {  	p0 =	por $0x0, $0x0;
	[sflag:s7] =	ssyncpa.u1 $0x0;
	s7 =	sor.u32 $0x1, s5  }
.LBB1_4:
0xe: {  	s16 =	sshll.u32 s13, $0x3;
	s17 =	sand.u32 $0x78, s13  }
0xf: {  	s30 =	sand.u32 $0x1F800, s13;
	s12 =	sshll.u32 s12, $0x11;
	s16 =	sand.u32 $0x3C00, s16  }
0x10: {  	[tilespmem:s15+$0x810 ss:$0x81] =	vst.msk $0xffff, v2;
	s31 =	sand.u32 $0x7, s13;
	s16 =	sor.u32 s17, s16;
	s17 =	sadd.s32 s3, s30  }
0x11: {  	[tilespmem:s15+$0x1020 ss:$0x81] =	vst.msk $0xffff, v0;
	s13 =	sshll.u32 s31, $0x12;
	s12 =	sadd.s32 s12, s17;
	s16 =	sshrl.u32 s16, $0x3  }
0x12: {  	[tilespmem:s15+$0x0 ss:$0x81] =	vst.msk $0xffff, v1;
	s13 =	sor.u32 $0x400, s13;
	s12 =	sadd.s32 s16, s12  }
0x13: {  	[hbm4b:s12+s13] =	stream.strided.scatter [tilespmem:s14], [sflag:$0x2], $0x2000, s8, s13, $0x20;
	[tilespmem:$0x8080] =	vst v63  }
.LBB1_5:
0x14: {  	s14 =	sadd.s32 $0x1, s9  }
0x15: {  	s12 =	sadd.s32 $0x1000, s10;
	s16 =	smov.u32 s10;
	p2 =	sgt.s32 s14, $0xC7  }
0x16: {  	s16 =	smov.u32 @p2 s12  }
0x17: {  	s14 =	simm.s32 @p2 $0x0;
	p2 =	sgt.s32 s16, $0x3FFF  }
0x18: {  	s16 =	smov.u32 @p2 s2;
	p2 =	sne.s32 s11, s7  }
.Ltmp1:
0x19: {  	p1 =	slt.u32 s11, $0x2;
	(pc) =	sbr.rel @!p2 .LBB1_6-.Ltmp1, $4  }
0x1a: {  	s15 =	simm.s32 @!p1 $0x2  }
0x1b: {  	s13 =	smov.u32 s10;
	p0 =	por !p0, !p0;
	_ =	swait.ge @!p1 [sflag:s15], $0x2000  }
0x1c: {  	s12 =	smov.u32 s9;
	[sflag:s15] =	ssyncset.done @!p1 $0x0;
	s9 =	smov.u32 s14  }
0x1d: {  	s11 =	sadd.s32 $0x1, s11;
	[sflag:s15] =	ssyncadd.s32 @!p1 $0xFFFFE000;
	s10 =	smov.u32 s16  }
.LBB1_1:
0x1e: {  	p1 =	sge.u32 s11, s5  }
0x1f: {  	s14 =	sand.u32 @!p1 $0x1FFFFFF, s9  }
0x20: {  	s15 =	smulhi.u32 @!p1 $0x147AE15, s14;
	_ =	sdelay $0x1  }
0x21: {  	s15 =	smul.u32 @!p1 $0xC8, s15  }
0x22: {  	s16 =	sxor.u32 @!p1 $0xFFFFFFFF, s11;
	s17 =	smul.u32 @!p1 $0xC80, s10  }
0x23: {  	s31 =	sadd.s32 $0xFFFFFFFF, s11;
	s16 =	sshll.u32 @!p1 s16, $0xD;
	s14 =	ssub.s32 @!p1 s14, s15  }
0x24: {  	s15 =	sand.u32 @!p1 $0x2000, s16;
	s16 =	sadd.s32 @!p1 s6, s17;
	s14 =	sshll.u32 @!p1 s14, $0x4  }
0x25: {  	s17 =	simm.s32 @!p1 $0x6400;
	s14 =	sadd.s32 @!p1 s14, s16;
	s16 =	simm.s32 @!p1 $0x40  }
0x26: {  	[tilespmem:s15], [sflag:$0x1] =	stream.strided.gather @!p1 [hbm4b:s14+s16], $0x2000, s17, s16, $0x38;
	[tilespmem:$0x8080] =	vst v63  }
0x27: {  	p1 =	sge.u32 s31, s5  }
.Ltmp2:
0x28: {  	_ = 	snop;
	(pc) =	sbr.rel @p1 .LBB1_5-.Ltmp2, $1  }
0x29: {  	_ =	sdelay $0x3  }
0x2a: {  	s14 =	simm.s32 $0x1  }
0x2b: {  	_ =	swait.ge [sflag:s4], $0x2000;
	s14 =	simm.s32 @!p0 $0x0  }
0x2c: {  	[sflag:s4] =	ssyncset.done $0x0;
	s15 =	sshll.u32 s14, $0xD  }
0x2d: {  	[sflag:s4] =	ssyncadd.s32 $0xFFFFE000;
	s18 =	sor.u32 $0x20, s15  }
0x2e: {  	s14 =	smul.u32 $0x8100, s14;
	v3 =	vld [tilespmem:s18+$0x10]  }
0x2f: {  	s30 =	sand.u32 $0x1, s11;
	v2 =	vld [tilespmem:s18+$0xFFFFFFF0]  }
0x30: {  	s15 =	smul.u32 $0x8100, s30;
	s14 =	sshrl.u32 s14, $0x2;
	v0 =	vld [tilespmem:s18+$0x0]  }
0x31: {  	v1 =	vld [tilespmem:s18+$0xFFFFFFE0];
	s16 =	sor.u32 $0x4000, s14  }
0x32: {  	s31 =	sshrl.u32 s15, $0x2;
	s15 =	sadd.s32 $0x0, s16  }
0x33: {  	s17 =	simm.s32 $0x4;
	s18 =	sadd.s32 $0x40, s18;
	s14 =	sor.u32 $0x4000, s31;
	[tilespmem:s15+$0x1830 ss:$0x81] =	vst.msk $0xffff, v3  }
.LBB1_3:
0x34: {  	v3 =	vld [tilespmem:s18+$0x10];
	p1 =	sne.s32 s17, $0x1FC;
	[tilespmem:s15+$0x810 ss:$0x81] =	vst.msk $0xffff, v2;
	s19 =	smov.u32 s17;
	s17 =	sadd.s32 $0x4, s17  }
.Ltmp3:
0x35: {  	v2 =	vld [tilespmem:s18+$0xFFFFFFF0];
	[tilespmem:s15+$0x1020 ss:$0x81] =	vst.msk $0xffff, v0;
	(pc) =	sbr.rel @p1 .LBB1_3-.Ltmp3, $4  }
0x36: {  	v0 =	vld [tilespmem:s18+$0x0];
	[tilespmem:s15+$0x0 ss:$0x81] =	vst.msk $0xffff, v1  }
0x37: {  	s15 =	sshra.s32 s19, $0x2;
	v1 =	vld [tilespmem:s18+$0xFFFFFFE0]  }
0x38: {  	s15 =	sadd.s32 s15, s16  }
0x39: {  	s18 =	sadd.s32 $0x40, s18;
	[tilespmem:s15+$0x1830 ss:$0x81] =	vst.msk $0xffff, v3  }
.Ltmp4:
0x3a: {  	_ = 	snop;
	(pc) =	sbr.rel .LBB1_4-.Ltmp4, $1  }
0x3b: {  	_ =	sdelay $0x3  }
.LBB1_6:
0x3c: {  	_ =	sfence.sel $0x180000  }
0x3d: {  	s2 =	simm.s32 $0x1;
	[bflag:$0x0] =	sbarrier.arrive $0xFFFF  }
0x3e: {  	s31 =	simm.s32 $0x2;
	[sflag:s2] =	ssyncpa.u1 $0x1  }
0x3f: {  	[sflag:s31] =	ssyncpa.u1 $0x1  }
0x40: {  	p0 =	sne.s32 s0, $0x0;
	_ =	strace $0x9000004A  }
0x41: {  	s0 =	sadd.s32 @!p0 $0x100000, s1;
	[bflag:$0x2] =	sbarrier.arrive $0xFFFF  }
0x42: {  	[sflag:s0] =	ssyncadd.tile.s32 @!p0 $0x1;
	_ =	shalt  }
.Lfunc_end1:
_tile_overlayer_lowered:
.L_overlay_start_2:
0x43: {  	(tag) =	ssettag $0x2  }
0x44: {  	s0 =	rddreg [dreg:$0x0];
	s2 =	stileid.u32  }
0x45: {  	s1 =	rddreg [dreg:$0x1];
	p0 =	sne.s32 s2, $0x0  }
0x46: {  	s3 =	rddreg [dreg:$0x2];
	[bflag:$0x3] =	sbarrier.arrive $0xFFFF;
	s2 =	simm.s32 @!p0 $0x1C01  }
0x47: {  	[timem:s3], [sflag:s2] =	dma.local @!p0 [hbm:s0], s1  }
0x48: {  	s0 =	simm.s32 @!p0 $0x1  }
0x49: {  	_ =	swait.ge @!p0 [sflag:s0], s1  }
0x4a: {  	s1 =	ssub.s32 @!p0 $0x0, s1;
	[sflag:s0] =	ssyncset.done @!p0 $0x0  }
0x4b: {  	[sflag:s0] =	ssyncadd.s32 @!p0 s1  }
0x4c: {  	[bflag:$0x3] =	sbarrier.arrive $0xFFFF  }
0x4d: {  	_ =	shalt  }

</sc_bundles>
